<compile_context>
chip_gen: v7x
topology: tpu7x:2x2x1
jax: 0.10.2.dev20260603
libtpu: 0.0.44.dev20260713+nightly
codegen_flags: <defaults>
</compile_context>

<pallas_src>
import functools

import jax
import jax.numpy as jnp
from jax import lax
from jax.experimental import pallas as pl
from jax.experimental.pallas import tpu as pltpu
from jax.experimental.pallas import tpu_sc as plsc

N_NODES = 10000
NPAD = 10240
D_FEAT = 128
N_EDGES = 320000
NW = 32
CH_T = 80
E_PAD = NW * CH_T * 128
PAD_ROW = NPAD - 1
ROWS_T = NPAD // 16

_mesh = plsc.VectorSubcoreMesh(core_axis_name="c", subcore_axis_name="s")


def _deg_body(dst_hbm, ones_hbm, zeros_hbm, out_hbm, idx_v, ones_v, zer_v, deg_sh):
    c = lax.axis_index("c")
    s = lax.axis_index("s")
    wid = s * 2 + c
    pltpu.sync_copy(ones_hbm, ones_v)
    pltpu.sync_copy(zeros_hbm, zer_v)
    pltpu.sync_copy(zer_v, deg_sh.at[pl.ds(s * ROWS_T, ROWS_T)])
    pltpu.sync_copy(dst_hbm.at[wid], idx_v)
    plsc.subcore_barrier()

    def body(j, carry):
        pltpu.sync_copy(ones_v, deg_sh.at[idx_v.at[j]], add=True)
        return carry

    lax.fori_loop(0, CH_T, body, 0)
    plsc.subcore_barrier()
    pltpu.sync_copy(deg_sh.at[pl.ds(s * ROWS_T, ROWS_T)],
                    out_hbm.at[c, pl.ds(s * ROWS_T, ROWS_T)])


def _deg_sc(dstp, ones1, zeros1):
    return pl.kernel(
        _deg_body,
        out_type=jax.ShapeDtypeStruct((2, NPAD), jnp.float32),
        mesh=_mesh,
        scratch_types=[
            pltpu.VMEM((CH_T, 128), jnp.int32),
            pltpu.VMEM((128,), jnp.float32),
            pltpu.VMEM((ROWS_T,), jnp.float32),
            pltpu.VMEM_SHARED((NPAD,), jnp.float32),
        ],
    )(dstp, ones1, zeros1)


NB = 2
NGRP = 2
K_C0 = 20
K_C1 = 20
KMAX = 20


def _edge_loop(src_hbm, dst_hbm, h_hbm, agg_sh,
               sidx, didx, rows, gsem, ssem, s, k):
    def group(g, carry):
        for b in range(NB):
            pltpu.sync_copy(src_hbm.at[s, b, g], sidx[b].at[pl.ds(0, k)])
            pltpu.sync_copy(dst_hbm.at[s, b, g], didx[b].at[pl.ds(0, k)])
            pltpu.async_copy(h_hbm.at[sidx[b].at[0]], rows[b], gsem[b])

        def body(i, carry2):
            scat = []
            for b in range(NB):
                pltpu.make_async_copy(h_hbm.at[sidx[b].at[i]], rows[b],
                                      gsem[b]).wait()
                scat.append(pltpu.async_copy(rows[b],
                                             agg_sh.at[didx[b].at[i]],
                                             ssem[b], add=True))
            for b in range(NB):
                scat[b].wait()
                jn = jnp.minimum(i + 1, k - 1)
                pltpu.async_copy(h_hbm.at[sidx[b].at[jn]], rows[b], gsem[b])
            return carry2

        lax.fori_loop(0, k, body, 0)
        for b in range(NB):
            pltpu.make_async_copy(h_hbm.at[sidx[b].at[k - 1]], rows[b],
                                  gsem[b]).wait()
        return carry

    lax.fori_loop(0, NGRP, group, 0)


def _agg_body(src0_hbm, dst0_hbm, src1_hbm, dst1_hbm, h_hbm, zeros_hbm,
              out_hbm, sidx0, sidx1, didx0, didx1, rows0, rows1, agg_sh,
              gsem0, gsem1, ssem0, ssem1):
    c = lax.axis_index("c")
    s = lax.axis_index("s")
    sidx = (sidx0, sidx1)
    didx = (didx0, didx1)
    rows = (rows0, rows1)
    gsem = (gsem0, gsem1)
    ssem = (ssem0, ssem1)
    pltpu.sync_copy(zeros_hbm, agg_sh.at[pl.ds(s * ROWS_T, ROWS_T)])
    plsc.subcore_barrier()

    @pl.when(c == 0)
    def _():
        _edge_loop(src0_hbm, dst0_hbm, h_hbm, agg_sh,
                   sidx, didx, rows, gsem, ssem, s, K_C0)

    @pl.when(c == 1)
    def _():
        _edge_loop(src1_hbm, dst1_hbm, h_hbm, agg_sh,
                   sidx, didx, rows, gsem, ssem, s, K_C1)

    plsc.subcore_barrier()
    pltpu.sync_copy(agg_sh.at[pl.ds(s * ROWS_T, ROWS_T)],
                    out_hbm.at[c, pl.ds(s * ROWS_T, ROWS_T)])


def _agg_sc(src0, dst0, src1, dst1, h, zeros2):
    return pl.kernel(
        _agg_body,
        out_type=jax.ShapeDtypeStruct((2, NPAD, D_FEAT), jnp.float32),
        mesh=_mesh,
        scratch_types=[
            pltpu.VMEM((KMAX, 128), jnp.int32),
            pltpu.VMEM((KMAX, 128), jnp.int32),
            pltpu.VMEM((KMAX, 128), jnp.int32),
            pltpu.VMEM((KMAX, 128), jnp.int32),
            pltpu.VMEM((128, D_FEAT), jnp.float32),
            pltpu.VMEM((128, D_FEAT), jnp.float32),
            pltpu.VMEM_SHARED((NPAD, D_FEAT), jnp.float32),
            pltpu.SemaphoreType.DMA,
            pltpu.SemaphoreType.DMA,
            pltpu.SemaphoreType.DMA,
            pltpu.SemaphoreType.DMA,
        ],
    )(src0, dst0, src1, dst1, h, zeros2)


def _stage1_body(x_ref, degp_ref, w_ref, h_ref, dinv_ref):
    deg = jnp.sum(degp_ref[...], axis=1, keepdims=True) + 1.0
    dinv = lax.rsqrt(deg)
    dinv_ref[...] = dinv
    h_ref[...] = jnp.dot(x_ref[...], w_ref[...],
                         preferred_element_type=jnp.float32) * dinv


def _stage1_tc(x_pad, degp_t, w1):
    return pl.pallas_call(
        _stage1_body,
        out_shape=(
            jax.ShapeDtypeStruct((NPAD, D_FEAT), jnp.float32),
            jax.ShapeDtypeStruct((NPAD, 1), jnp.float32),
        ),
    )(x_pad, degp_t, w1)


def _stage2_body(agga_ref, aggb_ref, hp_ref, dinv_ref, b_ref, w_ref, out_ref):
    dinv = dinv_ref[...]
    t = (agga_ref[...] + aggb_ref[...] + hp_ref[...]) * dinv + b_ref[...]
    h = jnp.maximum(t, 0.0)
    out_ref[...] = jnp.dot(h, w_ref[...],
                           preferred_element_type=jnp.float32) * dinv


def _stage2_tc(agga, aggb, hp, dinv, b1, w2):
    return pl.pallas_call(
        _stage2_body,
        out_shape=jax.ShapeDtypeStruct((NPAD, D_FEAT), jnp.float32),
    )(agga, aggb, hp, dinv, b1, w2)


def _stage3_body(agga_ref, aggb_ref, hp_ref, dinv_ref, b_ref, w_ref,
                 bmask_ref, out_ref):
    t = (agga_ref[...] + aggb_ref[...] + hp_ref[...]) * dinv_ref[...] + b_ref[...]
    h = jnp.maximum(t, 0.0)
    logits = jnp.dot(h, w_ref[...],
                     preferred_element_type=jnp.float32) + bmask_ref[...]
    m = jnp.max(logits, axis=1, keepdims=True)
    e = jnp.exp(logits - m)
    out_ref[...] = e / jnp.sum(e, axis=1, keepdims=True)


def _stage3_tc(agga, aggb, hp, dinv, b2, wfc_pad, bmask):
    return pl.pallas_call(
        _stage3_body,
        out_shape=jax.ShapeDtypeStruct((NPAD, 128), jnp.float32),
    )(agga, aggb, hp, dinv, b2, wfc_pad, bmask)


def kernel(x, edge_index, W1, b1, W2, b2, Wfc, bfc):
    x_pad = jnp.pad(x, ((0, NPAD - N_NODES), (0, 0)))
    epad = jnp.full((E_PAD - N_EDGES,), PAD_ROW, jnp.int32)

    n0 = 16 * NB * NGRP * K_C0 * 128

    def _prep(idx):
        a = jnp.concatenate([idx, epad])
        a0 = a[:n0].reshape(16, NGRP, K_C0, NB, 128).transpose(0, 3, 1, 2, 4)
        a1 = a[n0:].reshape(16, NGRP, K_C1, NB, 128).transpose(0, 3, 1, 2, 4)
        return a0, a1

    src0, src1 = _prep(edge_index[0])
    dst0, dst1 = _prep(edge_index[1])
    dstp_flat = jnp.concatenate([edge_index[1], epad]).reshape(NW, CH_T, 128)

    ones1 = jnp.ones((128,), jnp.float32)
    zeros1 = jnp.zeros((ROWS_T,), jnp.float32)
    zeros2 = jnp.zeros((ROWS_T, D_FEAT), jnp.float32)
    b1r = b1.reshape(1, D_FEAT)
    b2r = b2.reshape(1, D_FEAT)
    wfc_pad = jnp.pad(Wfc, ((0, 0), (0, 128 - Wfc.shape[1])))
    bmask = jnp.concatenate(
        [bfc, jnp.full((128 - bfc.shape[0],), -1e30, jnp.float32)]).reshape(1, 128)

    degp = _deg_sc(dstp_flat, ones1, zeros1)
    degp_t = degp.T

    h1p, dinv = _stage1_tc(x_pad, degp_t, W1)
    agg1 = _agg_sc(src0, dst0, src1, dst1, h1p, zeros2)
    h2p = _stage2_tc(agg1[0], agg1[1], h1p, dinv, b1r, W2)
    agg2 = _agg_sc(src0, dst0, src1, dst1, h2p, zeros2)
    probs = _stage3_tc(agg2[0], agg2[1], h2p, dinv, b2r, wfc_pad, bmask)
    return probs[:N_NODES, :16]

# --- scband reference (transcript-rebuilt; emitter-appended) ---
"""Pipeline reference for scband-gcn-89472758710571 (READ-ONLY COPY).

The authoritative reference and input builder live on the scoring server;
editing this copy changes nothing except your own understanding.
"""

import jax, jax.numpy as jnp
import numpy as np

N_NODES = 10000
N_EDGES = 320000
D_FEAT = 128
HIDDEN = 128
N_CLASSES = 16


def setup_inputs(seed: int = 0) -> dict:
    key = jax.random.key(seed)
    ks = jax.random.split(key, 8)
    x = jax.random.normal(ks[0], (N_NODES, D_FEAT), dtype=jnp.float32)
    edge_index = jax.random.randint(ks[1], (2, N_EDGES), 0, N_NODES, dtype=jnp.int32)
    W1 = jax.random.normal(ks[2], (D_FEAT, HIDDEN), dtype=jnp.float32) * (1.0 / np.sqrt(D_FEAT))
    b1 = jnp.zeros((HIDDEN,), dtype=jnp.float32)
    W2 = jax.random.normal(ks[3], (HIDDEN, HIDDEN), dtype=jnp.float32) * (1.0 / np.sqrt(HIDDEN))
    b2 = jnp.zeros((HIDDEN,), dtype=jnp.float32)
    Wfc = jax.random.normal(ks[4], (HIDDEN, N_CLASSES), dtype=jnp.float32) * (1.0 / np.sqrt(HIDDEN))
    bfc = jnp.zeros((N_CLASSES,), dtype=jnp.float32)
    return {"x": x, "edge_index": edge_index, "W1": W1, "b1": b1, "W2": W2, "b2": b2, "Wfc": Wfc, "bfc": bfc}


def _gcn_conv(x, edge_index, W, b):
    # GCNConv: x' = D^{-1/2} (A + I) D^{-1/2} X W + b
    N = x.shape[0]
    loop = jnp.arange(N, dtype=edge_index.dtype)
    src = jnp.concatenate([edge_index[0], loop])
    dst = jnp.concatenate([edge_index[1], loop])
    h = x @ W
    deg = jnp.zeros((N,), dtype=x.dtype).at[dst].add(1.0)
    dinv = jnp.where(deg > 0, jax.lax.rsqrt(jnp.maximum(deg, 1e-12)), 0.0)
    norm = dinv[src] * dinv[dst]
    msg = jnp.take(h, src, axis=0) * norm[:, None]
    out = jax.ops.segment_sum(msg, dst, num_segments=N)
    return out + b


def reference(x, edge_index, W1, b1, W2, b2, Wfc, bfc):
    # conv1 -> relu -> (dropout = identity at eval) -> conv2 -> relu -> fc -> softmax
    h = jax.nn.relu(_gcn_conv(x, edge_index, W1, b1))
    h = jax.nn.relu(_gcn_conv(h, edge_index, W2, b2))
    logits = h @ Wfc + bfc
    return jax.nn.softmax(logits, axis=1)

if __name__ == "__main__":
    import jax
    _d = setup_inputs()
    print(jax.jit(kernel)(*tuple(_d.values())))

</pallas_src>

<mosaic_0001>
#map = affine_map<(d0, d1) -> (0, 0, 0, 0, 0)>
#map1 = affine_map<(d0, d1) -> (0, 0)>
#map2 = affine_map<(d0, d1) -> (0, 0, 0)>
module attributes {stable_mosaic.version = 14 : i64} {
  func.func @_agg_body(%arg0: i32, %arg1: i32, %arg2: memref<16x2x2x20x128xi32, #tpu.memory_space<hbm>>, %arg3: memref<16x2x2x20x128xi32, #tpu.memory_space<hbm>>, %arg4: memref<16x2x2x20x128xi32, #tpu.memory_space<hbm>>, %arg5: memref<16x2x2x20x128xi32, #tpu.memory_space<hbm>>, %arg6: memref<10240x128xf32, #tpu.memory_space<hbm>>, %arg7: memref<640x128xf32, #tpu.memory_space<hbm>>, %arg8: memref<2x10240x128xf32, #tpu.memory_space<hbm>>, %arg9: memref<20x128xi32, #tpu.memory_space<vmem>>, %arg10: memref<20x128xi32, #tpu.memory_space<vmem>>, %arg11: memref<20x128xi32, #tpu.memory_space<vmem>>, %arg12: memref<20x128xi32, #tpu.memory_space<vmem>>, %arg13: memref<128x128xf32, #tpu.memory_space<vmem>>, %arg14: memref<128x128xf32, #tpu.memory_space<vmem>>, %arg15: memref<10240x128xf32, #tpu.memory_space<vmem_shared>>, %arg16: memref<!tpu.dma_semaphore, #tpu.memory_space<semaphore_mem>>, %arg17: memref<!tpu.dma_semaphore, #tpu.memory_space<semaphore_mem>>, %arg18: memref<!tpu.dma_semaphore, #tpu.memory_space<semaphore_mem>>, %arg19: memref<!tpu.dma_semaphore, #tpu.memory_space<semaphore_mem>>) attributes {dimension_semantics = [#tpu.dimension_semantics<core_parallel>, #tpu.dimension_semantics<subcore_parallel>], iteration_bounds = array<i64: 2, 16>, scalar_prefetch = 0 : i64, scratch_operands = 11 : i64, tpu.core_type = #tpu.core_type<sc_vector_subcore>, window_params = [{transform_indices = #map}, {transform_indices = #map}, {transform_indices = #map}, {transform_indices = #map}, {transform_indices = #map1}, {transform_indices = #map1}, {transform_indices = #map2}]} {
    %mul3A = arith.constant 640 : i32
    %mul3A_0 = arith.muli %arg1, %mul3A : i32
    "tpu.region"() ({
      %run_scoped3A = tpu.sem_alloc : memref<!tpu.dma_semaphore, #tpu.memory_space<semaphore_mem>>
      %dma_start3A = arith.constant 0 : i32
      %dma_start3A_13 = tpu.memref_slice %arg15[%mul3A_0, %dma_start3A] : memref<10240x128xf32, #tpu.memory_space<vmem_shared>> -> memref<640x128xf32, #tpu.memory_space<vmem_shared>>
      tpu.enqueue_dma source(%arg7 : memref<640x128xf32, #tpu.memory_space<hbm>>) target(%dma_start3A_13 : memref<640x128xf32, #tpu.memory_space<vmem_shared>>) target_semaphore(%run_scoped3A : memref<!tpu.dma_semaphore, #tpu.memory_space<semaphore_mem>>)
      %dma_wait3A = arith.constant 0 : i32
      %dma_wait3A_14 = tpu.memref_slice %arg15[%mul3A_0, %dma_wait3A] : memref<10240x128xf32, #tpu.memory_space<vmem_shared>> -> memref<640x128xf32, #tpu.memory_space<vmem_shared>>
      tpu.wait_dma2 semaphore(%run_scoped3A : memref<!tpu.dma_semaphore, #tpu.memory_space<semaphore_mem>>) src(%arg7 : memref<640x128xf32, #tpu.memory_space<hbm>>) dst(%dma_wait3A_14 : memref<640x128xf32, #tpu.memory_space<vmem_shared>>)
      tpu.yield
    }) : () -> ()
    %barrier3A = arith.constant 0 : index
    tpu.barrier barrier_id(%barrier3A)
    %eq3A = arith.constant 0 : i32
    %eq3A_1 = arith.cmpi eq, %arg0, %eq3A : i32
    %convert_element_type3A = arith.extui %eq3A_1 : i1 to i32
    %cond3A = arith.constant 0 : i32
    %cond3A_2 = arith.cmpi ne, %convert_element_type3A, %cond3A : i32
    scf.if %cond3A_2 {
      %scan3A = arith.constant 0 : i32
      %scan3A_13 = arith.constant 0 : i32
      %scan3A_14 = arith.constant 2 : i32
      %scan3A_15 = arith.addi %scan3A_13, %scan3A_14 : i32
      %scan3A_16 = arith.constant 1 : i32
      scf.for %scan3A_18 = %scan3A_13 to %scan3A_15 step %scan3A_16  : i32 {
        %run_scoped3A = arith.constant 0 : i32
        "tpu.region"() ({
          %run_scoped3A_54 = tpu.sem_alloc : memref<!tpu.dma_semaphore, #tpu.memory_space<semaphore_mem>>
          %dma_start3A_55 = arith.constant 0 : i32
          %dma_start3A_56 = arith.constant 0 : i32
          %dma_start3A_57 = tpu.memref_slice %arg9[%dma_start3A_55, %dma_start3A_56] : memref<20x128xi32, #tpu.memory_space<vmem>> -> memref<20x128xi32, #tpu.memory_space<vmem>>
          %dma_start3A_58 = arith.constant 0 : i32
          %dma_start3A_59 = arith.constant 0 : i32
          %dma_start3A_60 = tpu.memref_slice %arg2[%arg1, %run_scoped3A, %scan3A_18, %dma_start3A_58, %dma_start3A_59] : memref<16x2x2x20x128xi32, #tpu.memory_space<hbm>> -> memref<1x1x1x20x128xi32, #tpu.memory_space<hbm>>
          %dma_start3A_61 = tpu.memref_squeeze %dma_start3A_60 : memref<1x1x1x20x128xi32, #tpu.memory_space<hbm>> -> memref<20x128xi32, #tpu.memory_space<hbm>>
          %dma_start3A_62 = arith.constant 0 : i32
          %dma_start3A_63 = arith.constant 0 : i32
          %dma_start3A_64 = tpu.memref_slice %arg9[%dma_start3A_62, %dma_start3A_63] : memref<20x128xi32, #tpu.memory_space<vmem>> -> memref<20x128xi32, #tpu.memory_space<vmem>>
          %dma_start3A_65 = arith.constant 0 : i32
          %dma_start3A_66 = arith.constant 0 : i32
          %dma_start3A_67 = tpu.memref_slice %arg2[%arg1, %run_scoped3A, %scan3A_18, %dma_start3A_65, %dma_start3A_66] : memref<16x2x2x20x128xi32, #tpu.memory_space<hbm>> -> memref<1x1x1x20x128xi32, #tpu.memory_space<hbm>>
          %dma_start3A_68 = tpu.memref_squeeze %dma_start3A_67 : memref<1x1x1x20x128xi32, #tpu.memory_space<hbm>> -> memref<20x128xi32, #tpu.memory_space<hbm>>
          tpu.enqueue_dma source(%dma_start3A_68 : memref<20x128xi32, #tpu.memory_space<hbm>>) target(%dma_start3A_64 : memref<20x128xi32, #tpu.memory_space<vmem>>) target_semaphore(%run_scoped3A_54 : memref<!tpu.dma_semaphore, #tpu.memory_space<semaphore_mem>>)
          %dma_wait3A_69 = arith.constant 0 : i32
          %dma_wait3A_70 = arith.constant 0 : i32
          %dma_wait3A_71 = tpu.memref_slice %arg9[%dma_wait3A_69, %dma_wait3A_70] : memref<20x128xi32, #tpu.memory_space<vmem>> -> memref<20x128xi32, #tpu.memory_space<vmem>>
          %dma_wait3A_72 = arith.constant 0 : i32
          %dma_wait3A_73 = arith.constant 0 : i32
          %dma_wait3A_74 = tpu.memref_slice %arg2[%arg1, %run_scoped3A, %scan3A_18, %dma_wait3A_72, %dma_wait3A_73] : memref<16x2x2x20x128xi32, #tpu.memory_space<hbm>> -> memref<1x1x1x20x128xi32, #tpu.memory_space<hbm>>
          %dma_wait3A_75 = tpu.memref_squeeze %dma_wait3A_74 : memref<1x1x1x20x128xi32, #tpu.memory_space<hbm>> -> memref<20x128xi32, #tpu.memory_space<hbm>>
          %dma_wait3A_76 = arith.constant 0 : i32
          %dma_wait3A_77 = arith.constant 0 : i32
          %dma_wait3A_78 = tpu.memref_slice %arg9[%dma_wait3A_76, %dma_wait3A_77] : memref<20x128xi32, #tpu.memory_space<vmem>> -> memref<20x128xi32, #tpu.memory_space<vmem>>
          %dma_wait3A_79 = arith.constant 0 : i32
          %dma_wait3A_80 = arith.constant 0 : i32
          %dma_wait3A_81 = tpu.memref_slice %arg2[%arg1, %run_scoped3A, %scan3A_18, %dma_wait3A_79, %dma_wait3A_80] : memref<16x2x2x20x128xi32, #tpu.memory_space<hbm>> -> memref<1x1x1x20x128xi32, #tpu.memory_space<hbm>>
          %dma_wait3A_82 = tpu.memref_squeeze %dma_wait3A_81 : memref<1x1x1x20x128xi32, #tpu.memory_space<hbm>> -> memref<20x128xi32, #tpu.memory_space<hbm>>
          tpu.wait_dma2 semaphore(%run_scoped3A_54 : memref<!tpu.dma_semaphore, #tpu.memory_space<semaphore_mem>>) src(%dma_wait3A_82 : memref<20x128xi32, #tpu.memory_space<hbm>>) dst(%dma_wait3A_78 : memref<20x128xi32, #tpu.memory_space<vmem>>)
          tpu.yield
        }) : () -> ()
        %run_scoped3A_19 = arith.constant 0 : i32
        "tpu.region"() ({
          %run_scoped3A_54 = tpu.sem_alloc : memref<!tpu.dma_semaphore, #tpu.memory_space<semaphore_mem>>
          %dma_start3A_55 = arith.constant 0 : i32
          %dma_start3A_56 = arith.constant 0 : i32
          %dma_start3A_57 = tpu.memref_slice %arg11[%dma_start3A_55, %dma_start3A_56] : memref<20x128xi32, #tpu.memory_space<vmem>> -> memref<20x128xi32, #tpu.memory_space<vmem>>
          %dma_start3A_58 = arith.constant 0 : i32
          %dma_start3A_59 = arith.constant 0 : i32
          %dma_start3A_60 = tpu.memref_slice %arg3[%arg1, %run_scoped3A_19, %scan3A_18, %dma_start3A_58, %dma_start3A_59] : memref<16x2x2x20x128xi32, #tpu.memory_space<hbm>> -> memref<1x1x1x20x128xi32, #tpu.memory_space<hbm>>
          %dma_start3A_61 = tpu.memref_squeeze %dma_start3A_60 : memref<1x1x1x20x128xi32, #tpu.memory_space<hbm>> -> memref<20x128xi32, #tpu.memory_space<hbm>>
          %dma_start3A_62 = arith.constant 0 : i32
          %dma_start3A_63 = arith.constant 0 : i32
          %dma_start3A_64 = tpu.memref_slice %arg11[%dma_start3A_62, %dma_start3A_63] : memref<20x128xi32, #tpu.memory_space<vmem>> -> memref<20x128xi32, #tpu.memory_space<vmem>>
          %dma_start3A_65 = arith.constant 0 : i32
          %dma_start3A_66 = arith.constant 0 : i32
          %dma_start3A_67 = tpu.memref_slice %arg3[%arg1, %run_scoped3A_19, %scan3A_18, %dma_start3A_65, %dma_start3A_66] : memref<16x2x2x20x128xi32, #tpu.memory_space<hbm>> -> memref<1x1x1x20x128xi32, #tpu.memory_space<hbm>>
          %dma_start3A_68 = tpu.memref_squeeze %dma_start3A_67 : memref<1x1x1x20x128xi32, #tpu.memory_space<hbm>> -> memref<20x128xi32, #tpu.memory_space<hbm>>
          tpu.enqueue_dma source(%dma_start3A_68 : memref<20x128xi32, #tpu.memory_space<hbm>>) target(%dma_start3A_64 : memref<20x128xi32, #tpu.memory_space<vmem>>) target_semaphore(%run_scoped3A_54 : memref<!tpu.dma_semaphore, #tpu.memory_space<semaphore_mem>>)
          %dma_wait3A_69 = arith.constant 0 : i32
          %dma_wait3A_70 = arith.constant 0 : i32
          %dma_wait3A_71 = tpu.memref_slice %arg11[%dma_wait3A_69, %dma_wait3A_70] : memref<20x128xi32, #tpu.memory_space<vmem>> -> memref<20x128xi32, #tpu.memory_space<vmem>>
          %dma_wait3A_72 = arith.constant 0 : i32
          %dma_wait3A_73 = arith.constant 0 : i32
          %dma_wait3A_74 = tpu.memref_slice %arg3[%arg1, %run_scoped3A_19, %scan3A_18, %dma_wait3A_72, %dma_wait3A_73] : memref<16x2x2x20x128xi32, #tpu.memory_space<hbm>> -> memref<1x1x1x20x128xi32, #tpu.memory_space<hbm>>
          %dma_wait3A_75 = tpu.memref_squeeze %dma_wait3A_74 : memref<1x1x1x20x128xi32, #tpu.memory_space<hbm>> -> memref<20x128xi32, #tpu.memory_space<hbm>>
          %dma_wait3A_76 = arith.constant 0 : i32
          %dma_wait3A_77 = arith.constant 0 : i32
          %dma_wait3A_78 = tpu.memref_slice %arg11[%dma_wait3A_76, %dma_wait3A_77] : memref<20x128xi32, #tpu.memory_space<vmem>> -> memref<20x128xi32, #tpu.memory_space<vmem>>
          %dma_wait3A_79 = arith.constant 0 : i32
          %dma_wait3A_80 = arith.constant 0 : i32
          %dma_wait3A_81 = tpu.memref_slice %arg3[%arg1, %run_scoped3A_19, %scan3A_18, %dma_wait3A_79, %dma_wait3A_80] : memref<16x2x2x20x128xi32, #tpu.memory_space<hbm>> -> memref<1x1x1x20x128xi32, #tpu.memory_space<hbm>>
          %dma_wait3A_82 = tpu.memref_squeeze %dma_wait3A_81 : memref<1x1x1x20x128xi32, #tpu.memory_space<hbm>> -> memref<20x128xi32, #tpu.memory_space<hbm>>
          tpu.wait_dma2 semaphore(%run_scoped3A_54 : memref<!tpu.dma_semaphore, #tpu.memory_space<semaphore_mem>>) src(%dma_wait3A_82 : memref<20x128xi32, #tpu.memory_space<hbm>>) dst(%dma_wait3A_78 : memref<20x128xi32, #tpu.memory_space<vmem>>)
          tpu.yield
        }) : () -> ()
        %dma_start3A = arith.constant 0 : i32
        %dma_start3A_20 = arith.constant 0 : i32
        %dma_start3A_21 = tpu.memref_slice %arg9[%dma_start3A, %dma_start3A_20] : memref<20x128xi32, #tpu.memory_space<vmem>> -> memref<1x128xi32, #tpu.memory_space<vmem>>
        %dma_start3A_22 = tpu.memref_squeeze %dma_start3A_21 : memref<1x128xi32, #tpu.memory_space<vmem>> -> memref<128xi32, #tpu.memory_space<vmem>>
        %dma_start3A_23 = arith.constant 0 : i32
        %dma_start3A_24 = arith.constant 0 : i32
        %dma_start3A_25 = tpu.memref_slice %arg6[%dma_start3A_23, %dma_start3A_24] : memref<10240x128xf32, #tpu.memory_space<hbm>> -> memref<10240x128xf32, #tpu.memory_space<hbm>>
        tpu.enqueue_indirect_dma source(%dma_start3A_25 : memref<10240x128xf32, #tpu.memory_space<hbm>>) target(%arg13 : memref<128x128xf32, #tpu.memory_space<vmem>>) offsets(%dma_start3A_22 : memref<128xi32, #tpu.memory_space<vmem>>) semaphore(%arg16 : memref<!tpu.dma_semaphore, #tpu.memory_space<semaphore_mem>>)
        %run_scoped3A_26 = arith.constant 1 : i32
        "tpu.region"() ({
          %run_scoped3A_54 = tpu.sem_alloc : memref<!tpu.dma_semaphore, #tpu.memory_space<semaphore_mem>>
          %dma_start3A_55 = arith.constant 0 : i32
          %dma_start3A_56 = arith.constant 0 : i32
          %dma_start3A_57 = tpu.memref_slice %arg10[%dma_start3A_55, %dma_start3A_56] : memref<20x128xi32, #tpu.memory_space<vmem>> -> memref<20x128xi32, #tpu.memory_space<vmem>>
          %dma_start3A_58 = arith.constant 0 : i32
          %dma_start3A_59 = arith.constant 0 : i32
          %dma_start3A_60 = tpu.memref_slice %arg2[%arg1, %run_scoped3A_26, %scan3A_18, %dma_start3A_58, %dma_start3A_59] : memref<16x2x2x20x128xi32, #tpu.memory_space<hbm>> -> memref<1x1x1x20x128xi32, #tpu.memory_space<hbm>>
          %dma_start3A_61 = tpu.memref_squeeze %dma_start3A_60 : memref<1x1x1x20x128xi32, #tpu.memory_space<hbm>> -> memref<20x128xi32, #tpu.memory_space<hbm>>
          %dma_start3A_62 = arith.constant 0 : i32
          %dma_start3A_63 = arith.constant 0 : i32
          %dma_start3A_64 = tpu.memref_slice %arg10[%dma_start3A_62, %dma_start3A_63] : memref<20x128xi32, #tpu.memory_space<vmem>> -> memref<20x128xi32, #tpu.memory_space<vmem>>
          %dma_start3A_65 = arith.constant 0 : i32
          %dma_start3A_66 = arith.constant 0 : i32
          %dma_start3A_67 = tpu.memref_slice %arg2[%arg1, %run_scoped3A_26, %scan3A_18, %dma_start3A_65, %dma_start3A_66] : memref<16x2x2x20x128xi32, #tpu.memory_space<hbm>> -> memref<1x1x1x20x128xi32, #tpu.memory_space<hbm>>
          %dma_start3A_68 = tpu.memref_squeeze %dma_start3A_67 : memref<1x1x1x20x128xi32, #tpu.memory_space<hbm>> -> memref<20x128xi32, #tpu.memory_space<hbm>>
          tpu.enqueue_dma source(%dma_start3A_68 : memref<20x128xi32, #tpu.memory_space<hbm>>) target(%dma_start3A_64 : memref<20x128xi32, #tpu.memory_space<vmem>>) target_semaphore(%run_scoped3A_54 : memref<!tpu.dma_semaphore, #tpu.memory_space<semaphore_mem>>)
          %dma_wait3A_69 = arith.constant 0 : i32
          %dma_wait3A_70 = arith.constant 0 : i32
          %dma_wait3A_71 = tpu.memref_slice %arg10[%dma_wait3A_69, %dma_wait3A_70] : memref<20x128xi32, #tpu.memory_space<vmem>> -> memref<20x128xi32, #tpu.memory_space<vmem>>
          %dma_wait3A_72 = arith.constant 0 : i32
          %dma_wait3A_73 = arith.constant 0 : i32
          %dma_wait3A_74 = tpu.memref_slice %arg2[%arg1, %run_scoped3A_26, %scan3A_18, %dma_wait3A_72, %dma_wait3A_73] : memref<16x2x2x20x128xi32, #tpu.memory_space<hbm>> -> memref<1x1x1x20x128xi32, #tpu.memory_space<hbm>>
          %dma_wait3A_75 = tpu.memref_squeeze %dma_wait3A_74 : memref<1x1x1x20x128xi32, #tpu.memory_space<hbm>> -> memref<20x128xi32, #tpu.memory_space<hbm>>
          %dma_wait3A_76 = arith.constant 0 : i32
          %dma_wait3A_77 = arith.constant 0 : i32
          %dma_wait3A_78 = tpu.memref_slice %arg10[%dma_wait3A_76, %dma_wait3A_77] : memref<20x128xi32, #tpu.memory_space<vmem>> -> memref<20x128xi32, #tpu.memory_space<vmem>>
          %dma_wait3A_79 = arith.constant 0 : i32
          %dma_wait3A_80 = arith.constant 0 : i32
          %dma_wait3A_81 = tpu.memref_slice %arg2[%arg1, %run_scoped3A_26, %scan3A_18, %dma_wait3A_79, %dma_wait3A_80] : memref<16x2x2x20x128xi32, #tpu.memory_space<hbm>> -> memref<1x1x1x20x128xi32, #tpu.memory_space<hbm>>
          %dma_wait3A_82 = tpu.memref_squeeze %dma_wait3A_81 : memref<1x1x1x20x128xi32, #tpu.memory_space<hbm>> -> memref<20x128xi32, #tpu.memory_space<hbm>>
          tpu.wait_dma2 semaphore(%run_scoped3A_54 : memref<!tpu.dma_semaphore, #tpu.memory_space<semaphore_mem>>) src(%dma_wait3A_82 : memref<20x128xi32, #tpu.memory_space<hbm>>) dst(%dma_wait3A_78 : memref<20x128xi32, #tpu.memory_space<vmem>>)
          tpu.yield
        }) : () -> ()
        %run_scoped3A_27 = arith.constant 1 : i32
        "tpu.region"() ({
          %run_scoped3A_54 = tpu.sem_alloc : memref<!tpu.dma_semaphore, #tpu.memory_space<semaphore_mem>>
          %dma_start3A_55 = arith.constant 0 : i32
          %dma_start3A_56 = arith.constant 0 : i32
          %dma_start3A_57 = tpu.memref_slice %arg12[%dma_start3A_55, %dma_start3A_56] : memref<20x128xi32, #tpu.memory_space<vmem>> -> memref<20x128xi32, #tpu.memory_space<vmem>>
          %dma_start3A_58 = arith.constant 0 : i32
          %dma_start3A_59 = arith.constant 0 : i32
          %dma_start3A_60 = tpu.memref_slice %arg3[%arg1, %run_scoped3A_27, %scan3A_18, %dma_start3A_58, %dma_start3A_59] : memref<16x2x2x20x128xi32, #tpu.memory_space<hbm>> -> memref<1x1x1x20x128xi32, #tpu.memory_space<hbm>>
          %dma_start3A_61 = tpu.memref_squeeze %dma_start3A_60 : memref<1x1x1x20x128xi32, #tpu.memory_space<hbm>> -> memref<20x128xi32, #tpu.memory_space<hbm>>
          %dma_start3A_62 = arith.constant 0 : i32
          %dma_start3A_63 = arith.constant 0 : i32
          %dma_start3A_64 = tpu.memref_slice %arg12[%dma_start3A_62, %dma_start3A_63] : memref<20x128xi32, #tpu.memory_space<vmem>> -> memref<20x128xi32, #tpu.memory_space<vmem>>
          %dma_start3A_65 = arith.constant 0 : i32
          %dma_start3A_66 = arith.constant 0 : i32
          %dma_start3A_67 = tpu.memref_slice %arg3[%arg1, %run_scoped3A_27, %scan3A_18, %dma_start3A_65, %dma_start3A_66] : memref<16x2x2x20x128xi32, #tpu.memory_space<hbm>> -> memref<1x1x1x20x128xi32, #tpu.memory_space<hbm>>
          %dma_start3A_68 = tpu.memref_squeeze %dma_start3A_67 : memref<1x1x1x20x128xi32, #tpu.memory_space<hbm>> -> memref<20x128xi32, #tpu.memory_space<hbm>>
          tpu.enqueue_dma source(%dma_start3A_68 : memref<20x128xi32, #tpu.memory_space<hbm>>) target(%dma_start3A_64 : memref<20x128xi32, #tpu.memory_space<vmem>>) target_semaphore(%run_scoped3A_54 : memref<!tpu.dma_semaphore, #tpu.memory_space<semaphore_mem>>)
          %dma_wait3A_69 = arith.constant 0 : i32
          %dma_wait3A_70 = arith.constant 0 : i32
          %dma_wait3A_71 = tpu.memref_slice %arg12[%dma_wait3A_69, %dma_wait3A_70] : memref<20x128xi32, #tpu.memory_space<vmem>> -> memref<20x128xi32, #tpu.memory_space<vmem>>
          %dma_wait3A_72 = arith.constant 0 : i32
          %dma_wait3A_73 = arith.constant 0 : i32
          %dma_wait3A_74 = tpu.memref_slice %arg3[%arg1, %run_scoped3A_27, %scan3A_18, %dma_wait3A_72, %dma_wait3A_73] : memref<16x2x2x20x128xi32, #tpu.memory_space<hbm>> -> memref<1x1x1x20x128xi32, #tpu.memory_space<hbm>>
          %dma_wait3A_75 = tpu.memref_squeeze %dma_wait3A_74 : memref<1x1x1x20x128xi32, #tpu.memory_space<hbm>> -> memref<20x128xi32, #tpu.memory_space<hbm>>
          %dma_wait3A_76 = arith.constant 0 : i32
          %dma_wait3A_77 = arith.constant 0 : i32
          %dma_wait3A_78 = tpu.memref_slice %arg12[%dma_wait3A_76, %dma_wait3A_77] : memref<20x128xi32, #tpu.memory_space<vmem>> -> memref<20x128xi32, #tpu.memory_space<vmem>>
          %dma_wait3A_79 = arith.constant 0 : i32
          %dma_wait3A_80 = arith.constant 0 : i32
          %dma_wait3A_81 = tpu.memref_slice %arg3[%arg1, %run_scoped3A_27, %scan3A_18, %dma_wait3A_79, %dma_wait3A_80] : memref<16x2x2x20x128xi32, #tpu.memory_space<hbm>> -> memref<1x1x1x20x128xi32, #tpu.memory_space<hbm>>
          %dma_wait3A_82 = tpu.memref_squeeze %dma_wait3A_81 : memref<1x1x1x20x128xi32, #tpu.memory_space<hbm>> -> memref<20x128xi32, #tpu.memory_space<hbm>>
          tpu.wait_dma2 semaphore(%run_scoped3A_54 : memref<!tpu.dma_semaphore, #tpu.memory_space<semaphore_mem>>) src(%dma_wait3A_82 : memref<20x128xi32, #tpu.memory_space<hbm>>) dst(%dma_wait3A_78 : memref<20x128xi32, #tpu.memory_space<vmem>>)
          tpu.yield
        }) : () -> ()
        %dma_start3A_28 = arith.constant 0 : i32
        %dma_start3A_29 = arith.constant 0 : i32
        %dma_start3A_30 = tpu.memref_slice %arg10[%dma_start3A_28, %dma_start3A_29] : memref<20x128xi32, #tpu.memory_space<vmem>> -> memref<1x128xi32, #tpu.memory_space<vmem>>
        %dma_start3A_31 = tpu.memref_squeeze %dma_start3A_30 : memref<1x128xi32, #tpu.memory_space<vmem>> -> memref<128xi32, #tpu.memory_space<vmem>>
        %dma_start3A_32 = arith.constant 0 : i32
        %dma_start3A_33 = arith.constant 0 : i32
        %dma_start3A_34 = tpu.memref_slice %arg6[%dma_start3A_32, %dma_start3A_33] : memref<10240x128xf32, #tpu.memory_space<hbm>> -> memref<10240x128xf32, #tpu.memory_space<hbm>>
        tpu.enqueue_indirect_dma source(%dma_start3A_34 : memref<10240x128xf32, #tpu.memory_space<hbm>>) target(%arg14 : memref<128x128xf32, #tpu.memory_space<vmem>>) offsets(%dma_start3A_31 : memref<128xi32, #tpu.memory_space<vmem>>) semaphore(%arg17 : memref<!tpu.dma_semaphore, #tpu.memory_space<semaphore_mem>>)
        %scan3A_35 = arith.constant 0 : i32
        %scan3A_36 = arith.constant 0 : i32
        %scan3A_37 = arith.constant 20 : i32
        %scan3A_38 = arith.addi %scan3A_36, %scan3A_37 : i32
        %scan3A_39 = arith.constant 1 : i32
        scf.for %scan3A_54 = %scan3A_36 to %scan3A_38 step %scan3A_39  : i32 {
          %dma_wait3A_55 = arith.constant 0 : i32
          %dma_wait3A_56 = tpu.memref_slice %arg9[%scan3A_54, %dma_wait3A_55] : memref<20x128xi32, #tpu.memory_space<vmem>> -> memref<1x128xi32, #tpu.memory_space<vmem>>
          %dma_wait3A_57 = tpu.memref_squeeze %dma_wait3A_56 : memref<1x128xi32, #tpu.memory_space<vmem>> -> memref<128xi32, #tpu.memory_space<vmem>>
          %dma_wait3A_58 = arith.constant 0 : i32
          %dma_wait3A_59 = arith.constant 0 : i32
          %dma_wait3A_60 = tpu.memref_slice %arg6[%dma_wait3A_58, %dma_wait3A_59] : memref<10240x128xf32, #tpu.memory_space<hbm>> -> memref<10240x128xf32, #tpu.memory_space<hbm>>
          tpu.wait_indirect_dma semaphore(%arg16 : memref<!tpu.dma_semaphore, #tpu.memory_space<semaphore_mem>>) src(%dma_wait3A_60 : memref<10240x128xf32, #tpu.memory_space<hbm>>) dst(%arg13 : memref<128x128xf32, #tpu.memory_space<vmem>>)
          %dma_start3A_61 = arith.constant 0 : i32
          %dma_start3A_62 = tpu.memref_slice %arg11[%scan3A_54, %dma_start3A_61] : memref<20x128xi32, #tpu.memory_space<vmem>> -> memref<1x128xi32, #tpu.memory_space<vmem>>
          %dma_start3A_63 = tpu.memref_squeeze %dma_start3A_62 : memref<1x128xi32, #tpu.memory_space<vmem>> -> memref<128xi32, #tpu.memory_space<vmem>>
          %dma_start3A_64 = arith.constant 0 : i32
          %dma_start3A_65 = arith.constant 0 : i32
          %dma_start3A_66 = tpu.memref_slice %arg15[%dma_start3A_64, %dma_start3A_65] : memref<10240x128xf32, #tpu.memory_space<vmem_shared>> -> memref<10240x128xf32, #tpu.memory_space<vmem_shared>>
          tpu.enqueue_indirect_dma source(%arg13 : memref<128x128xf32, #tpu.memory_space<vmem>>) target(%dma_start3A_66 : memref<10240x128xf32, #tpu.memory_space<vmem_shared>>) offsets(%dma_start3A_63 : memref<128xi32, #tpu.memory_space<vmem>>) semaphore(%arg18 : memref<!tpu.dma_semaphore, #tpu.memory_space<semaphore_mem>>) {add = true}
          %dma_wait3A_67 = arith.constant 0 : i32
          %dma_wait3A_68 = tpu.memref_slice %arg10[%scan3A_54, %dma_wait3A_67] : memref<20x128xi32, #tpu.memory_space<vmem>> -> memref<1x128xi32, #tpu.memory_space<vmem>>
          %dma_wait3A_69 = tpu.memref_squeeze %dma_wait3A_68 : memref<1x128xi32, #tpu.memory_space<vmem>> -> memref<128xi32, #tpu.memory_space<vmem>>
          %dma_wait3A_70 = arith.constant 0 : i32
          %dma_wait3A_71 = arith.constant 0 : i32
          %dma_wait3A_72 = tpu.memref_slice %arg6[%dma_wait3A_70, %dma_wait3A_71] : memref<10240x128xf32, #tpu.memory_space<hbm>> -> memref<10240x128xf32, #tpu.memory_space<hbm>>
          tpu.wait_indirect_dma semaphore(%arg17 : memref<!tpu.dma_semaphore, #tpu.memory_space<semaphore_mem>>) src(%dma_wait3A_72 : memref<10240x128xf32, #tpu.memory_space<hbm>>) dst(%arg14 : memref<128x128xf32, #tpu.memory_space<vmem>>)
          %dma_start3A_73 = arith.constant 0 : i32
          %dma_start3A_74 = tpu.memref_slice %arg12[%scan3A_54, %dma_start3A_73] : memref<20x128xi32, #tpu.memory_space<vmem>> -> memref<1x128xi32, #tpu.memory_space<vmem>>
          %dma_start3A_75 = tpu.memref_squeeze %dma_start3A_74 : memref<1x128xi32, #tpu.memory_space<vmem>> -> memref<128xi32, #tpu.memory_space<vmem>>
          %dma_start3A_76 = arith.constant 0 : i32
          %dma_start3A_77 = arith.constant 0 : i32
          %dma_start3A_78 = tpu.memref_slice %arg15[%dma_start3A_76, %dma_start3A_77] : memref<10240x128xf32, #tpu.memory_space<vmem_shared>> -> memref<10240x128xf32, #tpu.memory_space<vmem_shared>>
          tpu.enqueue_indirect_dma source(%arg14 : memref<128x128xf32, #tpu.memory_space<vmem>>) target(%dma_start3A_78 : memref<10240x128xf32, #tpu.memory_space<vmem_shared>>) offsets(%dma_start3A_75 : memref<128xi32, #tpu.memory_space<vmem>>) semaphore(%arg19 : memref<!tpu.dma_semaphore, #tpu.memory_space<semaphore_mem>>) {add = true}
          %dma_wait3A_79 = arith.constant 0 : i32
          %dma_wait3A_80 = tpu.memref_slice %arg11[%scan3A_54, %dma_wait3A_79] : memref<20x128xi32, #tpu.memory_space<vmem>> -> memref<1x128xi32, #tpu.memory_space<vmem>>
          %dma_wait3A_81 = tpu.memref_squeeze %dma_wait3A_80 : memref<1x128xi32, #tpu.memory_space<vmem>> -> memref<128xi32, #tpu.memory_space<vmem>>
          %dma_wait3A_82 = arith.constant 0 : i32
          %dma_wait3A_83 = arith.constant 0 : i32
          %dma_wait3A_84 = tpu.memref_slice %arg15[%dma_wait3A_82, %dma_wait3A_83] : memref<10240x128xf32, #tpu.memory_space<vmem_shared>> -> memref<10240x128xf32, #tpu.memory_space<vmem_shared>>
          tpu.wait_indirect_dma semaphore(%arg18 : memref<!tpu.dma_semaphore, #tpu.memory_space<semaphore_mem>>) src(%arg13 : memref<128x128xf32, #tpu.memory_space<vmem>>) dst(%dma_wait3A_84 : memref<10240x128xf32, #tpu.memory_space<vmem_shared>>)
          %add3A = arith.constant 1 : i32
          %add3A_85 = arith.addi %scan3A_54, %add3A : i32
          %min3A = arith.constant 19 : i32
          %min3A_86 = arith.minsi %add3A_85, %min3A : i32
          %dma_start3A_87 = arith.constant 0 : i32
          %dma_start3A_88 = tpu.memref_slice %arg9[%min3A_86, %dma_start3A_87] : memref<20x128xi32, #tpu.memory_space<vmem>> -> memref<1x128xi32, #tpu.memory_space<vmem>>
          %dma_start3A_89 = tpu.memref_squeeze %dma_start3A_88 : memref<1x128xi32, #tpu.memory_space<vmem>> -> memref<128xi32, #tpu.memory_space<vmem>>
          %dma_start3A_90 = arith.constant 0 : i32
          %dma_start3A_91 = arith.constant 0 : i32
          %dma_start3A_92 = tpu.memref_slice %arg6[%dma_start3A_90, %dma_start3A_91] : memref<10240x128xf32, #tpu.memory_space<hbm>> -> memref<10240x128xf32, #tpu.memory_space<hbm>>
          tpu.enqueue_indirect_dma source(%dma_start3A_92 : memref<10240x128xf32, #tpu.memory_space<hbm>>) target(%arg13 : memref<128x128xf32, #tpu.memory_space<vmem>>) offsets(%dma_start3A_89 : memref<128xi32, #tpu.memory_space<vmem>>) semaphore(%arg16 : memref<!tpu.dma_semaphore, #tpu.memory_space<semaphore_mem>>)
          %dma_wait3A_93 = arith.constant 0 : i32
          %dma_wait3A_94 = tpu.memref_slice %arg12[%scan3A_54, %dma_wait3A_93] : memref<20x128xi32, #tpu.memory_space<vmem>> -> memref<1x128xi32, #tpu.memory_space<vmem>>
          %dma_wait3A_95 = tpu.memref_squeeze %dma_wait3A_94 : memref<1x128xi32, #tpu.memory_space<vmem>> -> memref<128xi32, #tpu.memory_space<vmem>>
          %dma_wait3A_96 = arith.constant 0 : i32
          %dma_wait3A_97 = arith.constant 0 : i32
          %dma_wait3A_98 = tpu.memref_slice %arg15[%dma_wait3A_96, %dma_wait3A_97] : memref<10240x128xf32, #tpu.memory_space<vmem_shared>> -> memref<10240x128xf32, #tpu.memory_space<vmem_shared>>
          tpu.wait_indirect_dma semaphore(%arg19 : memref<!tpu.dma_semaphore, #tpu.memory_space<semaphore_mem>>) src(%arg14 : memref<128x128xf32, #tpu.memory_space<vmem>>) dst(%dma_wait3A_98 : memref<10240x128xf32, #tpu.memory_space<vmem_shared>>)
          %add3A_99 = arith.constant 1 : i32
          %add3A_100 = arith.addi %scan3A_54, %add3A_99 : i32
          %min3A_101 = arith.constant 19 : i32
          %min3A_102 = arith.minsi %add3A_100, %min3A_101 : i32
          %dma_start3A_103 = arith.constant 0 : i32
          %dma_start3A_104 = tpu.memref_slice %arg10[%min3A_102, %dma_start3A_103] : memref<20x128xi32, #tpu.memory_space<vmem>> -> memref<1x128xi32, #tpu.memory_space<vmem>>
          %dma_start3A_105 = tpu.memref_squeeze %dma_start3A_104 : memref<1x128xi32, #tpu.memory_space<vmem>> -> memref<128xi32, #tpu.memory_space<vmem>>
          %dma_start3A_106 = arith.constant 0 : i32
          %dma_start3A_107 = arith.constant 0 : i32
          %dma_start3A_108 = tpu.memref_slice %arg6[%dma_start3A_106, %dma_start3A_107] : memref<10240x128xf32, #tpu.memory_space<hbm>> -> memref<10240x128xf32, #tpu.memory_space<hbm>>
          tpu.enqueue_indirect_dma source(%dma_start3A_108 : memref<10240x128xf32, #tpu.memory_space<hbm>>) target(%arg14 : memref<128x128xf32, #tpu.memory_space<vmem>>) offsets(%dma_start3A_105 : memref<128xi32, #tpu.memory_space<vmem>>) semaphore(%arg17 : memref<!tpu.dma_semaphore, #tpu.memory_space<semaphore_mem>>)
        }
        %scan3A_40 = arith.constant 20 : i32
        %dma_wait3A = arith.constant 19 : i32
        %dma_wait3A_41 = arith.constant 0 : i32
        %dma_wait3A_42 = tpu.memref_slice %arg9[%dma_wait3A, %dma_wait3A_41] : memref<20x128xi32, #tpu.memory_space<vmem>> -> memref<1x128xi32, #tpu.memory_space<vmem>>
        %dma_wait3A_43 = tpu.memref_squeeze %dma_wait3A_42 : memref<1x128xi32, #tpu.memory_space<vmem>> -> memref<128xi32, #tpu.memory_space<vmem>>
        %dma_wait3A_44 = arith.constant 0 : i32
        %dma_wait3A_45 = arith.constant 0 : i32
        %dma_wait3A_46 = tpu.memref_slice %arg6[%dma_wait3A_44, %dma_wait3A_45] : memref<10240x128xf32, #tpu.memory_space<hbm>> -> memref<10240x128xf32, #tpu.memory_space<hbm>>
        tpu.wait_indirect_dma semaphore(%arg16 : memref<!tpu.dma_semaphore, #tpu.memory_space<semaphore_mem>>) src(%dma_wait3A_46 : memref<10240x128xf32, #tpu.memory_space<hbm>>) dst(%arg13 : memref<128x128xf32, #tpu.memory_space<vmem>>)
        %dma_wait3A_47 = arith.constant 19 : i32
        %dma_wait3A_48 = arith.constant 0 : i32
        %dma_wait3A_49 = tpu.memref_slice %arg10[%dma_wait3A_47, %dma_wait3A_48] : memref<20x128xi32, #tpu.memory_space<vmem>> -> memref<1x128xi32, #tpu.memory_space<vmem>>
        %dma_wait3A_50 = tpu.memref_squeeze %dma_wait3A_49 : memref<1x128xi32, #tpu.memory_space<vmem>> -> memref<128xi32, #tpu.memory_space<vmem>>
        %dma_wait3A_51 = arith.constant 0 : i32
        %dma_wait3A_52 = arith.constant 0 : i32
        %dma_wait3A_53 = tpu.memref_slice %arg6[%dma_wait3A_51, %dma_wait3A_52] : memref<10240x128xf32, #tpu.memory_space<hbm>> -> memref<10240x128xf32, #tpu.memory_space<hbm>>
        tpu.wait_indirect_dma semaphore(%arg17 : memref<!tpu.dma_semaphore, #tpu.memory_space<semaphore_mem>>) src(%dma_wait3A_53 : memref<10240x128xf32, #tpu.memory_space<hbm>>) dst(%arg14 : memref<128x128xf32, #tpu.memory_space<vmem>>)
      }
      %scan3A_17 = arith.constant 2 : i32
    } else {
    }
    %eq3A_3 = arith.constant 1 : i32
    %eq3A_4 = arith.cmpi eq, %arg0, %eq3A_3 : i32
    %convert_element_type3A_5 = arith.extui %eq3A_4 : i1 to i32
    %cond3A_6 = arith.constant 0 : i32
    %cond3A_7 = arith.cmpi ne, %convert_element_type3A_5, %cond3A_6 : i32
    scf.if %cond3A_7 {
      %scan3A = arith.constant 0 : i32
      %scan3A_13 = arith.constant 0 : i32
      %scan3A_14 = arith.constant 2 : i32
      %scan3A_15 = arith.addi %scan3A_13, %scan3A_14 : i32
      %scan3A_16 = arith.constant 1 : i32
      scf.for %scan3A_18 = %scan3A_13 to %scan3A_15 step %scan3A_16  : i32 {
        %run_scoped3A = arith.constant 0 : i32
        "tpu.region"() ({
          %run_scoped3A_54 = tpu.sem_alloc : memref<!tpu.dma_semaphore, #tpu.memory_space<semaphore_mem>>
          %dma_start3A_55 = arith.constant 0 : i32
          %dma_start3A_56 = arith.constant 0 : i32
          %dma_start3A_57 = tpu.memref_slice %arg9[%dma_start3A_55, %dma_start3A_56] : memref<20x128xi32, #tpu.memory_space<vmem>> -> memref<20x128xi32, #tpu.memory_space<vmem>>
          %dma_start3A_58 = arith.constant 0 : i32
          %dma_start3A_59 = arith.constant 0 : i32
          %dma_start3A_60 = tpu.memref_slice %arg4[%arg1, %run_scoped3A, %scan3A_18, %dma_start3A_58, %dma_start3A_59] : memref<16x2x2x20x128xi32, #tpu.memory_space<hbm>> -> memref<1x1x1x20x128xi32, #tpu.memory_space<hbm>>
          %dma_start3A_61 = tpu.memref_squeeze %dma_start3A_60 : memref<1x1x1x20x128xi32, #tpu.memory_space<hbm>> -> memref<20x128xi32, #tpu.memory_space<hbm>>
          %dma_start3A_62 = arith.constant 0 : i32
          %dma_start3A_63 = arith.constant 0 : i32
          %dma_start3A_64 = tpu.memref_slice %arg9[%dma_start3A_62, %dma_start3A_63] : memref<20x128xi32, #tpu.memory_space<vmem>> -> memref<20x128xi32, #tpu.memory_space<vmem>>
          %dma_start3A_65 = arith.constant 0 : i32
          %dma_start3A_66 = arith.constant 0 : i32
          %dma_start3A_67 = tpu.memref_slice %arg4[%arg1, %run_scoped3A, %scan3A_18, %dma_start3A_65, %dma_start3A_66] : memref<16x2x2x20x128xi32, #tpu.memory_space<hbm>> -> memref<1x1x1x20x128xi32, #tpu.memory_space<hbm>>
          %dma_start3A_68 = tpu.memref_squeeze %dma_start3A_67 : memref<1x1x1x20x128xi32, #tpu.memory_space<hbm>> -> memref<20x128xi32, #tpu.memory_space<hbm>>
          tpu.enqueue_dma source(%dma_start3A_68 : memref<20x128xi32, #tpu.memory_space<hbm>>) target(%dma_start3A_64 : memref<20x128xi32, #tpu.memory_space<vmem>>) target_semaphore(%run_scoped3A_54 : memref<!tpu.dma_semaphore, #tpu.memory_space<semaphore_mem>>)
          %dma_wait3A_69 = arith.constant 0 : i32
          %dma_wait3A_70 = arith.constant 0 : i32
          %dma_wait3A_71 = tpu.memref_slice %arg9[%dma_wait3A_69, %dma_wait3A_70] : memref<20x128xi32, #tpu.memory_space<vmem>> -> memref<20x128xi32, #tpu.memory_space<vmem>>
          %dma_wait3A_72 = arith.constant 0 : i32
          %dma_wait3A_73 = arith.constant 0 : i32
          %dma_wait3A_74 = tpu.memref_slice %arg4[%arg1, %run_scoped3A, %scan3A_18, %dma_wait3A_72, %dma_wait3A_73] : memref<16x2x2x20x128xi32, #tpu.memory_space<hbm>> -> memref<1x1x1x20x128xi32, #tpu.memory_space<hbm>>
          %dma_wait3A_75 = tpu.memref_squeeze %dma_wait3A_74 : memref<1x1x1x20x128xi32, #tpu.memory_space<hbm>> -> memref<20x128xi32, #tpu.memory_space<hbm>>
          %dma_wait3A_76 = arith.constant 0 : i32
          %dma_wait3A_77 = arith.constant 0 : i32
          %dma_wait3A_78 = tpu.memref_slice %arg9[%dma_wait3A_76, %dma_wait3A_77] : memref<20x128xi32, #tpu.memory_space<vmem>> -> memref<20x128xi32, #tpu.memory_space<vmem>>
          %dma_wait3A_79 = arith.constant 0 : i32
          %dma_wait3A_80 = arith.constant 0 : i32
          %dma_wait3A_81 = tpu.memref_slice %arg4[%arg1, %run_scoped3A, %scan3A_18, %dma_wait3A_79, %dma_wait3A_80] : memref<16x2x2x20x128xi32, #tpu.memory_space<hbm>> -> memref<1x1x1x20x128xi32, #tpu.memory_space<hbm>>
          %dma_wait3A_82 = tpu.memref_squeeze %dma_wait3A_81 : memref<1x1x1x20x128xi32, #tpu.memory_space<hbm>> -> memref<20x128xi32, #tpu.memory_space<hbm>>
          tpu.wait_dma2 semaphore(%run_scoped3A_54 : memref<!tpu.dma_semaphore, #tpu.memory_space<semaphore_mem>>) src(%dma_wait3A_82 : memref<20x128xi32, #tpu.memory_space<hbm>>) dst(%dma_wait3A_78 : memref<20x128xi32, #tpu.memory_space<vmem>>)
          tpu.yield
        }) : () -> ()
        %run_scoped3A_19 = arith.constant 0 : i32
        "tpu.region"() ({
          %run_scoped3A_54 = tpu.sem_alloc : memref<!tpu.dma_semaphore, #tpu.memory_space<semaphore_mem>>
          %dma_start3A_55 = arith.constant 0 : i32
          %dma_start3A_56 = arith.constant 0 : i32
          %dma_start3A_57 = tpu.memref_slice %arg11[%dma_start3A_55, %dma_start3A_56] : memref<20x128xi32, #tpu.memory_space<vmem>> -> memref<20x128xi32, #tpu.memory_space<vmem>>
          %dma_start3A_58 = arith.constant 0 : i32
          %dma_start3A_59 = arith.constant 0 : i32
          %dma_start3A_60 = tpu.memref_slice %arg5[%arg1, %run_scoped3A_19, %scan3A_18, %dma_start3A_58, %dma_start3A_59] : memref<16x2x2x20x128xi32, #tpu.memory_space<hbm>> -> memref<1x1x1x20x128xi32, #tpu.memory_space<hbm>>
          %dma_start3A_61 = tpu.memref_squeeze %dma_start3A_60 : memref<1x1x1x20x128xi32, #tpu.memory_space<hbm>> -> memref<20x128xi32, #tpu.memory_space<hbm>>
          %dma_start3A_62 = arith.constant 0 : i32
          %dma_start3A_63 = arith.constant 0 : i32
          %dma_start3A_64 = tpu.memref_slice %arg11[%dma_start3A_62, %dma_start3A_63] : memref<20x128xi32, #tpu.memory_space<vmem>> -> memref<20x128xi32, #tpu.memory_space<vmem>>
          %dma_start3A_65 = arith.constant 0 : i32
          %dma_start3A_66 = arith.constant 0 : i32
          %dma_start3A_67 = tpu.memref_slice %arg5[%arg1, %run_scoped3A_19, %scan3A_18, %dma_start3A_65, %dma_start3A_66] : memref<16x2x2x20x128xi32, #tpu.memory_space<hbm>> -> memref<1x1x1x20x128xi32, #tpu.memory_space<hbm>>
          %dma_start3A_68 = tpu.memref_squeeze %dma_start3A_67 : memref<1x1x1x20x128xi32, #tpu.memory_space<hbm>> -> memref<20x128xi32, #tpu.memory_space<hbm>>
          tpu.enqueue_dma source(%dma_start3A_68 : memref<20x128xi32, #tpu.memory_space<hbm>>) target(%dma_start3A_64 : memref<20x128xi32, #tpu.memory_space<vmem>>) target_semaphore(%run_scoped3A_54 : memref<!tpu.dma_semaphore, #tpu.memory_space<semaphore_mem>>)
          %dma_wait3A_69 = arith.constant 0 : i32
          %dma_wait3A_70 = arith.constant 0 : i32
          %dma_wait3A_71 = tpu.memref_slice %arg11[%dma_wait3A_69, %dma_wait3A_70] : memref<20x128xi32, #tpu.memory_space<vmem>> -> memref<20x128xi32, #tpu.memory_space<vmem>>
          %dma_wait3A_72 = arith.constant 0 : i32
          %dma_wait3A_73 = arith.constant 0 : i32
          %dma_wait3A_74 = tpu.memref_slice %arg5[%arg1, %run_scoped3A_19, %scan3A_18, %dma_wait3A_72, %dma_wait3A_73] : memref<16x2x2x20x128xi32, #tpu.memory_space<hbm>> -> memref<1x1x1x20x128xi32, #tpu.memory_space<hbm>>
          %dma_wait3A_75 = tpu.memref_squeeze %dma_wait3A_74 : memref<1x1x1x20x128xi32, #tpu.memory_space<hbm>> -> memref<20x128xi32, #tpu.memory_space<hbm>>
          %dma_wait3A_76 = arith.constant 0 : i32
          %dma_wait3A_77 = arith.constant 0 : i32
          %dma_wait3A_78 = tpu.memref_slice %arg11[%dma_wait3A_76, %dma_wait3A_77] : memref<20x128xi32, #tpu.memory_space<vmem>> -> memref<20x128xi32, #tpu.memory_space<vmem>>
          %dma_wait3A_79 = arith.constant 0 : i32
          %dma_wait3A_80 = arith.constant 0 : i32
          %dma_wait3A_81 = tpu.memref_slice %arg5[%arg1, %run_scoped3A_19, %scan3A_18, %dma_wait3A_79, %dma_wait3A_80] : memref<16x2x2x20x128xi32, #tpu.memory_space<hbm>> -> memref<1x1x1x20x128xi32, #tpu.memory_space<hbm>>
          %dma_wait3A_82 = tpu.memref_squeeze %dma_wait3A_81 : memref<1x1x1x20x128xi32, #tpu.memory_space<hbm>> -> memref<20x128xi32, #tpu.memory_space<hbm>>
          tpu.wait_dma2 semaphore(%run_scoped3A_54 : memref<!tpu.dma_semaphore, #tpu.memory_space<semaphore_mem>>) src(%dma_wait3A_82 : memref<20x128xi32, #tpu.memory_space<hbm>>) dst(%dma_wait3A_78 : memref<20x128xi32, #tpu.memory_space<vmem>>)
          tpu.yield
        }) : () -> ()
        %dma_start3A = arith.constant 0 : i32
        %dma_start3A_20 = arith.constant 0 : i32
        %dma_start3A_21 = tpu.memref_slice %arg9[%dma_start3A, %dma_start3A_20] : memref<20x128xi32, #tpu.memory_space<vmem>> -> memref<1x128xi32, #tpu.memory_space<vmem>>
        %dma_start3A_22 = tpu.memref_squeeze %dma_start3A_21 : memref<1x128xi32, #tpu.memory_space<vmem>> -> memref<128xi32, #tpu.memory_space<vmem>>
        %dma_start3A_23 = arith.constant 0 : i32
        %dma_start3A_24 = arith.constant 0 : i32
        %dma_start3A_25 = tpu.memref_slice %arg6[%dma_start3A_23, %dma_start3A_24] : memref<10240x128xf32, #tpu.memory_space<hbm>> -> memref<10240x128xf32, #tpu.memory_space<hbm>>
        tpu.enqueue_indirect_dma source(%dma_start3A_25 : memref<10240x128xf32, #tpu.memory_space<hbm>>) target(%arg13 : memref<128x128xf32, #tpu.memory_space<vmem>>) offsets(%dma_start3A_22 : memref<128xi32, #tpu.memory_space<vmem>>) semaphore(%arg16 : memref<!tpu.dma_semaphore, #tpu.memory_space<semaphore_mem>>)
        %run_scoped3A_26 = arith.constant 1 : i32
        "tpu.region"() ({
          %run_scoped3A_54 = tpu.sem_alloc : memref<!tpu.dma_semaphore, #tpu.memory_space<semaphore_mem>>
          %dma_start3A_55 = arith.constant 0 : i32
          %dma_start3A_56 = arith.constant 0 : i32
          %dma_start3A_57 = tpu.memref_slice %arg10[%dma_start3A_55, %dma_start3A_56] : memref<20x128xi32, #tpu.memory_space<vmem>> -> memref<20x128xi32, #tpu.memory_space<vmem>>
          %dma_start3A_58 = arith.constant 0 : i32
          %dma_start3A_59 = arith.constant 0 : i32
          %dma_start3A_60 = tpu.memref_slice %arg4[%arg1, %run_scoped3A_26, %scan3A_18, %dma_start3A_58, %dma_start3A_59] : memref<16x2x2x20x128xi32, #tpu.memory_space<hbm>> -> memref<1x1x1x20x128xi32, #tpu.memory_space<hbm>>
          %dma_start3A_61 = tpu.memref_squeeze %dma_start3A_60 : memref<1x1x1x20x128xi32, #tpu.memory_space<hbm>> -> memref<20x128xi32, #tpu.memory_space<hbm>>
          %dma_start3A_62 = arith.constant 0 : i32
          %dma_start3A_63 = arith.constant 0 : i32
          %dma_start3A_64 = tpu.memref_slice %arg10[%dma_start3A_62, %dma_start3A_63] : memref<20x128xi32, #tpu.memory_space<vmem>> -> memref<20x128xi32, #tpu.memory_space<vmem>>
          %dma_start3A_65 = arith.constant 0 : i32
          %dma_start3A_66 = arith.constant 0 : i32
          %dma_start3A_67 = tpu.memref_slice %arg4[%arg1, %run_scoped3A_26, %scan3A_18, %dma_start3A_65, %dma_start3A_66] : memref<16x2x2x20x128xi32, #tpu.memory_space<hbm>> -> memref<1x1x1x20x128xi32, #tpu.memory_space<hbm>>
          %dma_start3A_68 = tpu.memref_squeeze %dma_start3A_67 : memref<1x1x1x20x128xi32, #tpu.memory_space<hbm>> -> memref<20x128xi32, #tpu.memory_space<hbm>>
          tpu.enqueue_dma source(%dma_start3A_68 : memref<20x128xi32, #tpu.memory_space<hbm>>) target(%dma_start3A_64 : memref<20x128xi32, #tpu.memory_space<vmem>>) target_semaphore(%run_scoped3A_54 : memref<!tpu.dma_semaphore, #tpu.memory_space<semaphore_mem>>)
          %dma_wait3A_69 = arith.constant 0 : i32
          %dma_wait3A_70 = arith.constant 0 : i32
          %dma_wait3A_71 = tpu.memref_slice %arg10[%dma_wait3A_69, %dma_wait3A_70] : memref<20x128xi32, #tpu.memory_space<vmem>> -> memref<20x128xi32, #tpu.memory_space<vmem>>
          %dma_wait3A_72 = arith.constant 0 : i32
          %dma_wait3A_73 = arith.constant 0 : i32
          %dma_wait3A_74 = tpu.memref_slice %arg4[%arg1, %run_scoped3A_26, %scan3A_18, %dma_wait3A_72, %dma_wait3A_73] : memref<16x2x2x20x128xi32, #tpu.memory_space<hbm>> -> memref<1x1x1x20x128xi32, #tpu.memory_space<hbm>>
          %dma_wait3A_75 = tpu.memref_squeeze %dma_wait3A_74 : memref<1x1x1x20x128xi32, #tpu.memory_space<hbm>> -> memref<20x128xi32, #tpu.memory_space<hbm>>
          %dma_wait3A_76 = arith.constant 0 : i32
          %dma_wait3A_77 = arith.constant 0 : i32
          %dma_wait3A_78 = tpu.memref_slice %arg10[%dma_wait3A_76, %dma_wait3A_77] : memref<20x128xi32, #tpu.memory_space<vmem>> -> memref<20x128xi32, #tpu.memory_space<vmem>>
          %dma_wait3A_79 = arith.constant 0 : i32
          %dma_wait3A_80 = arith.constant 0 : i32
          %dma_wait3A_81 = tpu.memref_slice %arg4[%arg1, %run_scoped3A_26, %scan3A_18, %dma_wait3A_79, %dma_wait3A_80] : memref<16x2x2x20x128xi32, #tpu.memory_space<hbm>> -> memref<1x1x1x20x128xi32, #tpu.memory_space<hbm>>
          %dma_wait3A_82 = tpu.memref_squeeze %dma_wait3A_81 : memref<1x1x1x20x128xi32, #tpu.memory_space<hbm>> -> memref<20x128xi32, #tpu.memory_space<hbm>>
          tpu.wait_dma2 semaphore(%run_scoped3A_54 : memref<!tpu.dma_semaphore, #tpu.memory_space<semaphore_mem>>) src(%dma_wait3A_82 : memref<20x128xi32, #tpu.memory_space<hbm>>) dst(%dma_wait3A_78 : memref<20x128xi32, #tpu.memory_space<vmem>>)
          tpu.yield
        }) : () -> ()
        %run_scoped3A_27 = arith.constant 1 : i32
        "tpu.region"() ({
          %run_scoped3A_54 = tpu.sem_alloc : memref<!tpu.dma_semaphore, #tpu.memory_space<semaphore_mem>>
          %dma_start3A_55 = arith.constant 0 : i32
          %dma_start3A_56 = arith.constant 0 : i32
          %dma_start3A_57 = tpu.memref_slice %arg12[%dma_start3A_55, %dma_start3A_56] : memref<20x128xi32, #tpu.memory_space<vmem>> -> memref<20x128xi32, #tpu.memory_space<vmem>>
          %dma_start3A_58 = arith.constant 0 : i32
          %dma_start3A_59 = arith.constant 0 : i32
          %dma_start3A_60 = tpu.memref_slice %arg5[%arg1, %run_scoped3A_27, %scan3A_18, %dma_start3A_58, %dma_start3A_59] : memref<16x2x2x20x128xi32, #tpu.memory_space<hbm>> -> memref<1x1x1x20x128xi32, #tpu.memory_space<hbm>>
          %dma_start3A_61 = tpu.memref_squeeze %dma_start3A_60 : memref<1x1x1x20x128xi32, #tpu.memory_space<hbm>> -> memref<20x128xi32, #tpu.memory_space<hbm>>
          %dma_start3A_62 = arith.constant 0 : i32
          %dma_start3A_63 = arith.constant 0 : i32
          %dma_start3A_64 = tpu.memref_slice %arg12[%dma_start3A_62, %dma_start3A_63] : memref<20x128xi32, #tpu.memory_space<vmem>> -> memref<20x128xi32, #tpu.memory_space<vmem>>
          %dma_start3A_65 = arith.constant 0 : i32
          %dma_start3A_66 = arith.constant 0 : i32
          %dma_start3A_67 = tpu.memref_slice %arg5[%arg1, %run_scoped3A_27, %scan3A_18, %dma_start3A_65, %dma_start3A_66] : memref<16x2x2x20x128xi32, #tpu.memory_space<hbm>> -> memref<1x1x1x20x128xi32, #tpu.memory_space<hbm>>
          %dma_start3A_68 = tpu.memref_squeeze %dma_start3A_67 : memref<1x1x1x20x128xi32, #tpu.memory_space<hbm>> -> memref<20x128xi32, #tpu.memory_space<hbm>>
          tpu.enqueue_dma source(%dma_start3A_68 : memref<20x128xi32, #tpu.memory_space<hbm>>) target(%dma_start3A_64 : memref<20x128xi32, #tpu.memory_space<vmem>>) target_semaphore(%run_scoped3A_54 : memref<!tpu.dma_semaphore, #tpu.memory_space<semaphore_mem>>)
          %dma_wait3A_69 = arith.constant 0 : i32
          %dma_wait3A_70 = arith.constant 0 : i32
          %dma_wait3A_71 = tpu.memref_slice %arg12[%dma_wait3A_69, %dma_wait3A_70] : memref<20x128xi32, #tpu.memory_space<vmem>> -> memref<20x128xi32, #tpu.memory_space<vmem>>
          %dma_wait3A_72 = arith.constant 0 : i32
          %dma_wait3A_73 = arith.constant 0 : i32
          %dma_wait3A_74 = tpu.memref_slice %arg5[%arg1, %run_scoped3A_27, %scan3A_18, %dma_wait3A_72, %dma_wait3A_73] : memref<16x2x2x20x128xi32, #tpu.memory_space<hbm>> -> memref<1x1x1x20x128xi32, #tpu.memory_space<hbm>>
          %dma_wait3A_75 = tpu.memref_squeeze %dma_wait3A_74 : memref<1x1x1x20x128xi32, #tpu.memory_space<hbm>> -> memref<20x128xi32, #tpu.memory_space<hbm>>
          %dma_wait3A_76 = arith.constant 0 : i32
          %dma_wait3A_77 = arith.constant 0 : i32
          %dma_wait3A_78 = tpu.memref_slice %arg12[%dma_wait3A_76, %dma_wait3A_77] : memref<20x128xi32, #tpu.memory_space<vmem>> -> memref<20x128xi32, #tpu.memory_space<vmem>>
          %dma_wait3A_79 = arith.constant 0 : i32
          %dma_wait3A_80 = arith.constant 0 : i32
          %dma_wait3A_81 = tpu.memref_slice %arg5[%arg1, %run_scoped3A_27, %scan3A_18, %dma_wait3A_79, %dma_wait3A_80] : memref<16x2x2x20x128xi32, #tpu.memory_space<hbm>> -> memref<1x1x1x20x128xi32, #tpu.memory_space<hbm>>
          %dma_wait3A_82 = tpu.memref_squeeze %dma_wait3A_81 : memref<1x1x1x20x128xi32, #tpu.memory_space<hbm>> -> memref<20x128xi32, #tpu.memory_space<hbm>>
          tpu.wait_dma2 semaphore(%run_scoped3A_54 : memref<!tpu.dma_semaphore, #tpu.memory_space<semaphore_mem>>) src(%dma_wait3A_82 : memref<20x128xi32, #tpu.memory_space<hbm>>) dst(%dma_wait3A_78 : memref<20x128xi32, #tpu.memory_space<vmem>>)
          tpu.yield
        }) : () -> ()
        %dma_start3A_28 = arith.constant 0 : i32
        %dma_start3A_29 = arith.constant 0 : i32
        %dma_start3A_30 = tpu.memref_slice %arg10[%dma_start3A_28, %dma_start3A_29] : memref<20x128xi32, #tpu.memory_space<vmem>> -> memref<1x128xi32, #tpu.memory_space<vmem>>
        %dma_start3A_31 = tpu.memref_squeeze %dma_start3A_30 : memref<1x128xi32, #tpu.memory_space<vmem>> -> memref<128xi32, #tpu.memory_space<vmem>>
        %dma_start3A_32 = arith.constant 0 : i32
        %dma_start3A_33 = arith.constant 0 : i32
        %dma_start3A_34 = tpu.memref_slice %arg6[%dma_start3A_32, %dma_start3A_33] : memref<10240x128xf32, #tpu.memory_space<hbm>> -> memref<10240x128xf32, #tpu.memory_space<hbm>>
        tpu.enqueue_indirect_dma source(%dma_start3A_34 : memref<10240x128xf32, #tpu.memory_space<hbm>>) target(%arg14 : memref<128x128xf32, #tpu.memory_space<vmem>>) offsets(%dma_start3A_31 : memref<128xi32, #tpu.memory_space<vmem>>) semaphore(%arg17 : memref<!tpu.dma_semaphore, #tpu.memory_space<semaphore_mem>>)
        %scan3A_35 = arith.constant 0 : i32
        %scan3A_36 = arith.constant 0 : i32
        %scan3A_37 = arith.constant 20 : i32
        %scan3A_38 = arith.addi %scan3A_36, %scan3A_37 : i32
        %scan3A_39 = arith.constant 1 : i32
        scf.for %scan3A_54 = %scan3A_36 to %scan3A_38 step %scan3A_39  : i32 {
          %dma_wait3A_55 = arith.constant 0 : i32
          %dma_wait3A_56 = tpu.memref_slice %arg9[%scan3A_54, %dma_wait3A_55] : memref<20x128xi32, #tpu.memory_space<vmem>> -> memref<1x128xi32, #tpu.memory_space<vmem>>
          %dma_wait3A_57 = tpu.memref_squeeze %dma_wait3A_56 : memref<1x128xi32, #tpu.memory_space<vmem>> -> memref<128xi32, #tpu.memory_space<vmem>>
          %dma_wait3A_58 = arith.constant 0 : i32
          %dma_wait3A_59 = arith.constant 0 : i32
          %dma_wait3A_60 = tpu.memref_slice %arg6[%dma_wait3A_58, %dma_wait3A_59] : memref<10240x128xf32, #tpu.memory_space<hbm>> -> memref<10240x128xf32, #tpu.memory_space<hbm>>
          tpu.wait_indirect_dma semaphore(%arg16 : memref<!tpu.dma_semaphore, #tpu.memory_space<semaphore_mem>>) src(%dma_wait3A_60 : memref<10240x128xf32, #tpu.memory_space<hbm>>) dst(%arg13 : memref<128x128xf32, #tpu.memory_space<vmem>>)
          %dma_start3A_61 = arith.constant 0 : i32
          %dma_start3A_62 = tpu.memref_slice %arg11[%scan3A_54, %dma_start3A_61] : memref<20x128xi32, #tpu.memory_space<vmem>> -> memref<1x128xi32, #tpu.memory_space<vmem>>
          %dma_start3A_63 = tpu.memref_squeeze %dma_start3A_62 : memref<1x128xi32, #tpu.memory_space<vmem>> -> memref<128xi32, #tpu.memory_space<vmem>>
          %dma_start3A_64 = arith.constant 0 : i32
          %dma_start3A_65 = arith.constant 0 : i32
          %dma_start3A_66 = tpu.memref_slice %arg15[%dma_start3A_64, %dma_start3A_65] : memref<10240x128xf32, #tpu.memory_space<vmem_shared>> -> memref<10240x128xf32, #tpu.memory_space<vmem_shared>>
          tpu.enqueue_indirect_dma source(%arg13 : memref<128x128xf32, #tpu.memory_space<vmem>>) target(%dma_start3A_66 : memref<10240x128xf32, #tpu.memory_space<vmem_shared>>) offsets(%dma_start3A_63 : memref<128xi32, #tpu.memory_space<vmem>>) semaphore(%arg18 : memref<!tpu.dma_semaphore, #tpu.memory_space<semaphore_mem>>) {add = true}
          %dma_wait3A_67 = arith.constant 0 : i32
          %dma_wait3A_68 = tpu.memref_slice %arg10[%scan3A_54, %dma_wait3A_67] : memref<20x128xi32, #tpu.memory_space<vmem>> -> memref<1x128xi32, #tpu.memory_space<vmem>>
          %dma_wait3A_69 = tpu.memref_squeeze %dma_wait3A_68 : memref<1x128xi32, #tpu.memory_space<vmem>> -> memref<128xi32, #tpu.memory_space<vmem>>
          %dma_wait3A_70 = arith.constant 0 : i32
          %dma_wait3A_71 = arith.constant 0 : i32
          %dma_wait3A_72 = tpu.memref_slice %arg6[%dma_wait3A_70, %dma_wait3A_71] : memref<10240x128xf32, #tpu.memory_space<hbm>> -> memref<10240x128xf32, #tpu.memory_space<hbm>>
          tpu.wait_indirect_dma semaphore(%arg17 : memref<!tpu.dma_semaphore, #tpu.memory_space<semaphore_mem>>) src(%dma_wait3A_72 : memref<10240x128xf32, #tpu.memory_space<hbm>>) dst(%arg14 : memref<128x128xf32, #tpu.memory_space<vmem>>)
          %dma_start3A_73 = arith.constant 0 : i32
          %dma_start3A_74 = tpu.memref_slice %arg12[%scan3A_54, %dma_start3A_73] : memref<20x128xi32, #tpu.memory_space<vmem>> -> memref<1x128xi32, #tpu.memory_space<vmem>>
          %dma_start3A_75 = tpu.memref_squeeze %dma_start3A_74 : memref<1x128xi32, #tpu.memory_space<vmem>> -> memref<128xi32, #tpu.memory_space<vmem>>
          %dma_start3A_76 = arith.constant 0 : i32
          %dma_start3A_77 = arith.constant 0 : i32
          %dma_start3A_78 = tpu.memref_slice %arg15[%dma_start3A_76, %dma_start3A_77] : memref<10240x128xf32, #tpu.memory_space<vmem_shared>> -> memref<10240x128xf32, #tpu.memory_space<vmem_shared>>
          tpu.enqueue_indirect_dma source(%arg14 : memref<128x128xf32, #tpu.memory_space<vmem>>) target(%dma_start3A_78 : memref<10240x128xf32, #tpu.memory_space<vmem_shared>>) offsets(%dma_start3A_75 : memref<128xi32, #tpu.memory_space<vmem>>) semaphore(%arg19 : memref<!tpu.dma_semaphore, #tpu.memory_space<semaphore_mem>>) {add = true}
          %dma_wait3A_79 = arith.constant 0 : i32
          %dma_wait3A_80 = tpu.memref_slice %arg11[%scan3A_54, %dma_wait3A_79] : memref<20x128xi32, #tpu.memory_space<vmem>> -> memref<1x128xi32, #tpu.memory_space<vmem>>
          %dma_wait3A_81 = tpu.memref_squeeze %dma_wait3A_80 : memref<1x128xi32, #tpu.memory_space<vmem>> -> memref<128xi32, #tpu.memory_space<vmem>>
          %dma_wait3A_82 = arith.constant 0 : i32
          %dma_wait3A_83 = arith.constant 0 : i32
          %dma_wait3A_84 = tpu.memref_slice %arg15[%dma_wait3A_82, %dma_wait3A_83] : memref<10240x128xf32, #tpu.memory_space<vmem_shared>> -> memref<10240x128xf32, #tpu.memory_space<vmem_shared>>
          tpu.wait_indirect_dma semaphore(%arg18 : memref<!tpu.dma_semaphore, #tpu.memory_space<semaphore_mem>>) src(%arg13 : memref<128x128xf32, #tpu.memory_space<vmem>>) dst(%dma_wait3A_84 : memref<10240x128xf32, #tpu.memory_space<vmem_shared>>)
          %add3A = arith.constant 1 : i32
          %add3A_85 = arith.addi %scan3A_54, %add3A : i32
          %min3A = arith.constant 19 : i32
          %min3A_86 = arith.minsi %add3A_85, %min3A : i32
          %dma_start3A_87 = arith.constant 0 : i32
          %dma_start3A_88 = tpu.memref_slice %arg9[%min3A_86, %dma_start3A_87] : memref<20x128xi32, #tpu.memory_space<vmem>> -> memref<1x128xi32, #tpu.memory_space<vmem>>
          %dma_start3A_89 = tpu.memref_squeeze %dma_start3A_88 : memref<1x128xi32, #tpu.memory_space<vmem>> -> memref<128xi32, #tpu.memory_space<vmem>>
          %dma_start3A_90 = arith.constant 0 : i32
          %dma_start3A_91 = arith.constant 0 : i32
          %dma_start3A_92 = tpu.memref_slice %arg6[%dma_start3A_90, %dma_start3A_91] : memref<10240x128xf32, #tpu.memory_space<hbm>> -> memref<10240x128xf32, #tpu.memory_space<hbm>>
          tpu.enqueue_indirect_dma source(%dma_start3A_92 : memref<10240x128xf32, #tpu.memory_space<hbm>>) target(%arg13 : memref<128x128xf32, #tpu.memory_space<vmem>>) offsets(%dma_start3A_89 : memref<128xi32, #tpu.memory_space<vmem>>) semaphore(%arg16 : memref<!tpu.dma_semaphore, #tpu.memory_space<semaphore_mem>>)
          %dma_wait3A_93 = arith.constant 0 : i32
          %dma_wait3A_94 = tpu.memref_slice %arg12[%scan3A_54, %dma_wait3A_93] : memref<20x128xi32, #tpu.memory_space<vmem>> -> memref<1x128xi32, #tpu.memory_space<vmem>>
          %dma_wait3A_95 = tpu.memref_squeeze %dma_wait3A_94 : memref<1x128xi32, #tpu.memory_space<vmem>> -> memref<128xi32, #tpu.memory_space<vmem>>
          %dma_wait3A_96 = arith.constant 0 : i32
          %dma_wait3A_97 = arith.constant 0 : i32
          %dma_wait3A_98 = tpu.memref_slice %arg15[%dma_wait3A_96, %dma_wait3A_97] : memref<10240x128xf32, #tpu.memory_space<vmem_shared>> -> memref<10240x128xf32, #tpu.memory_space<vmem_shared>>
          tpu.wait_indirect_dma semaphore(%arg19 : memref<!tpu.dma_semaphore, #tpu.memory_space<semaphore_mem>>) src(%arg14 : memref<128x128xf32, #tpu.memory_space<vmem>>) dst(%dma_wait3A_98 : memref<10240x128xf32, #tpu.memory_space<vmem_shared>>)
          %add3A_99 = arith.constant 1 : i32
          %add3A_100 = arith.addi %scan3A_54, %add3A_99 : i32
          %min3A_101 = arith.constant 19 : i32
          %min3A_102 = arith.minsi %add3A_100, %min3A_101 : i32
          %dma_start3A_103 = arith.constant 0 : i32
          %dma_start3A_104 = tpu.memref_slice %arg10[%min3A_102, %dma_start3A_103] : memref<20x128xi32, #tpu.memory_space<vmem>> -> memref<1x128xi32, #tpu.memory_space<vmem>>
          %dma_start3A_105 = tpu.memref_squeeze %dma_start3A_104 : memref<1x128xi32, #tpu.memory_space<vmem>> -> memref<128xi32, #tpu.memory_space<vmem>>
          %dma_start3A_106 = arith.constant 0 : i32
          %dma_start3A_107 = arith.constant 0 : i32
          %dma_start3A_108 = tpu.memref_slice %arg6[%dma_start3A_106, %dma_start3A_107] : memref<10240x128xf32, #tpu.memory_space<hbm>> -> memref<10240x128xf32, #tpu.memory_space<hbm>>
          tpu.enqueue_indirect_dma source(%dma_start3A_108 : memref<10240x128xf32, #tpu.memory_space<hbm>>) target(%arg14 : memref<128x128xf32, #tpu.memory_space<vmem>>) offsets(%dma_start3A_105 : memref<128xi32, #tpu.memory_space<vmem>>) semaphore(%arg17 : memref<!tpu.dma_semaphore, #tpu.memory_space<semaphore_mem>>)
        }
        %scan3A_40 = arith.constant 20 : i32
        %dma_wait3A = arith.constant 19 : i32
        %dma_wait3A_41 = arith.constant 0 : i32
        %dma_wait3A_42 = tpu.memref_slice %arg9[%dma_wait3A, %dma_wait3A_41] : memref<20x128xi32, #tpu.memory_space<vmem>> -> memref<1x128xi32, #tpu.memory_space<vmem>>
        %dma_wait3A_43 = tpu.memref_squeeze %dma_wait3A_42 : memref<1x128xi32, #tpu.memory_space<vmem>> -> memref<128xi32, #tpu.memory_space<vmem>>
        %dma_wait3A_44 = arith.constant 0 : i32
        %dma_wait3A_45 = arith.constant 0 : i32
        %dma_wait3A_46 = tpu.memref_slice %arg6[%dma_wait3A_44, %dma_wait3A_45] : memref<10240x128xf32, #tpu.memory_space<hbm>> -> memref<10240x128xf32, #tpu.memory_space<hbm>>
        tpu.wait_indirect_dma semaphore(%arg16 : memref<!tpu.dma_semaphore, #tpu.memory_space<semaphore_mem>>) src(%dma_wait3A_46 : memref<10240x128xf32, #tpu.memory_space<hbm>>) dst(%arg13 : memref<128x128xf32, #tpu.memory_space<vmem>>)
        %dma_wait3A_47 = arith.constant 19 : i32
        %dma_wait3A_48 = arith.constant 0 : i32
        %dma_wait3A_49 = tpu.memref_slice %arg10[%dma_wait3A_47, %dma_wait3A_48] : memref<20x128xi32, #tpu.memory_space<vmem>> -> memref<1x128xi32, #tpu.memory_space<vmem>>
        %dma_wait3A_50 = tpu.memref_squeeze %dma_wait3A_49 : memref<1x128xi32, #tpu.memory_space<vmem>> -> memref<128xi32, #tpu.memory_space<vmem>>
        %dma_wait3A_51 = arith.constant 0 : i32
        %dma_wait3A_52 = arith.constant 0 : i32
        %dma_wait3A_53 = tpu.memref_slice %arg6[%dma_wait3A_51, %dma_wait3A_52] : memref<10240x128xf32, #tpu.memory_space<hbm>> -> memref<10240x128xf32, #tpu.memory_space<hbm>>
        tpu.wait_indirect_dma semaphore(%arg17 : memref<!tpu.dma_semaphore, #tpu.memory_space<semaphore_mem>>) src(%dma_wait3A_53 : memref<10240x128xf32, #tpu.memory_space<hbm>>) dst(%arg14 : memref<128x128xf32, #tpu.memory_space<vmem>>)
      }
      %scan3A_17 = arith.constant 2 : i32
    } else {
    }
    %barrier3A_8 = arith.constant 0 : index
    tpu.barrier barrier_id(%barrier3A_8)
    %mul3A_9 = arith.constant 640 : i32
    %mul3A_10 = arith.muli %arg1, %mul3A_9 : i32
    %mul3A_11 = arith.constant 640 : i32
    %mul3A_12 = arith.muli %arg1, %mul3A_11 : i32
    "tpu.region"() ({
      %run_scoped3A = tpu.sem_alloc : memref<!tpu.dma_semaphore, #tpu.memory_space<semaphore_mem>>
      %dma_start3A = arith.constant 0 : i32
      %dma_start3A_13 = tpu.memref_slice %arg8[%arg0, %mul3A_12, %dma_start3A] : memref<2x10240x128xf32, #tpu.memory_space<hbm>> -> memref<1x640x128xf32, #tpu.memory_space<hbm>>
      %dma_start3A_14 = tpu.memref_squeeze %dma_start3A_13 : memref<1x640x128xf32, #tpu.memory_space<hbm>> -> memref<640x128xf32, #tpu.memory_space<hbm>>
      %dma_start3A_15 = arith.constant 0 : i32
      %dma_start3A_16 = tpu.memref_slice %arg15[%mul3A_10, %dma_start3A_15] : memref<10240x128xf32, #tpu.memory_space<vmem_shared>> -> memref<640x128xf32, #tpu.memory_space<vmem_shared>>
      tpu.enqueue_dma source(%dma_start3A_16 : memref<640x128xf32, #tpu.memory_space<vmem_shared>>) target(%dma_start3A_14 : memref<640x128xf32, #tpu.memory_space<hbm>>) target_semaphore(%run_scoped3A : memref<!tpu.dma_semaphore, #tpu.memory_space<semaphore_mem>>)
      %dma_wait3A = arith.constant 0 : i32
      %dma_wait3A_17 = tpu.memref_slice %arg8[%arg0, %mul3A_12, %dma_wait3A] : memref<2x10240x128xf32, #tpu.memory_space<hbm>> -> memref<1x640x128xf32, #tpu.memory_space<hbm>>
      %dma_wait3A_18 = tpu.memref_squeeze %dma_wait3A_17 : memref<1x640x128xf32, #tpu.memory_space<hbm>> -> memref<640x128xf32, #tpu.memory_space<hbm>>
      %dma_wait3A_19 = arith.constant 0 : i32
      %dma_wait3A_20 = tpu.memref_slice %arg15[%mul3A_10, %dma_wait3A_19] : memref<10240x128xf32, #tpu.memory_space<vmem_shared>> -> memref<640x128xf32, #tpu.memory_space<vmem_shared>>
      tpu.wait_dma2 semaphore(%run_scoped3A : memref<!tpu.dma_semaphore, #tpu.memory_space<semaphore_mem>>) src(%dma_wait3A_20 : memref<640x128xf32, #tpu.memory_space<vmem_shared>>) dst(%dma_wait3A_18 : memref<640x128xf32, #tpu.memory_space<hbm>>)
      tpu.yield
    }) : () -> ()
    return
  }
}

#map = affine_map<(d0, d1) -> (0, 0, 0)>
#map1 = affine_map<(d0, d1) -> (0)>
#map2 = affine_map<(d0, d1) -> (0, 0)>
module attributes {stable_mosaic.version = 14 : i64} {
  func.func @_deg_body(%arg0: i32, %arg1: i32, %arg2: memref<32x80x128xi32, #tpu.memory_space<hbm>>, %arg3: memref<128xf32, #tpu.memory_space<hbm>>, %arg4: memref<640xf32, #tpu.memory_space<hbm>>, %arg5: memref<2x10240xf32, #tpu.memory_space<hbm>>, %arg6: memref<80x128xi32, #tpu.memory_space<vmem>>, %arg7: memref<128xf32, #tpu.memory_space<vmem>>, %arg8: memref<640xf32, #tpu.memory_space<vmem>>, %arg9: memref<10240xf32, #tpu.memory_space<vmem_shared>>) attributes {dimension_semantics = [#tpu.dimension_semantics<core_parallel>, #tpu.dimension_semantics<subcore_parallel>], iteration_bounds = array<i64: 2, 16>, scalar_prefetch = 0 : i64, scratch_operands = 4 : i64, tpu.core_type = #tpu.core_type<sc_vector_subcore>, window_params = [{transform_indices = #map}, {transform_indices = #map1}, {transform_indices = #map1}, {transform_indices = #map2}]} {
    %mul3A = arith.constant 2 : i32
    %mul3A_0 = arith.muli %arg1, %mul3A : i32
    %add3A = arith.addi %mul3A_0, %arg0 : i32
    "tpu.region"() ({
      %run_scoped3A = tpu.sem_alloc : memref<!tpu.dma_semaphore, #tpu.memory_space<semaphore_mem>>
      tpu.enqueue_dma source(%arg3 : memref<128xf32, #tpu.memory_space<hbm>>) target(%arg7 : memref<128xf32, #tpu.memory_space<vmem>>) target_semaphore(%run_scoped3A : memref<!tpu.dma_semaphore, #tpu.memory_space<semaphore_mem>>)
      tpu.wait_dma2 semaphore(%run_scoped3A : memref<!tpu.dma_semaphore, #tpu.memory_space<semaphore_mem>>) src(%arg3 : memref<128xf32, #tpu.memory_space<hbm>>) dst(%arg7 : memref<128xf32, #tpu.memory_space<vmem>>)
      tpu.yield
    }) : () -> ()
    "tpu.region"() ({
      %run_scoped3A = tpu.sem_alloc : memref<!tpu.dma_semaphore, #tpu.memory_space<semaphore_mem>>
      tpu.enqueue_dma source(%arg4 : memref<640xf32, #tpu.memory_space<hbm>>) target(%arg8 : memref<640xf32, #tpu.memory_space<vmem>>) target_semaphore(%run_scoped3A : memref<!tpu.dma_semaphore, #tpu.memory_space<semaphore_mem>>)
      tpu.wait_dma2 semaphore(%run_scoped3A : memref<!tpu.dma_semaphore, #tpu.memory_space<semaphore_mem>>) src(%arg4 : memref<640xf32, #tpu.memory_space<hbm>>) dst(%arg8 : memref<640xf32, #tpu.memory_space<vmem>>)
      tpu.yield
    }) : () -> ()
    %mul3A_1 = arith.constant 640 : i32
    %mul3A_2 = arith.muli %arg1, %mul3A_1 : i32
    "tpu.region"() ({
      %run_scoped3A = tpu.sem_alloc : memref<!tpu.dma_semaphore, #tpu.memory_space<semaphore_mem>>
      %dma_start3A = tpu.memref_slice %arg9[%mul3A_2] : memref<10240xf32, #tpu.memory_space<vmem_shared>> -> memref<640xf32, #tpu.memory_space<vmem_shared>>
      %dma_start3A_13 = tpu.memref_slice %arg9[%mul3A_2] : memref<10240xf32, #tpu.memory_space<vmem_shared>> -> memref<640xf32, #tpu.memory_space<vmem_shared>>
      tpu.enqueue_dma source(%arg8 : memref<640xf32, #tpu.memory_space<vmem>>) target(%dma_start3A_13 : memref<640xf32, #tpu.memory_space<vmem_shared>>) target_semaphore(%run_scoped3A : memref<!tpu.dma_semaphore, #tpu.memory_space<semaphore_mem>>)
      %dma_wait3A = tpu.memref_slice %arg9[%mul3A_2] : memref<10240xf32, #tpu.memory_space<vmem_shared>> -> memref<640xf32, #tpu.memory_space<vmem_shared>>
      %dma_wait3A_14 = tpu.memref_slice %arg9[%mul3A_2] : memref<10240xf32, #tpu.memory_space<vmem_shared>> -> memref<640xf32, #tpu.memory_space<vmem_shared>>
      tpu.wait_dma2 semaphore(%run_scoped3A : memref<!tpu.dma_semaphore, #tpu.memory_space<semaphore_mem>>) src(%arg8 : memref<640xf32, #tpu.memory_space<vmem>>) dst(%dma_wait3A_14 : memref<640xf32, #tpu.memory_space<vmem_shared>>)
      tpu.yield
    }) : () -> ()
    "tpu.region"() ({
      %run_scoped3A = tpu.sem_alloc : memref<!tpu.dma_semaphore, #tpu.memory_space<semaphore_mem>>
      %dma_start3A = arith.constant 0 : i32
      %dma_start3A_13 = arith.constant 0 : i32
      %dma_start3A_14 = tpu.memref_slice %arg2[%add3A, %dma_start3A, %dma_start3A_13] : memref<32x80x128xi32, #tpu.memory_space<hbm>> -> memref<1x80x128xi32, #tpu.memory_space<hbm>>
      %dma_start3A_15 = tpu.memref_squeeze %dma_start3A_14 : memref<1x80x128xi32, #tpu.memory_space<hbm>> -> memref<80x128xi32, #tpu.memory_space<hbm>>
      %dma_start3A_16 = arith.constant 0 : i32
      %dma_start3A_17 = arith.constant 0 : i32
      %dma_start3A_18 = tpu.memref_slice %arg2[%add3A, %dma_start3A_16, %dma_start3A_17] : memref<32x80x128xi32, #tpu.memory_space<hbm>> -> memref<1x80x128xi32, #tpu.memory_space<hbm>>
      %dma_start3A_19 = tpu.memref_squeeze %dma_start3A_18 : memref<1x80x128xi32, #tpu.memory_space<hbm>> -> memref<80x128xi32, #tpu.memory_space<hbm>>
      tpu.enqueue_dma source(%dma_start3A_19 : memref<80x128xi32, #tpu.memory_space<hbm>>) target(%arg6 : memref<80x128xi32, #tpu.memory_space<vmem>>) target_semaphore(%run_scoped3A : memref<!tpu.dma_semaphore, #tpu.memory_space<semaphore_mem>>)
      %dma_wait3A = arith.constant 0 : i32
      %dma_wait3A_20 = arith.constant 0 : i32
      %dma_wait3A_21 = tpu.memref_slice %arg2[%add3A, %dma_wait3A, %dma_wait3A_20] : memref<32x80x128xi32, #tpu.memory_space<hbm>> -> memref<1x80x128xi32, #tpu.memory_space<hbm>>
      %dma_wait3A_22 = tpu.memref_squeeze %dma_wait3A_21 : memref<1x80x128xi32, #tpu.memory_space<hbm>> -> memref<80x128xi32, #tpu.memory_space<hbm>>
      %dma_wait3A_23 = arith.constant 0 : i32
      %dma_wait3A_24 = arith.constant 0 : i32
      %dma_wait3A_25 = tpu.memref_slice %arg2[%add3A, %dma_wait3A_23, %dma_wait3A_24] : memref<32x80x128xi32, #tpu.memory_space<hbm>> -> memref<1x80x128xi32, #tpu.memory_space<hbm>>
      %dma_wait3A_26 = tpu.memref_squeeze %dma_wait3A_25 : memref<1x80x128xi32, #tpu.memory_space<hbm>> -> memref<80x128xi32, #tpu.memory_space<hbm>>
      tpu.wait_dma2 semaphore(%run_scoped3A : memref<!tpu.dma_semaphore, #tpu.memory_space<semaphore_mem>>) src(%dma_wait3A_26 : memref<80x128xi32, #tpu.memory_space<hbm>>) dst(%arg6 : memref<80x128xi32, #tpu.memory_space<vmem>>)
      tpu.yield
    }) : () -> ()
    %barrier3A = arith.constant 0 : index
    tpu.barrier barrier_id(%barrier3A)
    %scan3A = arith.constant 0 : i32
    %scan3A_3 = arith.constant 0 : i32
    %scan3A_4 = arith.constant 80 : i32
    %scan3A_5 = arith.addi %scan3A_3, %scan3A_4 : i32
    %scan3A_6 = arith.constant 1 : i32
    scf.for %scan3A_13 = %scan3A_3 to %scan3A_5 step %scan3A_6  : i32 {
      "tpu.region"() ({
        %run_scoped3A = tpu.sem_alloc : memref<!tpu.dma_semaphore, #tpu.memory_space<semaphore_mem>>
        %dma_start3A = arith.constant 0 : i32
        %dma_start3A_14 = tpu.memref_slice %arg6[%scan3A_13, %dma_start3A] : memref<80x128xi32, #tpu.memory_space<vmem>> -> memref<1x128xi32, #tpu.memory_space<vmem>>
        %dma_start3A_15 = tpu.memref_squeeze %dma_start3A_14 : memref<1x128xi32, #tpu.memory_space<vmem>> -> memref<128xi32, #tpu.memory_space<vmem>>
        %dma_start3A_16 = arith.constant 0 : i32
        %dma_start3A_17 = tpu.memref_slice %arg9[%dma_start3A_16] : memref<10240xf32, #tpu.memory_space<vmem_shared>> -> memref<10240xf32, #tpu.memory_space<vmem_shared>>
        tpu.enqueue_indirect_dma source(%arg7 : memref<128xf32, #tpu.memory_space<vmem>>) target(%dma_start3A_17 : memref<10240xf32, #tpu.memory_space<vmem_shared>>) offsets(%dma_start3A_15 : memref<128xi32, #tpu.memory_space<vmem>>) semaphore(%run_scoped3A : memref<!tpu.dma_semaphore, #tpu.memory_space<semaphore_mem>>) {add = true}
        %dma_wait3A = arith.constant 0 : i32
        %dma_wait3A_18 = tpu.memref_slice %arg6[%scan3A_13, %dma_wait3A] : memref<80x128xi32, #tpu.memory_space<vmem>> -> memref<1x128xi32, #tpu.memory_space<vmem>>
        %dma_wait3A_19 = tpu.memref_squeeze %dma_wait3A_18 : memref<1x128xi32, #tpu.memory_space<vmem>> -> memref<128xi32, #tpu.memory_space<vmem>>
        %dma_wait3A_20 = arith.constant 0 : i32
        %dma_wait3A_21 = tpu.memref_slice %arg9[%dma_wait3A_20] : memref<10240xf32, #tpu.memory_space<vmem_shared>> -> memref<10240xf32, #tpu.memory_space<vmem_shared>>
        tpu.wait_indirect_dma semaphore(%run_scoped3A : memref<!tpu.dma_semaphore, #tpu.memory_space<semaphore_mem>>) src(%arg7 : memref<128xf32, #tpu.memory_space<vmem>>) dst(%dma_wait3A_21 : memref<10240xf32, #tpu.memory_space<vmem_shared>>)
        tpu.yield
      }) : () -> ()
    }
    %scan3A_7 = arith.constant 80 : i32
    %barrier3A_8 = arith.constant 0 : index
    tpu.barrier barrier_id(%barrier3A_8)
    %mul3A_9 = arith.constant 640 : i32
    %mul3A_10 = arith.muli %arg1, %mul3A_9 : i32
    %mul3A_11 = arith.constant 640 : i32
    %mul3A_12 = arith.muli %arg1, %mul3A_11 : i32
    "tpu.region"() ({
      %run_scoped3A = tpu.sem_alloc : memref<!tpu.dma_semaphore, #tpu.memory_space<semaphore_mem>>
      %dma_start3A = tpu.memref_slice %arg5[%arg0, %mul3A_12] : memref<2x10240xf32, #tpu.memory_space<hbm>> -> memref<1x640xf32, #tpu.memory_space<hbm>>
      %dma_start3A_13 = tpu.memref_squeeze %dma_start3A : memref<1x640xf32, #tpu.memory_space<hbm>> -> memref<640xf32, #tpu.memory_space<hbm>>
      %dma_start3A_14 = tpu.memref_slice %arg9[%mul3A_10] : memref<10240xf32, #tpu.memory_space<vmem_shared>> -> memref<640xf32, #tpu.memory_space<vmem_shared>>
      tpu.enqueue_dma source(%dma_start3A_14 : memref<640xf32, #tpu.memory_space<vmem_shared>>) target(%dma_start3A_13 : memref<640xf32, #tpu.memory_space<hbm>>) target_semaphore(%run_scoped3A : memref<!tpu.dma_semaphore, #tpu.memory_space<semaphore_mem>>)
      %dma_wait3A = tpu.memref_slice %arg5[%arg0, %mul3A_12] : memref<2x10240xf32, #tpu.memory_space<hbm>> -> memref<1x640xf32, #tpu.memory_space<hbm>>
      %dma_wait3A_15 = tpu.memref_squeeze %dma_wait3A : memref<1x640xf32, #tpu.memory_space<hbm>> -> memref<640xf32, #tpu.memory_space<hbm>>
      %dma_wait3A_16 = tpu.memref_slice %arg9[%mul3A_10] : memref<10240xf32, #tpu.memory_space<vmem_shared>> -> memref<640xf32, #tpu.memory_space<vmem_shared>>
      tpu.wait_dma2 semaphore(%run_scoped3A : memref<!tpu.dma_semaphore, #tpu.memory_space<semaphore_mem>>) src(%dma_wait3A_16 : memref<640xf32, #tpu.memory_space<vmem_shared>>) dst(%dma_wait3A_15 : memref<640xf32, #tpu.memory_space<hbm>>)
      tpu.yield
    }) : () -> ()
    return
  }
}

#map = affine_map<(d0, d1) -> (0, 0, 0, 0, 0)>
#map1 = affine_map<(d0, d1) -> (0, 0)>
#map2 = affine_map<(d0, d1) -> (0, 0, 0)>
module attributes {stable_mosaic.version = 14 : i64} {
  func.func @_agg_body(%arg0: i32, %arg1: i32, %arg2: memref<16x2x2x20x128xi32, #tpu.memory_space<hbm>>, %arg3: memref<16x2x2x20x128xi32, #tpu.memory_space<hbm>>, %arg4: memref<16x2x2x20x128xi32, #tpu.memory_space<hbm>>, %arg5: memref<16x2x2x20x128xi32, #tpu.memory_space<hbm>>, %arg6: memref<10240x128xf32, #tpu.memory_space<hbm>>, %arg7: memref<640x128xf32, #tpu.memory_space<hbm>>, %arg8: memref<2x10240x128xf32, #tpu.memory_space<hbm>>, %arg9: memref<20x128xi32, #tpu.memory_space<vmem>>, %arg10: memref<20x128xi32, #tpu.memory_space<vmem>>, %arg11: memref<20x128xi32, #tpu.memory_space<vmem>>, %arg12: memref<20x128xi32, #tpu.memory_space<vmem>>, %arg13: memref<128x128xf32, #tpu.memory_space<vmem>>, %arg14: memref<128x128xf32, #tpu.memory_space<vmem>>, %arg15: memref<10240x128xf32, #tpu.memory_space<vmem_shared>>, %arg16: memref<!tpu.dma_semaphore, #tpu.memory_space<semaphore_mem>>, %arg17: memref<!tpu.dma_semaphore, #tpu.memory_space<semaphore_mem>>, %arg18: memref<!tpu.dma_semaphore, #tpu.memory_space<semaphore_mem>>, %arg19: memref<!tpu.dma_semaphore, #tpu.memory_space<semaphore_mem>>) attributes {dimension_semantics = [#tpu.dimension_semantics<core_parallel>, #tpu.dimension_semantics<subcore_parallel>], iteration_bounds = array<i64: 2, 16>, scalar_prefetch = 0 : i64, scratch_operands = 11 : i64, tpu.core_type = #tpu.core_type<sc_vector_subcore>, window_params = [{transform_indices = #map}, {transform_indices = #map}, {transform_indices = #map}, {transform_indices = #map}, {transform_indices = #map1}, {transform_indices = #map1}, {transform_indices = #map2}]} {
    %mul3A = arith.constant 640 : i32
    %mul3A_0 = arith.muli %arg1, %mul3A : i32
    "tpu.region"() ({
      %run_scoped3A = tpu.sem_alloc : memref<!tpu.dma_semaphore, #tpu.memory_space<semaphore_mem>>
      %dma_start3A = arith.constant 0 : i32
      %dma_start3A_13 = tpu.memref_slice %arg15[%mul3A_0, %dma_start3A] : memref<10240x128xf32, #tpu.memory_space<vmem_shared>> -> memref<640x128xf32, #tpu.memory_space<vmem_shared>>
      tpu.enqueue_dma source(%arg7 : memref<640x128xf32, #tpu.memory_space<hbm>>) target(%dma_start3A_13 : memref<640x128xf32, #tpu.memory_space<vmem_shared>>) target_semaphore(%run_scoped3A : memref<!tpu.dma_semaphore, #tpu.memory_space<semaphore_mem>>)
      %dma_wait3A = arith.constant 0 : i32
      %dma_wait3A_14 = tpu.memref_slice %arg15[%mul3A_0, %dma_wait3A] : memref<10240x128xf32, #tpu.memory_space<vmem_shared>> -> memref<640x128xf32, #tpu.memory_space<vmem_shared>>
      tpu.wait_dma2 semaphore(%run_scoped3A : memref<!tpu.dma_semaphore, #tpu.memory_space<semaphore_mem>>) src(%arg7 : memref<640x128xf32, #tpu.memory_space<hbm>>) dst(%dma_wait3A_14 : memref<640x128xf32, #tpu.memory_space<vmem_shared>>)
      tpu.yield
    }) : () -> ()
    %barrier3A = arith.constant 0 : index
    tpu.barrier barrier_id(%barrier3A)
    %eq3A = arith.constant 0 : i32
    %eq3A_1 = arith.cmpi eq, %arg0, %eq3A : i32
    %convert_element_type3A = arith.extui %eq3A_1 : i1 to i32
    %cond3A = arith.constant 0 : i32
    %cond3A_2 = arith.cmpi ne, %convert_element_type3A, %cond3A : i32
    scf.if %cond3A_2 {
      %scan3A = arith.constant 0 : i32
      %scan3A_13 = arith.constant 0 : i32
      %scan3A_14 = arith.constant 2 : i32
      %scan3A_15 = arith.addi %scan3A_13, %scan3A_14 : i32
      %scan3A_16 = arith.constant 1 : i32
      scf.for %scan3A_18 = %scan3A_13 to %scan3A_15 step %scan3A_16  : i32 {
        %run_scoped3A = arith.constant 0 : i32
        "tpu.region"() ({
          %run_scoped3A_54 = tpu.sem_alloc : memref<!tpu.dma_semaphore, #tpu.memory_space<semaphore_mem>>
          %dma_start3A_55 = arith.constant 0 : i32
          %dma_start3A_56 = arith.constant 0 : i32
          %dma_start3A_57 = tpu.memref_slice %arg9[%dma_start3A_55, %dma_start3A_56] : memref<20x128xi32, #tpu.memory_space<vmem>> -> memref<20x128xi32, #tpu.memory_space<vmem>>
          %dma_start3A_58 = arith.constant 0 : i32
          %dma_start3A_59 = arith.constant 0 : i32
          %dma_start3A_60 = tpu.memref_slice %arg2[%arg1, %run_scoped3A, %scan3A_18, %dma_start3A_58, %dma_start3A_59] : memref<16x2x2x20x128xi32, #tpu.memory_space<hbm>> -> memref<1x1x1x20x128xi32, #tpu.memory_space<hbm>>
          %dma_start3A_61 = tpu.memref_squeeze %dma_start3A_60 : memref<1x1x1x20x128xi32, #tpu.memory_space<hbm>> -> memref<20x128xi32, #tpu.memory_space<hbm>>
          %dma_start3A_62 = arith.constant 0 : i32
          %dma_start3A_63 = arith.constant 0 : i32
          %dma_start3A_64 = tpu.memref_slice %arg9[%dma_start3A_62, %dma_start3A_63] : memref<20x128xi32, #tpu.memory_space<vmem>> -> memref<20x128xi32, #tpu.memory_space<vmem>>
          %dma_start3A_65 = arith.constant 0 : i32
          %dma_start3A_66 = arith.constant 0 : i32
          %dma_start3A_67 = tpu.memref_slice %arg2[%arg1, %run_scoped3A, %scan3A_18, %dma_start3A_65, %dma_start3A_66] : memref<16x2x2x20x128xi32, #tpu.memory_space<hbm>> -> memref<1x1x1x20x128xi32, #tpu.memory_space<hbm>>
          %dma_start3A_68 = tpu.memref_squeeze %dma_start3A_67 : memref<1x1x1x20x128xi32, #tpu.memory_space<hbm>> -> memref<20x128xi32, #tpu.memory_space<hbm>>
          tpu.enqueue_dma source(%dma_start3A_68 : memref<20x128xi32, #tpu.memory_space<hbm>>) target(%dma_start3A_64 : memref<20x128xi32, #tpu.memory_space<vmem>>) target_semaphore(%run_scoped3A_54 : memref<!tpu.dma_semaphore, #tpu.memory_space<semaphore_mem>>)
          %dma_wait3A_69 = arith.constant 0 : i32
          %dma_wait3A_70 = arith.constant 0 : i32
          %dma_wait3A_71 = tpu.memref_slice %arg9[%dma_wait3A_69, %dma_wait3A_70] : memref<20x128xi32, #tpu.memory_space<vmem>> -> memref<20x128xi32, #tpu.memory_space<vmem>>
          %dma_wait3A_72 = arith.constant 0 : i32
          %dma_wait3A_73 = arith.constant 0 : i32
          %dma_wait3A_74 = tpu.memref_slice %arg2[%arg1, %run_scoped3A, %scan3A_18, %dma_wait3A_72, %dma_wait3A_73] : memref<16x2x2x20x128xi32, #tpu.memory_space<hbm>> -> memref<1x1x1x20x128xi32, #tpu.memory_space<hbm>>
          %dma_wait3A_75 = tpu.memref_squeeze %dma_wait3A_74 : memref<1x1x1x20x128xi32, #tpu.memory_space<hbm>> -> memref<20x128xi32, #tpu.memory_space<hbm>>
          %dma_wait3A_76 = arith.constant 0 : i32
          %dma_wait3A_77 = arith.constant 0 : i32
          %dma_wait3A_78 = tpu.memref_slice %arg9[%dma_wait3A_76, %dma_wait3A_77] : memref<20x128xi32, #tpu.memory_space<vmem>> -> memref<20x128xi32, #tpu.memory_space<vmem>>
          %dma_wait3A_79 = arith.constant 0 : i32
          %dma_wait3A_80 = arith.constant 0 : i32
          %dma_wait3A_81 = tpu.memref_slice %arg2[%arg1, %run_scoped3A, %scan3A_18, %dma_wait3A_79, %dma_wait3A_80] : memref<16x2x2x20x128xi32, #tpu.memory_space<hbm>> -> memref<1x1x1x20x128xi32, #tpu.memory_space<hbm>>
          %dma_wait3A_82 = tpu.memref_squeeze %dma_wait3A_81 : memref<1x1x1x20x128xi32, #tpu.memory_space<hbm>> -> memref<20x128xi32, #tpu.memory_space<hbm>>
          tpu.wait_dma2 semaphore(%run_scoped3A_54 : memref<!tpu.dma_semaphore, #tpu.memory_space<semaphore_mem>>) src(%dma_wait3A_82 : memref<20x128xi32, #tpu.memory_space<hbm>>) dst(%dma_wait3A_78 : memref<20x128xi32, #tpu.memory_space<vmem>>)
          tpu.yield
        }) : () -> ()
        %run_scoped3A_19 = arith.constant 0 : i32
        "tpu.region"() ({
          %run_scoped3A_54 = tpu.sem_alloc : memref<!tpu.dma_semaphore, #tpu.memory_space<semaphore_mem>>
          %dma_start3A_55 = arith.constant 0 : i32
          %dma_start3A_56 = arith.constant 0 : i32
          %dma_start3A_57 = tpu.memref_slice %arg11[%dma_start3A_55, %dma_start3A_56] : memref<20x128xi32, #tpu.memory_space<vmem>> -> memref<20x128xi32, #tpu.memory_space<vmem>>
          %dma_start3A_58 = arith.constant 0 : i32
          %dma_start3A_59 = arith.constant 0 : i32
          %dma_start3A_60 = tpu.memref_slice %arg3[%arg1, %run_scoped3A_19, %scan3A_18, %dma_start3A_58, %dma_start3A_59] : memref<16x2x2x20x128xi32, #tpu.memory_space<hbm>> -> memref<1x1x1x20x128xi32, #tpu.memory_space<hbm>>
          %dma_start3A_61 = tpu.memref_squeeze %dma_start3A_60 : memref<1x1x1x20x128xi32, #tpu.memory_space<hbm>> -> memref<20x128xi32, #tpu.memory_space<hbm>>
          %dma_start3A_62 = arith.constant 0 : i32
          %dma_start3A_63 = arith.constant 0 : i32
          %dma_start3A_64 = tpu.memref_slice %arg11[%dma_start3A_62, %dma_start3A_63] : memref<20x128xi32, #tpu.memory_space<vmem>> -> memref<20x128xi32, #tpu.memory_space<vmem>>
          %dma_start3A_65 = arith.constant 0 : i32
          %dma_start3A_66 = arith.constant 0 : i32
          %dma_start3A_67 = tpu.memref_slice %arg3[%arg1, %run_scoped3A_19, %scan3A_18, %dma_start3A_65, %dma_start3A_66] : memref<16x2x2x20x128xi32, #tpu.memory_space<hbm>> -> memref<1x1x1x20x128xi32, #tpu.memory_space<hbm>>
          %dma_start3A_68 = tpu.memref_squeeze %dma_start3A_67 : memref<1x1x1x20x128xi32, #tpu.memory_space<hbm>> -> memref<20x128xi32, #tpu.memory_space<hbm>>
          tpu.enqueue_dma source(%dma_start3A_68 : memref<20x128xi32, #tpu.memory_space<hbm>>) target(%dma_start3A_64 : memref<20x128xi32, #tpu.memory_space<vmem>>) target_semaphore(%run_scoped3A_54 : memref<!tpu.dma_semaphore, #tpu.memory_space<semaphore_mem>>)
          %dma_wait3A_69 = arith.constant 0 : i32
          %dma_wait3A_70 = arith.constant 0 : i32
          %dma_wait3A_71 = tpu.memref_slice %arg11[%dma_wait3A_69, %dma_wait3A_70] : memref<20x128xi32, #tpu.memory_space<vmem>> -> memref<20x128xi32, #tpu.memory_space<vmem>>
          %dma_wait3A_72 = arith.constant 0 : i32
          %dma_wait3A_73 = arith.constant 0 : i32
          %dma_wait3A_74 = tpu.memref_slice %arg3[%arg1, %run_scoped3A_19, %scan3A_18, %dma_wait3A_72, %dma_wait3A_73] : memref<16x2x2x20x128xi32, #tpu.memory_space<hbm>> -> memref<1x1x1x20x128xi32, #tpu.memory_space<hbm>>
          %dma_wait3A_75 = tpu.memref_squeeze %dma_wait3A_74 : memref<1x1x1x20x128xi32, #tpu.memory_space<hbm>> -> memref<20x128xi32, #tpu.memory_space<hbm>>
          %dma_wait3A_76 = arith.constant 0 : i32
          %dma_wait3A_77 = arith.constant 0 : i32
          %dma_wait3A_78 = tpu.memref_slice %arg11[%dma_wait3A_76, %dma_wait3A_77] : memref<20x128xi32, #tpu.memory_space<vmem>> -> memref<20x128xi32, #tpu.memory_space<vmem>>
          %dma_wait3A_79 = arith.constant 0 : i32
          %dma_wait3A_80 = arith.constant 0 : i32
          %dma_wait3A_81 = tpu.memref_slice %arg3[%arg1, %run_scoped3A_19, %scan3A_18, %dma_wait3A_79, %dma_wait3A_80] : memref<16x2x2x20x128xi32, #tpu.memory_space<hbm>> -> memref<1x1x1x20x128xi32, #tpu.memory_space<hbm>>
          %dma_wait3A_82 = tpu.memref_squeeze %dma_wait3A_81 : memref<1x1x1x20x128xi32, #tpu.memory_space<hbm>> -> memref<20x128xi32, #tpu.memory_space<hbm>>
          tpu.wait_dma2 semaphore(%run_scoped3A_54 : memref<!tpu.dma_semaphore, #tpu.memory_space<semaphore_mem>>) src(%dma_wait3A_82 : memref<20x128xi32, #tpu.memory_space<hbm>>) dst(%dma_wait3A_78 : memref<20x128xi32, #tpu.memory_space<vmem>>)
          tpu.yield
        }) : () -> ()
        %dma_start3A = arith.constant 0 : i32
        %dma_start3A_20 = arith.constant 0 : i32
        %dma_start3A_21 = tpu.memref_slice %arg9[%dma_start3A, %dma_start3A_20] : memref<20x128xi32, #tpu.memory_space<vmem>> -> memref<1x128xi32, #tpu.memory_space<vmem>>
        %dma_start3A_22 = tpu.memref_squeeze %dma_start3A_21 : memref<1x128xi32, #tpu.memory_space<vmem>> -> memref<128xi32, #tpu.memory_space<vmem>>
        %dma_start3A_23 = arith.constant 0 : i32
        %dma_start3A_24 = arith.constant 0 : i32
        %dma_start3A_25 = tpu.memref_slice %arg6[%dma_start3A_23, %dma_start3A_24] : memref<10240x128xf32, #tpu.memory_space<hbm>> -> memref<10240x128xf32, #tpu.memory_space<hbm>>
        tpu.enqueue_indirect_dma source(%dma_start3A_25 : memref<10240x128xf32, #tpu.memory_space<hbm>>) target(%arg13 : memref<128x128xf32, #tpu.memory_space<vmem>>) offsets(%dma_start3A_22 : memref<128xi32, #tpu.memory_space<vmem>>) semaphore(%arg16 : memref<!tpu.dma_semaphore, #tpu.memory_space<semaphore_mem>>)
        %run_scoped3A_26 = arith.constant 1 : i32
        "tpu.region"() ({
          %run_scoped3A_54 = tpu.sem_alloc : memref<!tpu.dma_semaphore, #tpu.memory_space<semaphore_mem>>
          %dma_start3A_55 = arith.constant 0 : i32
          %dma_start3A_56 = arith.constant 0 : i32
          %dma_start3A_57 = tpu.memref_slice %arg10[%dma_start3A_55, %dma_start3A_56] : memref<20x128xi32, #tpu.memory_space<vmem>> -> memref<20x128xi32, #tpu.memory_space<vmem>>
          %dma_start3A_58 = arith.constant 0 : i32
          %dma_start3A_59 = arith.constant 0 : i32
          %dma_start3A_60 = tpu.memref_slice %arg2[%arg1, %run_scoped3A_26, %scan3A_18, %dma_start3A_58, %dma_start3A_59] : memref<16x2x2x20x128xi32, #tpu.memory_space<hbm>> -> memref<1x1x1x20x128xi32, #tpu.memory_space<hbm>>
          %dma_start3A_61 = tpu.memref_squeeze %dma_start3A_60 : memref<1x1x1x20x128xi32, #tpu.memory_space<hbm>> -> memref<20x128xi32, #tpu.memory_space<hbm>>
          %dma_start3A_62 = arith.constant 0 : i32
          %dma_start3A_63 = arith.constant 0 : i32
          %dma_start3A_64 = tpu.memref_slice %arg10[%dma_start3A_62, %dma_start3A_63] : memref<20x128xi32, #tpu.memory_space<vmem>> -> memref<20x128xi32, #tpu.memory_space<vmem>>
          %dma_start3A_65 = arith.constant 0 : i32
          %dma_start3A_66 = arith.constant 0 : i32
          %dma_start3A_67 = tpu.memref_slice %arg2[%arg1, %run_scoped3A_26, %scan3A_18, %dma_start3A_65, %dma_start3A_66] : memref<16x2x2x20x128xi32, #tpu.memory_space<hbm>> -> memref<1x1x1x20x128xi32, #tpu.memory_space<hbm>>
          %dma_start3A_68 = tpu.memref_squeeze %dma_start3A_67 : memref<1x1x1x20x128xi32, #tpu.memory_space<hbm>> -> memref<20x128xi32, #tpu.memory_space<hbm>>
          tpu.enqueue_dma source(%dma_start3A_68 : memref<20x128xi32, #tpu.memory_space<hbm>>) target(%dma_start3A_64 : memref<20x128xi32, #tpu.memory_space<vmem>>) target_semaphore(%run_scoped3A_54 : memref<!tpu.dma_semaphore, #tpu.memory_space<semaphore_mem>>)
          %dma_wait3A_69 = arith.constant 0 : i32
          %dma_wait3A_70 = arith.constant 0 : i32
          %dma_wait3A_71 = tpu.memref_slice %arg10[%dma_wait3A_69, %dma_wait3A_70] : memref<20x128xi32, #tpu.memory_space<vmem>> -> memref<20x128xi32, #tpu.memory_space<vmem>>
          %dma_wait3A_72 = arith.constant 0 : i32
          %dma_wait3A_73 = arith.constant 0 : i32
          %dma_wait3A_74 = tpu.memref_slice %arg2[%arg1, %run_scoped3A_26, %scan3A_18, %dma_wait3A_72, %dma_wait3A_73] : memref<16x2x2x20x128xi32, #tpu.memory_space<hbm>> -> memref<1x1x1x20x128xi32, #tpu.memory_space<hbm>>
          %dma_wait3A_75 = tpu.memref_squeeze %dma_wait3A_74 : memref<1x1x1x20x128xi32, #tpu.memory_space<hbm>> -> memref<20x128xi32, #tpu.memory_space<hbm>>
          %dma_wait3A_76 = arith.constant 0 : i32
          %dma_wait3A_77 = arith.constant 0 : i32
          %dma_wait3A_78 = tpu.memref_slice %arg10[%dma_wait3A_76, %dma_wait3A_77] : memref<20x128xi32, #tpu.memory_space<vmem>> -> memref<20x128xi32, #tpu.memory_space<vmem>>
          %dma_wait3A_79 = arith.constant 0 : i32
          %dma_wait3A_80 = arith.constant 0 : i32
          %dma_wait3A_81 = tpu.memref_slice %arg2[%arg1, %run_scoped3A_26, %scan3A_18, %dma_wait3A_79, %dma_wait3A_80] : memref<16x2x2x20x128xi32, #tpu.memory_space<hbm>> -> memref<1x1x1x20x128xi32, #tpu.memory_space<hbm>>
          %dma_wait3A_82 = tpu.memref_squeeze %dma_wait3A_81 : memref<1x1x1x20x128xi32, #tpu.memory_space<hbm>> -> memref<20x128xi32, #tpu.memory_space<hbm>>
          tpu.wait_dma2 semaphore(%run_scoped3A_54 : memref<!tpu.dma_semaphore, #tpu.memory_space<semaphore_mem>>) src(%dma_wait3A_82 : memref<20x128xi32, #tpu.memory_space<hbm>>) dst(%dma_wait3A_78 : memref<20x128xi32, #tpu.memory_space<vmem>>)
          tpu.yield
        }) : () -> ()
        %run_scoped3A_27 = arith.constant 1 : i32
        "tpu.region"() ({
          %run_scoped3A_54 = tpu.sem_alloc : memref<!tpu.dma_semaphore, #tpu.memory_space<semaphore_mem>>
          %dma_start3A_55 = arith.constant 0 : i32
          %dma_start3A_56 = arith.constant 0 : i32
          %dma_start3A_57 = tpu.memref_slice %arg12[%dma_start3A_55, %dma_start3A_56] : memref<20x128xi32, #tpu.memory_space<vmem>> -> memref<20x128xi32, #tpu.memory_space<vmem>>
          %dma_start3A_58 = arith.constant 0 : i32
          %dma_start3A_59 = arith.constant 0 : i32
          %dma_start3A_60 = tpu.memref_slice %arg3[%arg1, %run_scoped3A_27, %scan3A_18, %dma_start3A_58, %dma_start3A_59] : memref<16x2x2x20x128xi32, #tpu.memory_space<hbm>> -> memref<1x1x1x20x128xi32, #tpu.memory_space<hbm>>
          %dma_start3A_61 = tpu.memref_squeeze %dma_start3A_60 : memref<1x1x1x20x128xi32, #tpu.memory_space<hbm>> -> memref<20x128xi32, #tpu.memory_space<hbm>>
          %dma_start3A_62 = arith.constant 0 : i32
          %dma_start3A_63 = arith.constant 0 : i32
          %dma_start3A_64 = tpu.memref_slice %arg12[%dma_start3A_62, %dma_start3A_63] : memref<20x128xi32, #tpu.memory_space<vmem>> -> memref<20x128xi32, #tpu.memory_space<vmem>>
          %dma_start3A_65 = arith.constant 0 : i32
          %dma_start3A_66 = arith.constant 0 : i32
          %dma_start3A_67 = tpu.memref_slice %arg3[%arg1, %run_scoped3A_27, %scan3A_18, %dma_start3A_65, %dma_start3A_66] : memref<16x2x2x20x128xi32, #tpu.memory_space<hbm>> -> memref<1x1x1x20x128xi32, #tpu.memory_space<hbm>>
          %dma_start3A_68 = tpu.memref_squeeze %dma_start3A_67 : memref<1x1x1x20x128xi32, #tpu.memory_space<hbm>> -> memref<20x128xi32, #tpu.memory_space<hbm>>
          tpu.enqueue_dma source(%dma_start3A_68 : memref<20x128xi32, #tpu.memory_space<hbm>>) target(%dma_start3A_64 : memref<20x128xi32, #tpu.memory_space<vmem>>) target_semaphore(%run_scoped3A_54 : memref<!tpu.dma_semaphore, #tpu.memory_space<semaphore_mem>>)
          %dma_wait3A_69 = arith.constant 0 : i32
          %dma_wait3A_70 = arith.constant 0 : i32
          %dma_wait3A_71 = tpu.memref_slice %arg12[%dma_wait3A_69, %dma_wait3A_70] : memref<20x128xi32, #tpu.memory_space<vmem>> -> memref<20x128xi32, #tpu.memory_space<vmem>>
          %dma_wait3A_72 = arith.constant 0 : i32
          %dma_wait3A_73 = arith.constant 0 : i32
          %dma_wait3A_74 = tpu.memref_slice %arg3[%arg1, %run_scoped3A_27, %scan3A_18, %dma_wait3A_72, %dma_wait3A_73] : memref<16x2x2x20x128xi32, #tpu.memory_space<hbm>> -> memref<1x1x1x20x128xi32, #tpu.memory_space<hbm>>
          %dma_wait3A_75 = tpu.memref_squeeze %dma_wait3A_74 : memref<1x1x1x20x128xi32, #tpu.memory_space<hbm>> -> memref<20x128xi32, #tpu.memory_space<hbm>>
          %dma_wait3A_76 = arith.constant 0 : i32
          %dma_wait3A_77 = arith.constant 0 : i32
          %dma_wait3A_78 = tpu.memref_slice %arg12[%dma_wait3A_76, %dma_wait3A_77] : memref<20x128xi32, #tpu.memory_space<vmem>> -> memref<20x128xi32, #tpu.memory_space<vmem>>
          %dma_wait3A_79 = arith.constant 0 : i32
          %dma_wait3A_80 = arith.constant 0 : i32
          %dma_wait3A_81 = tpu.memref_slice %arg3[%arg1, %run_scoped3A_27, %scan3A_18, %dma_wait3A_79, %dma_wait3A_80] : memref<16x2x2x20x128xi32, #tpu.memory_space<hbm>> -> memref<1x1x1x20x128xi32, #tpu.memory_space<hbm>>
          %dma_wait3A_82 = tpu.memref_squeeze %dma_wait3A_81 : memref<1x1x1x20x128xi32, #tpu.memory_space<hbm>> -> memref<20x128xi32, #tpu.memory_space<hbm>>
          tpu.wait_dma2 semaphore(%run_scoped3A_54 : memref<!tpu.dma_semaphore, #tpu.memory_space<semaphore_mem>>) src(%dma_wait3A_82 : memref<20x128xi32, #tpu.memory_space<hbm>>) dst(%dma_wait3A_78 : memref<20x128xi32, #tpu.memory_space<vmem>>)
          tpu.yield
        }) : () -> ()
        %dma_start3A_28 = arith.constant 0 : i32
        %dma_start3A_29 = arith.constant 0 : i32
        %dma_start3A_30 = tpu.memref_slice %arg10[%dma_start3A_28, %dma_start3A_29] : memref<20x128xi32, #tpu.memory_space<vmem>> -> memref<1x128xi32, #tpu.memory_space<vmem>>
        %dma_start3A_31 = tpu.memref_squeeze %dma_start3A_30 : memref<1x128xi32, #tpu.memory_space<vmem>> -> memref<128xi32, #tpu.memory_space<vmem>>
        %dma_start3A_32 = arith.constant 0 : i32
        %dma_start3A_33 = arith.constant 0 : i32
        %dma_start3A_34 = tpu.memref_slice %arg6[%dma_start3A_32, %dma_start3A_33] : memref<10240x128xf32, #tpu.memory_space<hbm>> -> memref<10240x128xf32, #tpu.memory_space<hbm>>
        tpu.enqueue_indirect_dma source(%dma_start3A_34 : memref<10240x128xf32, #tpu.memory_space<hbm>>) target(%arg14 : memref<128x128xf32, #tpu.memory_space<vmem>>) offsets(%dma_start3A_31 : memref<128xi32, #tpu.memory_space<vmem>>) semaphore(%arg17 : memref<!tpu.dma_semaphore, #tpu.memory_space<semaphore_mem>>)
        %scan3A_35 = arith.constant 0 : i32
        %scan3A_36 = arith.constant 0 : i32
        %scan3A_37 = arith.constant 20 : i32
        %scan3A_38 = arith.addi %scan3A_36, %scan3A_37 : i32
        %scan3A_39 = arith.constant 1 : i32
        scf.for %scan3A_54 = %scan3A_36 to %scan3A_38 step %scan3A_39  : i32 {
          %dma_wait3A_55 = arith.constant 0 : i32
          %dma_wait3A_56 = tpu.memref_slice %arg9[%scan3A_54, %dma_wait3A_55] : memref<20x128xi32, #tpu.memory_space<vmem>> -> memref<1x128xi32, #tpu.memory_space<vmem>>
          %dma_wait3A_57 = tpu.memref_squeeze %dma_wait3A_56 : memref<1x128xi32, #tpu.memory_space<vmem>> -> memref<128xi32, #tpu.memory_space<vmem>>
          %dma_wait3A_58 = arith.constant 0 : i32
          %dma_wait3A_59 = arith.constant 0 : i32
          %dma_wait3A_60 = tpu.memref_slice %arg6[%dma_wait3A_58, %dma_wait3A_59] : memref<10240x128xf32, #tpu.memory_space<hbm>> -> memref<10240x128xf32, #tpu.memory_space<hbm>>
          tpu.wait_indirect_dma semaphore(%arg16 : memref<!tpu.dma_semaphore, #tpu.memory_space<semaphore_mem>>) src(%dma_wait3A_60 : memref<10240x128xf32, #tpu.memory_space<hbm>>) dst(%arg13 : memref<128x128xf32, #tpu.memory_space<vmem>>)
          %dma_start3A_61 = arith.constant 0 : i32
          %dma_start3A_62 = tpu.memref_slice %arg11[%scan3A_54, %dma_start3A_61] : memref<20x128xi32, #tpu.memory_space<vmem>> -> memref<1x128xi32, #tpu.memory_space<vmem>>
          %dma_start3A_63 = tpu.memref_squeeze %dma_start3A_62 : memref<1x128xi32, #tpu.memory_space<vmem>> -> memref<128xi32, #tpu.memory_space<vmem>>
          %dma_start3A_64 = arith.constant 0 : i32
          %dma_start3A_65 = arith.constant 0 : i32
          %dma_start3A_66 = tpu.memref_slice %arg15[%dma_start3A_64, %dma_start3A_65] : memref<10240x128xf32, #tpu.memory_space<vmem_shared>> -> memref<10240x128xf32, #tpu.memory_space<vmem_shared>>
          tpu.enqueue_indirect_dma source(%arg13 : memref<128x128xf32, #tpu.memory_space<vmem>>) target(%dma_start3A_66 : memref<10240x128xf32, #tpu.memory_space<vmem_shared>>) offsets(%dma_start3A_63 : memref<128xi32, #tpu.memory_space<vmem>>) semaphore(%arg18 : memref<!tpu.dma_semaphore, #tpu.memory_space<semaphore_mem>>) {add = true}
          %dma_wait3A_67 = arith.constant 0 : i32
          %dma_wait3A_68 = tpu.memref_slice %arg10[%scan3A_54, %dma_wait3A_67] : memref<20x128xi32, #tpu.memory_space<vmem>> -> memref<1x128xi32, #tpu.memory_space<vmem>>
          %dma_wait3A_69 = tpu.memref_squeeze %dma_wait3A_68 : memref<1x128xi32, #tpu.memory_space<vmem>> -> memref<128xi32, #tpu.memory_space<vmem>>
          %dma_wait3A_70 = arith.constant 0 : i32
          %dma_wait3A_71 = arith.constant 0 : i32
          %dma_wait3A_72 = tpu.memref_slice %arg6[%dma_wait3A_70, %dma_wait3A_71] : memref<10240x128xf32, #tpu.memory_space<hbm>> -> memref<10240x128xf32, #tpu.memory_space<hbm>>
          tpu.wait_indirect_dma semaphore(%arg17 : memref<!tpu.dma_semaphore, #tpu.memory_space<semaphore_mem>>) src(%dma_wait3A_72 : memref<10240x128xf32, #tpu.memory_space<hbm>>) dst(%arg14 : memref<128x128xf32, #tpu.memory_space<vmem>>)
          %dma_start3A_73 = arith.constant 0 : i32
          %dma_start3A_74 = tpu.memref_slice %arg12[%scan3A_54, %dma_start3A_73] : memref<20x128xi32, #tpu.memory_space<vmem>> -> memref<1x128xi32, #tpu.memory_space<vmem>>
          %dma_start3A_75 = tpu.memref_squeeze %dma_start3A_74 : memref<1x128xi32, #tpu.memory_space<vmem>> -> memref<128xi32, #tpu.memory_space<vmem>>
          %dma_start3A_76 = arith.constant 0 : i32
          %dma_start3A_77 = arith.constant 0 : i32
          %dma_start3A_78 = tpu.memref_slice %arg15[%dma_start3A_76, %dma_start3A_77] : memref<10240x128xf32, #tpu.memory_space<vmem_shared>> -> memref<10240x128xf32, #tpu.memory_space<vmem_shared>>
          tpu.enqueue_indirect_dma source(%arg14 : memref<128x128xf32, #tpu.memory_space<vmem>>) target(%dma_start3A_78 : memref<10240x128xf32, #tpu.memory_space<vmem_shared>>) offsets(%dma_start3A_75 : memref<128xi32, #tpu.memory_space<vmem>>) semaphore(%arg19 : memref<!tpu.dma_semaphore, #tpu.memory_space<semaphore_mem>>) {add = true}
          %dma_wait3A_79 = arith.constant 0 : i32
          %dma_wait3A_80 = tpu.memref_slice %arg11[%scan3A_54, %dma_wait3A_79] : memref<20x128xi32, #tpu.memory_space<vmem>> -> memref<1x128xi32, #tpu.memory_space<vmem>>
          %dma_wait3A_81 = tpu.memref_squeeze %dma_wait3A_80 : memref<1x128xi32, #tpu.memory_space<vmem>> -> memref<128xi32, #tpu.memory_space<vmem>>
          %dma_wait3A_82 = arith.constant 0 : i32
          %dma_wait3A_83 = arith.constant 0 : i32
          %dma_wait3A_84 = tpu.memref_slice %arg15[%dma_wait3A_82, %dma_wait3A_83] : memref<10240x128xf32, #tpu.memory_space<vmem_shared>> -> memref<10240x128xf32, #tpu.memory_space<vmem_shared>>
          tpu.wait_indirect_dma semaphore(%arg18 : memref<!tpu.dma_semaphore, #tpu.memory_space<semaphore_mem>>) src(%arg13 : memref<128x128xf32, #tpu.memory_space<vmem>>) dst(%dma_wait3A_84 : memref<10240x128xf32, #tpu.memory_space<vmem_shared>>)
          %add3A = arith.constant 1 : i32
          %add3A_85 = arith.addi %scan3A_54, %add3A : i32
          %min3A = arith.constant 19 : i32
          %min3A_86 = arith.minsi %add3A_85, %min3A : i32
          %dma_start3A_87 = arith.constant 0 : i32
          %dma_start3A_88 = tpu.memref_slice %arg9[%min3A_86, %dma_start3A_87] : memref<20x128xi32, #tpu.memory_space<vmem>> -> memref<1x128xi32, #tpu.memory_space<vmem>>
          %dma_start3A_89 = tpu.memref_squeeze %dma_start3A_88 : memref<1x128xi32, #tpu.memory_space<vmem>> -> memref<128xi32, #tpu.memory_space<vmem>>
          %dma_start3A_90 = arith.constant 0 : i32
          %dma_start3A_91 = arith.constant 0 : i32
          %dma_start3A_92 = tpu.memref_slice %arg6[%dma_start3A_90, %dma_start3A_91] : memref<10240x128xf32, #tpu.memory_space<hbm>> -> memref<10240x128xf32, #tpu.memory_space<hbm>>
          tpu.enqueue_indirect_dma source(%dma_start3A_92 : memref<10240x128xf32, #tpu.memory_space<hbm>>) target(%arg13 : memref<128x128xf32, #tpu.memory_space<vmem>>) offsets(%dma_start3A_89 : memref<128xi32, #tpu.memory_space<vmem>>) semaphore(%arg16 : memref<!tpu.dma_semaphore, #tpu.memory_space<semaphore_mem>>)
          %dma_wait3A_93 = arith.constant 0 : i32
          %dma_wait3A_94 = tpu.memref_slice %arg12[%scan3A_54, %dma_wait3A_93] : memref<20x128xi32, #tpu.memory_space<vmem>> -> memref<1x128xi32, #tpu.memory_space<vmem>>
          %dma_wait3A_95 = tpu.memref_squeeze %dma_wait3A_94 : memref<1x128xi32, #tpu.memory_space<vmem>> -> memref<128xi32, #tpu.memory_space<vmem>>
          %dma_wait3A_96 = arith.constant 0 : i32
          %dma_wait3A_97 = arith.constant 0 : i32
          %dma_wait3A_98 = tpu.memref_slice %arg15[%dma_wait3A_96, %dma_wait3A_97] : memref<10240x128xf32, #tpu.memory_space<vmem_shared>> -> memref<10240x128xf32, #tpu.memory_space<vmem_shared>>
          tpu.wait_indirect_dma semaphore(%arg19 : memref<!tpu.dma_semaphore, #tpu.memory_space<semaphore_mem>>) src(%arg14 : memref<128x128xf32, #tpu.memory_space<vmem>>) dst(%dma_wait3A_98 : memref<10240x128xf32, #tpu.memory_space<vmem_shared>>)
          %add3A_99 = arith.constant 1 : i32
          %add3A_100 = arith.addi %scan3A_54, %add3A_99 : i32
          %min3A_101 = arith.constant 19 : i32
          %min3A_102 = arith.minsi %add3A_100, %min3A_101 : i32
          %dma_start3A_103 = arith.constant 0 : i32
          %dma_start3A_104 = tpu.memref_slice %arg10[%min3A_102, %dma_start3A_103] : memref<20x128xi32, #tpu.memory_space<vmem>> -> memref<1x128xi32, #tpu.memory_space<vmem>>
          %dma_start3A_105 = tpu.memref_squeeze %dma_start3A_104 : memref<1x128xi32, #tpu.memory_space<vmem>> -> memref<128xi32, #tpu.memory_space<vmem>>
          %dma_start3A_106 = arith.constant 0 : i32
          %dma_start3A_107 = arith.constant 0 : i32
          %dma_start3A_108 = tpu.memref_slice %arg6[%dma_start3A_106, %dma_start3A_107] : memref<10240x128xf32, #tpu.memory_space<hbm>> -> memref<10240x128xf32, #tpu.memory_space<hbm>>
          tpu.enqueue_indirect_dma source(%dma_start3A_108 : memref<10240x128xf32, #tpu.memory_space<hbm>>) target(%arg14 : memref<128x128xf32, #tpu.memory_space<vmem>>) offsets(%dma_start3A_105 : memref<128xi32, #tpu.memory_space<vmem>>) semaphore(%arg17 : memref<!tpu.dma_semaphore, #tpu.memory_space<semaphore_mem>>)
        }
        %scan3A_40 = arith.constant 20 : i32
        %dma_wait3A = arith.constant 19 : i32
        %dma_wait3A_41 = arith.constant 0 : i32
        %dma_wait3A_42 = tpu.memref_slice %arg9[%dma_wait3A, %dma_wait3A_41] : memref<20x128xi32, #tpu.memory_space<vmem>> -> memref<1x128xi32, #tpu.memory_space<vmem>>
        %dma_wait3A_43 = tpu.memref_squeeze %dma_wait3A_42 : memref<1x128xi32, #tpu.memory_space<vmem>> -> memref<128xi32, #tpu.memory_space<vmem>>
        %dma_wait3A_44 = arith.constant 0 : i32
        %dma_wait3A_45 = arith.constant 0 : i32
        %dma_wait3A_46 = tpu.memref_slice %arg6[%dma_wait3A_44, %dma_wait3A_45] : memref<10240x128xf32, #tpu.memory_space<hbm>> -> memref<10240x128xf32, #tpu.memory_space<hbm>>
        tpu.wait_indirect_dma semaphore(%arg16 : memref<!tpu.dma_semaphore, #tpu.memory_space<semaphore_mem>>) src(%dma_wait3A_46 : memref<10240x128xf32, #tpu.memory_space<hbm>>) dst(%arg13 : memref<128x128xf32, #tpu.memory_space<vmem>>)
        %dma_wait3A_47 = arith.constant 19 : i32
        %dma_wait3A_48 = arith.constant 0 : i32
        %dma_wait3A_49 = tpu.memref_slice %arg10[%dma_wait3A_47, %dma_wait3A_48] : memref<20x128xi32, #tpu.memory_space<vmem>> -> memref<1x128xi32, #tpu.memory_space<vmem>>
        %dma_wait3A_50 = tpu.memref_squeeze %dma_wait3A_49 : memref<1x128xi32, #tpu.memory_space<vmem>> -> memref<128xi32, #tpu.memory_space<vmem>>
        %dma_wait3A_51 = arith.constant 0 : i32
        %dma_wait3A_52 = arith.constant 0 : i32
        %dma_wait3A_53 = tpu.memref_slice %arg6[%dma_wait3A_51, %dma_wait3A_52] : memref<10240x128xf32, #tpu.memory_space<hbm>> -> memref<10240x128xf32, #tpu.memory_space<hbm>>
        tpu.wait_indirect_dma semaphore(%arg17 : memref<!tpu.dma_semaphore, #tpu.memory_space<semaphore_mem>>) src(%dma_wait3A_53 : memref<10240x128xf32, #tpu.memory_space<hbm>>) dst(%arg14 : memref<128x128xf32, #tpu.memory_space<vmem>>)
      }
      %scan3A_17 = arith.constant 2 : i32
    } else {
    }
    %eq3A_3 = arith.constant 1 : i32
    %eq3A_4 = arith.cmpi eq, %arg0, %eq3A_3 : i32
    %convert_element_type3A_5 = arith.extui %eq3A_4 : i1 to i32
    %cond3A_6 = arith.constant 0 : i32
    %cond3A_7 = arith.cmpi ne, %convert_element_type3A_5, %cond3A_6 : i32
    scf.if %cond3A_7 {
      %scan3A = arith.constant 0 : i32
      %scan3A_13 = arith.constant 0 : i32
      %scan3A_14 = arith.constant 2 : i32
      %scan3A_15 = arith.addi %scan3A_13, %scan3A_14 : i32
      %scan3A_16 = arith.constant 1 : i32
      scf.for %scan3A_18 = %scan3A_13 to %scan3A_15 step %scan3A_16  : i32 {
        %run_scoped3A = arith.constant 0 : i32
        "tpu.region"() ({
          %run_scoped3A_54 = tpu.sem_alloc : memref<!tpu.dma_semaphore, #tpu.memory_space<semaphore_mem>>
          %dma_start3A_55 = arith.constant 0 : i32
          %dma_start3A_56 = arith.constant 0 : i32
          %dma_start3A_57 = tpu.memref_slice %arg9[%dma_start3A_55, %dma_start3A_56] : memref<20x128xi32, #tpu.memory_space<vmem>> -> memref<20x128xi32, #tpu.memory_space<vmem>>
          %dma_start3A_58 = arith.constant 0 : i32
          %dma_start3A_59 = arith.constant 0 : i32
          %dma_start3A_60 = tpu.memref_slice %arg4[%arg1, %run_scoped3A, %scan3A_18, %dma_start3A_58, %dma_start3A_59] : memref<16x2x2x20x128xi32, #tpu.memory_space<hbm>> -> memref<1x1x1x20x128xi32, #tpu.memory_space<hbm>>
          %dma_start3A_61 = tpu.memref_squeeze %dma_start3A_60 : memref<1x1x1x20x128xi32, #tpu.memory_space<hbm>> -> memref<20x128xi32, #tpu.memory_space<hbm>>
          %dma_start3A_62 = arith.constant 0 : i32
          %dma_start3A_63 = arith.constant 0 : i32
          %dma_start3A_64 = tpu.memref_slice %arg9[%dma_start3A_62, %dma_start3A_63] : memref<20x128xi32, #tpu.memory_space<vmem>> -> memref<20x128xi32, #tpu.memory_space<vmem>>
          %dma_start3A_65 = arith.constant 0 : i32
          %dma_start3A_66 = arith.constant 0 : i32
          %dma_start3A_67 = tpu.memref_slice %arg4[%arg1, %run_scoped3A, %scan3A_18, %dma_start3A_65, %dma_start3A_66] : memref<16x2x2x20x128xi32, #tpu.memory_space<hbm>> -> memref<1x1x1x20x128xi32, #tpu.memory_space<hbm>>
          %dma_start3A_68 = tpu.memref_squeeze %dma_start3A_67 : memref<1x1x1x20x128xi32, #tpu.memory_space<hbm>> -> memref<20x128xi32, #tpu.memory_space<hbm>>
          tpu.enqueue_dma source(%dma_start3A_68 : memref<20x128xi32, #tpu.memory_space<hbm>>) target(%dma_start3A_64 : memref<20x128xi32, #tpu.memory_space<vmem>>) target_semaphore(%run_scoped3A_54 : memref<!tpu.dma_semaphore, #tpu.memory_space<semaphore_mem>>)
          %dma_wait3A_69 = arith.constant 0 : i32
          %dma_wait3A_70 = arith.constant 0 : i32
          %dma_wait3A_71 = tpu.memref_slice %arg9[%dma_wait3A_69, %dma_wait3A_70] : memref<20x128xi32, #tpu.memory_space<vmem>> -> memref<20x128xi32, #tpu.memory_space<vmem>>
          %dma_wait3A_72 = arith.constant 0 : i32
          %dma_wait3A_73 = arith.constant 0 : i32
          %dma_wait3A_74 = tpu.memref_slice %arg4[%arg1, %run_scoped3A, %scan3A_18, %dma_wait3A_72, %dma_wait3A_73] : memref<16x2x2x20x128xi32, #tpu.memory_space<hbm>> -> memref<1x1x1x20x128xi32, #tpu.memory_space<hbm>>
          %dma_wait3A_75 = tpu.memref_squeeze %dma_wait3A_74 : memref<1x1x1x20x128xi32, #tpu.memory_space<hbm>> -> memref<20x128xi32, #tpu.memory_space<hbm>>
          %dma_wait3A_76 = arith.constant 0 : i32
          %dma_wait3A_77 = arith.constant 0 : i32
          %dma_wait3A_78 = tpu.memref_slice %arg9[%dma_wait3A_76, %dma_wait3A_77] : memref<20x128xi32, #tpu.memory_space<vmem>> -> memref<20x128xi32, #tpu.memory_space<vmem>>
          %dma_wait3A_79 = arith.constant 0 : i32
          %dma_wait3A_80 = arith.constant 0 : i32
          %dma_wait3A_81 = tpu.memref_slice %arg4[%arg1, %run_scoped3A, %scan3A_18, %dma_wait3A_79, %dma_wait3A_80] : memref<16x2x2x20x128xi32, #tpu.memory_space<hbm>> -> memref<1x1x1x20x128xi32, #tpu.memory_space<hbm>>
          %dma_wait3A_82 = tpu.memref_squeeze %dma_wait3A_81 : memref<1x1x1x20x128xi32, #tpu.memory_space<hbm>> -> memref<20x128xi32, #tpu.memory_space<hbm>>
          tpu.wait_dma2 semaphore(%run_scoped3A_54 : memref<!tpu.dma_semaphore, #tpu.memory_space<semaphore_mem>>) src(%dma_wait3A_82 : memref<20x128xi32, #tpu.memory_space<hbm>>) dst(%dma_wait3A_78 : memref<20x128xi32, #tpu.memory_space<vmem>>)
          tpu.yield
        }) : () -> ()
        %run_scoped3A_19 = arith.constant 0 : i32
        "tpu.region"() ({
          %run_scoped3A_54 = tpu.sem_alloc : memref<!tpu.dma_semaphore, #tpu.memory_space<semaphore_mem>>
          %dma_start3A_55 = arith.constant 0 : i32
          %dma_start3A_56 = arith.constant 0 : i32
          %dma_start3A_57 = tpu.memref_slice %arg11[%dma_start3A_55, %dma_start3A_56] : memref<20x128xi32, #tpu.memory_space<vmem>> -> memref<20x128xi32, #tpu.memory_space<vmem>>
          %dma_start3A_58 = arith.constant 0 : i32
          %dma_start3A_59 = arith.constant 0 : i32
          %dma_start3A_60 = tpu.memref_slice %arg5[%arg1, %run_scoped3A_19, %scan3A_18, %dma_start3A_58, %dma_start3A_59] : memref<16x2x2x20x128xi32, #tpu.memory_space<hbm>> -> memref<1x1x1x20x128xi32, #tpu.memory_space<hbm>>
          %dma_start3A_61 = tpu.memref_squeeze %dma_start3A_60 : memref<1x1x1x20x128xi32, #tpu.memory_space<hbm>> -> memref<20x128xi32, #tpu.memory_space<hbm>>
          %dma_start3A_62 = arith.constant 0 : i32
          %dma_start3A_63 = arith.constant 0 : i32
          %dma_start3A_64 = tpu.memref_slice %arg11[%dma_start3A_62, %dma_start3A_63] : memref<20x128xi32, #tpu.memory_space<vmem>> -> memref<20x128xi32, #tpu.memory_space<vmem>>
          %dma_start3A_65 = arith.constant 0 : i32
          %dma_start3A_66 = arith.constant 0 : i32
          %dma_start3A_67 = tpu.memref_slice %arg5[%arg1, %run_scoped3A_19, %scan3A_18, %dma_start3A_65, %dma_start3A_66] : memref<16x2x2x20x128xi32, #tpu.memory_space<hbm>> -> memref<1x1x1x20x128xi32, #tpu.memory_space<hbm>>
          %dma_start3A_68 = tpu.memref_squeeze %dma_start3A_67 : memref<1x1x1x20x128xi32, #tpu.memory_space<hbm>> -> memref<20x128xi32, #tpu.memory_space<hbm>>
          tpu.enqueue_dma source(%dma_start3A_68 : memref<20x128xi32, #tpu.memory_space<hbm>>) target(%dma_start3A_64 : memref<20x128xi32, #tpu.memory_space<vmem>>) target_semaphore(%run_scoped3A_54 : memref<!tpu.dma_semaphore, #tpu.memory_space<semaphore_mem>>)
          %dma_wait3A_69 = arith.constant 0 : i32
          %dma_wait3A_70 = arith.constant 0 : i32
          %dma_wait3A_71 = tpu.memref_slice %arg11[%dma_wait3A_69, %dma_wait3A_70] : memref<20x128xi32, #tpu.memory_space<vmem>> -> memref<20x128xi32, #tpu.memory_space<vmem>>
          %dma_wait3A_72 = arith.constant 0 : i32
          %dma_wait3A_73 = arith.constant 0 : i32
          %dma_wait3A_74 = tpu.memref_slice %arg5[%arg1, %run_scoped3A_19, %scan3A_18, %dma_wait3A_72, %dma_wait3A_73] : memref<16x2x2x20x128xi32, #tpu.memory_space<hbm>> -> memref<1x1x1x20x128xi32, #tpu.memory_space<hbm>>
          %dma_wait3A_75 = tpu.memref_squeeze %dma_wait3A_74 : memref<1x1x1x20x128xi32, #tpu.memory_space<hbm>> -> memref<20x128xi32, #tpu.memory_space<hbm>>
          %dma_wait3A_76 = arith.constant 0 : i32
          %dma_wait3A_77 = arith.constant 0 : i32
          %dma_wait3A_78 = tpu.memref_slice %arg11[%dma_wait3A_76, %dma_wait3A_77] : memref<20x128xi32, #tpu.memory_space<vmem>> -> memref<20x128xi32, #tpu.memory_space<vmem>>
          %dma_wait3A_79 = arith.constant 0 : i32
          %dma_wait3A_80 = arith.constant 0 : i32
          %dma_wait3A_81 = tpu.memref_slice %arg5[%arg1, %run_scoped3A_19, %scan3A_18, %dma_wait3A_79, %dma_wait3A_80] : memref<16x2x2x20x128xi32, #tpu.memory_space<hbm>> -> memref<1x1x1x20x128xi32, #tpu.memory_space<hbm>>
          %dma_wait3A_82 = tpu.memref_squeeze %dma_wait3A_81 : memref<1x1x1x20x128xi32, #tpu.memory_space<hbm>> -> memref<20x128xi32, #tpu.memory_space<hbm>>
          tpu.wait_dma2 semaphore(%run_scoped3A_54 : memref<!tpu.dma_semaphore, #tpu.memory_space<semaphore_mem>>) src(%dma_wait3A_82 : memref<20x128xi32, #tpu.memory_space<hbm>>) dst(%dma_wait3A_78 : memref<20x128xi32, #tpu.memory_space<vmem>>)
          tpu.yield
        }) : () -> ()
        %dma_start3A = arith.constant 0 : i32
        %dma_start3A_20 = arith.constant 0 : i32
        %dma_start3A_21 = tpu.memref_slice %arg9[%dma_start3A, %dma_start3A_20] : memref<20x128xi32, #tpu.memory_space<vmem>> -> memref<1x128xi32, #tpu.memory_space<vmem>>
        %dma_start3A_22 = tpu.memref_squeeze %dma_start3A_21 : memref<1x128xi32, #tpu.memory_space<vmem>> -> memref<128xi32, #tpu.memory_space<vmem>>
        %dma_start3A_23 = arith.constant 0 : i32
        %dma_start3A_24 = arith.constant 0 : i32
        %dma_start3A_25 = tpu.memref_slice %arg6[%dma_start3A_23, %dma_start3A_24] : memref<10240x128xf32, #tpu.memory_space<hbm>> -> memref<10240x128xf32, #tpu.memory_space<hbm>>
        tpu.enqueue_indirect_dma source(%dma_start3A_25 : memref<10240x128xf32, #tpu.memory_space<hbm>>) target(%arg13 : memref<128x128xf32, #tpu.memory_space<vmem>>) offsets(%dma_start3A_22 : memref<128xi32, #tpu.memory_space<vmem>>) semaphore(%arg16 : memref<!tpu.dma_semaphore, #tpu.memory_space<semaphore_mem>>)
        %run_scoped3A_26 = arith.constant 1 : i32
        "tpu.region"() ({
          %run_scoped3A_54 = tpu.sem_alloc : memref<!tpu.dma_semaphore, #tpu.memory_space<semaphore_mem>>
          %dma_start3A_55 = arith.constant 0 : i32
          %dma_start3A_56 = arith.constant 0 : i32
          %dma_start3A_57 = tpu.memref_slice %arg10[%dma_start3A_55, %dma_start3A_56] : memref<20x128xi32, #tpu.memory_space<vmem>> -> memref<20x128xi32, #tpu.memory_space<vmem>>
          %dma_start3A_58 = arith.constant 0 : i32
          %dma_start3A_59 = arith.constant 0 : i32
          %dma_start3A_60 = tpu.memref_slice %arg4[%arg1, %run_scoped3A_26, %scan3A_18, %dma_start3A_58, %dma_start3A_59] : memref<16x2x2x20x128xi32, #tpu.memory_space<hbm>> -> memref<1x1x1x20x128xi32, #tpu.memory_space<hbm>>
          %dma_start3A_61 = tpu.memref_squeeze %dma_start3A_60 : memref<1x1x1x20x128xi32, #tpu.memory_space<hbm>> -> memref<20x128xi32, #tpu.memory_space<hbm>>
          %dma_start3A_62 = arith.constant 0 : i32
          %dma_start3A_63 = arith.constant 0 : i32
          %dma_start3A_64 = tpu.memref_slice %arg10[%dma_start3A_62, %dma_start3A_63] : memref<20x128xi32, #tpu.memory_space<vmem>> -> memref<20x128xi32, #tpu.memory_space<vmem>>
          %dma_start3A_65 = arith.constant 0 : i32
          %dma_start3A_66 = arith.constant 0 : i32
          %dma_start3A_67 = tpu.memref_slice %arg4[%arg1, %run_scoped3A_26, %scan3A_18, %dma_start3A_65, %dma_start3A_66] : memref<16x2x2x20x128xi32, #tpu.memory_space<hbm>> -> memref<1x1x1x20x128xi32, #tpu.memory_space<hbm>>
          %dma_start3A_68 = tpu.memref_squeeze %dma_start3A_67 : memref<1x1x1x20x128xi32, #tpu.memory_space<hbm>> -> memref<20x128xi32, #tpu.memory_space<hbm>>
          tpu.enqueue_dma source(%dma_start3A_68 : memref<20x128xi32, #tpu.memory_space<hbm>>) target(%dma_start3A_64 : memref<20x128xi32, #tpu.memory_space<vmem>>) target_semaphore(%run_scoped3A_54 : memref<!tpu.dma_semaphore, #tpu.memory_space<semaphore_mem>>)
          %dma_wait3A_69 = arith.constant 0 : i32
          %dma_wait3A_70 = arith.constant 0 : i32
          %dma_wait3A_71 = tpu.memref_slice %arg10[%dma_wait3A_69, %dma_wait3A_70] : memref<20x128xi32, #tpu.memory_space<vmem>> -> memref<20x128xi32, #tpu.memory_space<vmem>>
          %dma_wait3A_72 = arith.constant 0 : i32
          %dma_wait3A_73 = arith.constant 0 : i32
          %dma_wait3A_74 = tpu.memref_slice %arg4[%arg1, %run_scoped3A_26, %scan3A_18, %dma_wait3A_72, %dma_wait3A_73] : memref<16x2x2x20x128xi32, #tpu.memory_space<hbm>> -> memref<1x1x1x20x128xi32, #tpu.memory_space<hbm>>
          %dma_wait3A_75 = tpu.memref_squeeze %dma_wait3A_74 : memref<1x1x1x20x128xi32, #tpu.memory_space<hbm>> -> memref<20x128xi32, #tpu.memory_space<hbm>>
          %dma_wait3A_76 = arith.constant 0 : i32
          %dma_wait3A_77 = arith.constant 0 : i32
          %dma_wait3A_78 = tpu.memref_slice %arg10[%dma_wait3A_76, %dma_wait3A_77] : memref<20x128xi32, #tpu.memory_space<vmem>> -> memref<20x128xi32, #tpu.memory_space<vmem>>
          %dma_wait3A_79 = arith.constant 0 : i32
          %dma_wait3A_80 = arith.constant 0 : i32
          %dma_wait3A_81 = tpu.memref_slice %arg4[%arg1, %run_scoped3A_26, %scan3A_18, %dma_wait3A_79, %dma_wait3A_80] : memref<16x2x2x20x128xi32, #tpu.memory_space<hbm>> -> memref<1x1x1x20x128xi32, #tpu.memory_space<hbm>>
          %dma_wait3A_82 = tpu.memref_squeeze %dma_wait3A_81 : memref<1x1x1x20x128xi32, #tpu.memory_space<hbm>> -> memref<20x128xi32, #tpu.memory_space<hbm>>
          tpu.wait_dma2 semaphore(%run_scoped3A_54 : memref<!tpu.dma_semaphore, #tpu.memory_space<semaphore_mem>>) src(%dma_wait3A_82 : memref<20x128xi32, #tpu.memory_space<hbm>>) dst(%dma_wait3A_78 : memref<20x128xi32, #tpu.memory_space<vmem>>)
          tpu.yield
        }) : () -> ()
        %run_scoped3A_27 = arith.constant 1 : i32
        "tpu.region"() ({
          %run_scoped3A_54 = tpu.sem_alloc : memref<!tpu.dma_semaphore, #tpu.memory_space<semaphore_mem>>
          %dma_start3A_55 = arith.constant 0 : i32
          %dma_start3A_56 = arith.constant 0 : i32
          %dma_start3A_57 = tpu.memref_slice %arg12[%dma_start3A_55, %dma_start3A_56] : memref<20x128xi32, #tpu.memory_space<vmem>> -> memref<20x128xi32, #tpu.memory_space<vmem>>
          %dma_start3A_58 = arith.constant 0 : i32
          %dma_start3A_59 = arith.constant 0 : i32
          %dma_start3A_60 = tpu.memref_slice %arg5[%arg1, %run_scoped3A_27, %scan3A_18, %dma_start3A_58, %dma_start3A_59] : memref<16x2x2x20x128xi32, #tpu.memory_space<hbm>> -> memref<1x1x1x20x128xi32, #tpu.memory_space<hbm>>
          %dma_start3A_61 = tpu.memref_squeeze %dma_start3A_60 : memref<1x1x1x20x128xi32, #tpu.memory_space<hbm>> -> memref<20x128xi32, #tpu.memory_space<hbm>>
          %dma_start3A_62 = arith.constant 0 : i32
          %dma_start3A_63 = arith.constant 0 : i32
          %dma_start3A_64 = tpu.memref_slice %arg12[%dma_start3A_62, %dma_start3A_63] : memref<20x128xi32, #tpu.memory_space<vmem>> -> memref<20x128xi32, #tpu.memory_space<vmem>>
          %dma_start3A_65 = arith.constant 0 : i32
          %dma_start3A_66 = arith.constant 0 : i32
          %dma_start3A_67 = tpu.memref_slice %arg5[%arg1, %run_scoped3A_27, %scan3A_18, %dma_start3A_65, %dma_start3A_66] : memref<16x2x2x20x128xi32, #tpu.memory_space<hbm>> -> memref<1x1x1x20x128xi32, #tpu.memory_space<hbm>>
          %dma_start3A_68 = tpu.memref_squeeze %dma_start3A_67 : memref<1x1x1x20x128xi32, #tpu.memory_space<hbm>> -> memref<20x128xi32, #tpu.memory_space<hbm>>
          tpu.enqueue_dma source(%dma_start3A_68 : memref<20x128xi32, #tpu.memory_space<hbm>>) target(%dma_start3A_64 : memref<20x128xi32, #tpu.memory_space<vmem>>) target_semaphore(%run_scoped3A_54 : memref<!tpu.dma_semaphore, #tpu.memory_space<semaphore_mem>>)
          %dma_wait3A_69 = arith.constant 0 : i32
          %dma_wait3A_70 = arith.constant 0 : i32
          %dma_wait3A_71 = tpu.memref_slice %arg12[%dma_wait3A_69, %dma_wait3A_70] : memref<20x128xi32, #tpu.memory_space<vmem>> -> memref<20x128xi32, #tpu.memory_space<vmem>>
          %dma_wait3A_72 = arith.constant 0 : i32
          %dma_wait3A_73 = arith.constant 0 : i32
          %dma_wait3A_74 = tpu.memref_slice %arg5[%arg1, %run_scoped3A_27, %scan3A_18, %dma_wait3A_72, %dma_wait3A_73] : memref<16x2x2x20x128xi32, #tpu.memory_space<hbm>> -> memref<1x1x1x20x128xi32, #tpu.memory_space<hbm>>
          %dma_wait3A_75 = tpu.memref_squeeze %dma_wait3A_74 : memref<1x1x1x20x128xi32, #tpu.memory_space<hbm>> -> memref<20x128xi32, #tpu.memory_space<hbm>>
          %dma_wait3A_76 = arith.constant 0 : i32
          %dma_wait3A_77 = arith.constant 0 : i32
          %dma_wait3A_78 = tpu.memref_slice %arg12[%dma_wait3A_76, %dma_wait3A_77] : memref<20x128xi32, #tpu.memory_space<vmem>> -> memref<20x128xi32, #tpu.memory_space<vmem>>
          %dma_wait3A_79 = arith.constant 0 : i32
          %dma_wait3A_80 = arith.constant 0 : i32
          %dma_wait3A_81 = tpu.memref_slice %arg5[%arg1, %run_scoped3A_27, %scan3A_18, %dma_wait3A_79, %dma_wait3A_80] : memref<16x2x2x20x128xi32, #tpu.memory_space<hbm>> -> memref<1x1x1x20x128xi32, #tpu.memory_space<hbm>>
          %dma_wait3A_82 = tpu.memref_squeeze %dma_wait3A_81 : memref<1x1x1x20x128xi32, #tpu.memory_space<hbm>> -> memref<20x128xi32, #tpu.memory_space<hbm>>
          tpu.wait_dma2 semaphore(%run_scoped3A_54 : memref<!tpu.dma_semaphore, #tpu.memory_space<semaphore_mem>>) src(%dma_wait3A_82 : memref<20x128xi32, #tpu.memory_space<hbm>>) dst(%dma_wait3A_78 : memref<20x128xi32, #tpu.memory_space<vmem>>)
          tpu.yield
        }) : () -> ()
        %dma_start3A_28 = arith.constant 0 : i32
        %dma_start3A_29 = arith.constant 0 : i32
        %dma_start3A_30 = tpu.memref_slice %arg10[%dma_start3A_28, %dma_start3A_29] : memref<20x128xi32, #tpu.memory_space<vmem>> -> memref<1x128xi32, #tpu.memory_space<vmem>>
        %dma_start3A_31 = tpu.memref_squeeze %dma_start3A_30 : memref<1x128xi32, #tpu.memory_space<vmem>> -> memref<128xi32, #tpu.memory_space<vmem>>
        %dma_start3A_32 = arith.constant 0 : i32
        %dma_start3A_33 = arith.constant 0 : i32
        %dma_start3A_34 = tpu.memref_slice %arg6[%dma_start3A_32, %dma_start3A_33] : memref<10240x128xf32, #tpu.memory_space<hbm>> -> memref<10240x128xf32, #tpu.memory_space<hbm>>
        tpu.enqueue_indirect_dma source(%dma_start3A_34 : memref<10240x128xf32, #tpu.memory_space<hbm>>) target(%arg14 : memref<128x128xf32, #tpu.memory_space<vmem>>) offsets(%dma_start3A_31 : memref<128xi32, #tpu.memory_space<vmem>>) semaphore(%arg17 : memref<!tpu.dma_semaphore, #tpu.memory_space<semaphore_mem>>)
        %scan3A_35 = arith.constant 0 : i32
        %scan3A_36 = arith.constant 0 : i32
        %scan3A_37 = arith.constant 20 : i32
        %scan3A_38 = arith.addi %scan3A_36, %scan3A_37 : i32
        %scan3A_39 = arith.constant 1 : i32
        scf.for %scan3A_54 = %scan3A_36 to %scan3A_38 step %scan3A_39  : i32 {
          %dma_wait3A_55 = arith.constant 0 : i32
          %dma_wait3A_56 = tpu.memref_slice %arg9[%scan3A_54, %dma_wait3A_55] : memref<20x128xi32, #tpu.memory_space<vmem>> -> memref<1x128xi32, #tpu.memory_space<vmem>>
          %dma_wait3A_57 = tpu.memref_squeeze %dma_wait3A_56 : memref<1x128xi32, #tpu.memory_space<vmem>> -> memref<128xi32, #tpu.memory_space<vmem>>
          %dma_wait3A_58 = arith.constant 0 : i32
          %dma_wait3A_59 = arith.constant 0 : i32
          %dma_wait3A_60 = tpu.memref_slice %arg6[%dma_wait3A_58, %dma_wait3A_59] : memref<10240x128xf32, #tpu.memory_space<hbm>> -> memref<10240x128xf32, #tpu.memory_space<hbm>>
          tpu.wait_indirect_dma semaphore(%arg16 : memref<!tpu.dma_semaphore, #tpu.memory_space<semaphore_mem>>) src(%dma_wait3A_60 : memref<10240x128xf32, #tpu.memory_space<hbm>>) dst(%arg13 : memref<128x128xf32, #tpu.memory_space<vmem>>)
          %dma_start3A_61 = arith.constant 0 : i32
          %dma_start3A_62 = tpu.memref_slice %arg11[%scan3A_54, %dma_start3A_61] : memref<20x128xi32, #tpu.memory_space<vmem>> -> memref<1x128xi32, #tpu.memory_space<vmem>>
          %dma_start3A_63 = tpu.memref_squeeze %dma_start3A_62 : memref<1x128xi32, #tpu.memory_space<vmem>> -> memref<128xi32, #tpu.memory_space<vmem>>
          %dma_start3A_64 = arith.constant 0 : i32
          %dma_start3A_65 = arith.constant 0 : i32
          %dma_start3A_66 = tpu.memref_slice %arg15[%dma_start3A_64, %dma_start3A_65] : memref<10240x128xf32, #tpu.memory_space<vmem_shared>> -> memref<10240x128xf32, #tpu.memory_space<vmem_shared>>
          tpu.enqueue_indirect_dma source(%arg13 : memref<128x128xf32, #tpu.memory_space<vmem>>) target(%dma_start3A_66 : memref<10240x128xf32, #tpu.memory_space<vmem_shared>>) offsets(%dma_start3A_63 : memref<128xi32, #tpu.memory_space<vmem>>) semaphore(%arg18 : memref<!tpu.dma_semaphore, #tpu.memory_space<semaphore_mem>>) {add = true}
          %dma_wait3A_67 = arith.constant 0 : i32
          %dma_wait3A_68 = tpu.memref_slice %arg10[%scan3A_54, %dma_wait3A_67] : memref<20x128xi32, #tpu.memory_space<vmem>> -> memref<1x128xi32, #tpu.memory_space<vmem>>
          %dma_wait3A_69 = tpu.memref_squeeze %dma_wait3A_68 : memref<1x128xi32, #tpu.memory_space<vmem>> -> memref<128xi32, #tpu.memory_space<vmem>>
          %dma_wait3A_70 = arith.constant 0 : i32
          %dma_wait3A_71 = arith.constant 0 : i32
          %dma_wait3A_72 = tpu.memref_slice %arg6[%dma_wait3A_70, %dma_wait3A_71] : memref<10240x128xf32, #tpu.memory_space<hbm>> -> memref<10240x128xf32, #tpu.memory_space<hbm>>
          tpu.wait_indirect_dma semaphore(%arg17 : memref<!tpu.dma_semaphore, #tpu.memory_space<semaphore_mem>>) src(%dma_wait3A_72 : memref<10240x128xf32, #tpu.memory_space<hbm>>) dst(%arg14 : memref<128x128xf32, #tpu.memory_space<vmem>>)
          %dma_start3A_73 = arith.constant 0 : i32
          %dma_start3A_74 = tpu.memref_slice %arg12[%scan3A_54, %dma_start3A_73] : memref<20x128xi32, #tpu.memory_space<vmem>> -> memref<1x128xi32, #tpu.memory_space<vmem>>
          %dma_start3A_75 = tpu.memref_squeeze %dma_start3A_74 : memref<1x128xi32, #tpu.memory_space<vmem>> -> memref<128xi32, #tpu.memory_space<vmem>>
          %dma_start3A_76 = arith.constant 0 : i32
          %dma_start3A_77 = arith.constant 0 : i32
          %dma_start3A_78 = tpu.memref_slice %arg15[%dma_start3A_76, %dma_start3A_77] : memref<10240x128xf32, #tpu.memory_space<vmem_shared>> -> memref<10240x128xf32, #tpu.memory_space<vmem_shared>>
          tpu.enqueue_indirect_dma source(%arg14 : memref<128x128xf32, #tpu.memory_space<vmem>>) target(%dma_start3A_78 : memref<10240x128xf32, #tpu.memory_space<vmem_shared>>) offsets(%dma_start3A_75 : memref<128xi32, #tpu.memory_space<vmem>>) semaphore(%arg19 : memref<!tpu.dma_semaphore, #tpu.memory_space<semaphore_mem>>) {add = true}
          %dma_wait3A_79 = arith.constant 0 : i32
          %dma_wait3A_80 = tpu.memref_slice %arg11[%scan3A_54, %dma_wait3A_79] : memref<20x128xi32, #tpu.memory_space<vmem>> -> memref<1x128xi32, #tpu.memory_space<vmem>>
          %dma_wait3A_81 = tpu.memref_squeeze %dma_wait3A_80 : memref<1x128xi32, #tpu.memory_space<vmem>> -> memref<128xi32, #tpu.memory_space<vmem>>
          %dma_wait3A_82 = arith.constant 0 : i32
          %dma_wait3A_83 = arith.constant 0 : i32
          %dma_wait3A_84 = tpu.memref_slice %arg15[%dma_wait3A_82, %dma_wait3A_83] : memref<10240x128xf32, #tpu.memory_space<vmem_shared>> -> memref<10240x128xf32, #tpu.memory_space<vmem_shared>>
          tpu.wait_indirect_dma semaphore(%arg18 : memref<!tpu.dma_semaphore, #tpu.memory_space<semaphore_mem>>) src(%arg13 : memref<128x128xf32, #tpu.memory_space<vmem>>) dst(%dma_wait3A_84 : memref<10240x128xf32, #tpu.memory_space<vmem_shared>>)
          %add3A = arith.constant 1 : i32
          %add3A_85 = arith.addi %scan3A_54, %add3A : i32
          %min3A = arith.constant 19 : i32
          %min3A_86 = arith.minsi %add3A_85, %min3A : i32
          %dma_start3A_87 = arith.constant 0 : i32
          %dma_start3A_88 = tpu.memref_slice %arg9[%min3A_86, %dma_start3A_87] : memref<20x128xi32, #tpu.memory_space<vmem>> -> memref<1x128xi32, #tpu.memory_space<vmem>>
          %dma_start3A_89 = tpu.memref_squeeze %dma_start3A_88 : memref<1x128xi32, #tpu.memory_space<vmem>> -> memref<128xi32, #tpu.memory_space<vmem>>
          %dma_start3A_90 = arith.constant 0 : i32
          %dma_start3A_91 = arith.constant 0 : i32
          %dma_start3A_92 = tpu.memref_slice %arg6[%dma_start3A_90, %dma_start3A_91] : memref<10240x128xf32, #tpu.memory_space<hbm>> -> memref<10240x128xf32, #tpu.memory_space<hbm>>
          tpu.enqueue_indirect_dma source(%dma_start3A_92 : memref<10240x128xf32, #tpu.memory_space<hbm>>) target(%arg13 : memref<128x128xf32, #tpu.memory_space<vmem>>) offsets(%dma_start3A_89 : memref<128xi32, #tpu.memory_space<vmem>>) semaphore(%arg16 : memref<!tpu.dma_semaphore, #tpu.memory_space<semaphore_mem>>)
          %dma_wait3A_93 = arith.constant 0 : i32
          %dma_wait3A_94 = tpu.memref_slice %arg12[%scan3A_54, %dma_wait3A_93] : memref<20x128xi32, #tpu.memory_space<vmem>> -> memref<1x128xi32, #tpu.memory_space<vmem>>
          %dma_wait3A_95 = tpu.memref_squeeze %dma_wait3A_94 : memref<1x128xi32, #tpu.memory_space<vmem>> -> memref<128xi32, #tpu.memory_space<vmem>>
          %dma_wait3A_96 = arith.constant 0 : i32
          %dma_wait3A_97 = arith.constant 0 : i32
          %dma_wait3A_98 = tpu.memref_slice %arg15[%dma_wait3A_96, %dma_wait3A_97] : memref<10240x128xf32, #tpu.memory_space<vmem_shared>> -> memref<10240x128xf32, #tpu.memory_space<vmem_shared>>
          tpu.wait_indirect_dma semaphore(%arg19 : memref<!tpu.dma_semaphore, #tpu.memory_space<semaphore_mem>>) src(%arg14 : memref<128x128xf32, #tpu.memory_space<vmem>>) dst(%dma_wait3A_98 : memref<10240x128xf32, #tpu.memory_space<vmem_shared>>)
          %add3A_99 = arith.constant 1 : i32
          %add3A_100 = arith.addi %scan3A_54, %add3A_99 : i32
          %min3A_101 = arith.constant 19 : i32
          %min3A_102 = arith.minsi %add3A_100, %min3A_101 : i32
          %dma_start3A_103 = arith.constant 0 : i32
          %dma_start3A_104 = tpu.memref_slice %arg10[%min3A_102, %dma_start3A_103] : memref<20x128xi32, #tpu.memory_space<vmem>> -> memref<1x128xi32, #tpu.memory_space<vmem>>
          %dma_start3A_105 = tpu.memref_squeeze %dma_start3A_104 : memref<1x128xi32, #tpu.memory_space<vmem>> -> memref<128xi32, #tpu.memory_space<vmem>>
          %dma_start3A_106 = arith.constant 0 : i32
          %dma_start3A_107 = arith.constant 0 : i32
          %dma_start3A_108 = tpu.memref_slice %arg6[%dma_start3A_106, %dma_start3A_107] : memref<10240x128xf32, #tpu.memory_space<hbm>> -> memref<10240x128xf32, #tpu.memory_space<hbm>>
          tpu.enqueue_indirect_dma source(%dma_start3A_108 : memref<10240x128xf32, #tpu.memory_space<hbm>>) target(%arg14 : memref<128x128xf32, #tpu.memory_space<vmem>>) offsets(%dma_start3A_105 : memref<128xi32, #tpu.memory_space<vmem>>) semaphore(%arg17 : memref<!tpu.dma_semaphore, #tpu.memory_space<semaphore_mem>>)
        }
        %scan3A_40 = arith.constant 20 : i32
        %dma_wait3A = arith.constant 19 : i32
        %dma_wait3A_41 = arith.constant 0 : i32
        %dma_wait3A_42 = tpu.memref_slice %arg9[%dma_wait3A, %dma_wait3A_41] : memref<20x128xi32, #tpu.memory_space<vmem>> -> memref<1x128xi32, #tpu.memory_space<vmem>>
        %dma_wait3A_43 = tpu.memref_squeeze %dma_wait3A_42 : memref<1x128xi32, #tpu.memory_space<vmem>> -> memref<128xi32, #tpu.memory_space<vmem>>
        %dma_wait3A_44 = arith.constant 0 : i32
        %dma_wait3A_45 = arith.constant 0 : i32
        %dma_wait3A_46 = tpu.memref_slice %arg6[%dma_wait3A_44, %dma_wait3A_45] : memref<10240x128xf32, #tpu.memory_space<hbm>> -> memref<10240x128xf32, #tpu.memory_space<hbm>>
        tpu.wait_indirect_dma semaphore(%arg16 : memref<!tpu.dma_semaphore, #tpu.memory_space<semaphore_mem>>) src(%dma_wait3A_46 : memref<10240x128xf32, #tpu.memory_space<hbm>>) dst(%arg13 : memref<128x128xf32, #tpu.memory_space<vmem>>)
        %dma_wait3A_47 = arith.constant 19 : i32
        %dma_wait3A_48 = arith.constant 0 : i32
        %dma_wait3A_49 = tpu.memref_slice %arg10[%dma_wait3A_47, %dma_wait3A_48] : memref<20x128xi32, #tpu.memory_space<vmem>> -> memref<1x128xi32, #tpu.memory_space<vmem>>
        %dma_wait3A_50 = tpu.memref_squeeze %dma_wait3A_49 : memref<1x128xi32, #tpu.memory_space<vmem>> -> memref<128xi32, #tpu.memory_space<vmem>>
        %dma_wait3A_51 = arith.constant 0 : i32
        %dma_wait3A_52 = arith.constant 0 : i32
        %dma_wait3A_53 = tpu.memref_slice %arg6[%dma_wait3A_51, %dma_wait3A_52] : memref<10240x128xf32, #tpu.memory_space<hbm>> -> memref<10240x128xf32, #tpu.memory_space<hbm>>
        tpu.wait_indirect_dma semaphore(%arg17 : memref<!tpu.dma_semaphore, #tpu.memory_space<semaphore_mem>>) src(%dma_wait3A_53 : memref<10240x128xf32, #tpu.memory_space<hbm>>) dst(%arg14 : memref<128x128xf32, #tpu.memory_space<vmem>>)
      }
      %scan3A_17 = arith.constant 2 : i32
    } else {
    }
    %barrier3A_8 = arith.constant 0 : index
    tpu.barrier barrier_id(%barrier3A_8)
    %mul3A_9 = arith.constant 640 : i32
    %mul3A_10 = arith.muli %arg1, %mul3A_9 : i32
    %mul3A_11 = arith.constant 640 : i32
    %mul3A_12 = arith.muli %arg1, %mul3A_11 : i32
    "tpu.region"() ({
      %run_scoped3A = tpu.sem_alloc : memref<!tpu.dma_semaphore, #tpu.memory_space<semaphore_mem>>
      %dma_start3A = arith.constant 0 : i32
      %dma_start3A_13 = tpu.memref_slice %arg8[%arg0, %mul3A_12, %dma_start3A] : memref<2x10240x128xf32, #tpu.memory_space<hbm>> -> memref<1x640x128xf32, #tpu.memory_space<hbm>>
      %dma_start3A_14 = tpu.memref_squeeze %dma_start3A_13 : memref<1x640x128xf32, #tpu.memory_space<hbm>> -> memref<640x128xf32, #tpu.memory_space<hbm>>
      %dma_start3A_15 = arith.constant 0 : i32
      %dma_start3A_16 = tpu.memref_slice %arg15[%mul3A_10, %dma_start3A_15] : memref<10240x128xf32, #tpu.memory_space<vmem_shared>> -> memref<640x128xf32, #tpu.memory_space<vmem_shared>>
      tpu.enqueue_dma source(%dma_start3A_16 : memref<640x128xf32, #tpu.memory_space<vmem_shared>>) target(%dma_start3A_14 : memref<640x128xf32, #tpu.memory_space<hbm>>) target_semaphore(%run_scoped3A : memref<!tpu.dma_semaphore, #tpu.memory_space<semaphore_mem>>)
      %dma_wait3A = arith.constant 0 : i32
      %dma_wait3A_17 = tpu.memref_slice %arg8[%arg0, %mul3A_12, %dma_wait3A] : memref<2x10240x128xf32, #tpu.memory_space<hbm>> -> memref<1x640x128xf32, #tpu.memory_space<hbm>>
      %dma_wait3A_18 = tpu.memref_squeeze %dma_wait3A_17 : memref<1x640x128xf32, #tpu.memory_space<hbm>> -> memref<640x128xf32, #tpu.memory_space<hbm>>
      %dma_wait3A_19 = arith.constant 0 : i32
      %dma_wait3A_20 = tpu.memref_slice %arg15[%mul3A_10, %dma_wait3A_19] : memref<10240x128xf32, #tpu.memory_space<vmem_shared>> -> memref<640x128xf32, #tpu.memory_space<vmem_shared>>
      tpu.wait_dma2 semaphore(%run_scoped3A : memref<!tpu.dma_semaphore, #tpu.memory_space<semaphore_mem>>) src(%dma_wait3A_20 : memref<640x128xf32, #tpu.memory_space<vmem_shared>>) dst(%dma_wait3A_18 : memref<640x128xf32, #tpu.memory_space<hbm>>)
      tpu.yield
    }) : () -> ()
    return
  }
}

module attributes {stable_mosaic.version = 14 : i64} {
  func.func @_stage1_body(%arg0: memref<10240x128xf32, #tpu.memory_space<vmem>>, %arg1: memref<10240x2xf32, #tpu.memory_space<vmem>>, %arg2: memref<128x128xf32, #tpu.memory_space<vmem>>, %arg3: memref<10240x128xf32, #tpu.memory_space<vmem>>, %arg4: memref<10240x1xf32, #tpu.memory_space<vmem>>) attributes {dimension_semantics = [], scalar_prefetch = 0 : i64, scratch_operands = 0 : i64, tpu.core_type = #tpu.core_type<tc>} {
    %get3A = arith.constant 0 : index
    %get3A_0 = arith.constant 0 : index
    %get3A_1 = vector.load %arg1[%get3A, %get3A_0] : memref<10240x2xf32, #tpu.memory_space<vmem>>, vector<10240x2xf32>
    %reduce_sum3A = arith.constant dense<0.000000e+00> : vector<10240xf32>
    %reduce_sum3A_2 = vector.multi_reduction <add>, %get3A_1, %reduce_sum3A [1] : vector<10240x2xf32> to vector<10240xf32>
    %broadcast_in_dim3A = vector.shape_cast %reduce_sum3A_2 : vector<10240xf32> to vector<10240x1xf32>
    %add3A = arith.constant 1.000000e+00 : f32
    %add3A_3 = vector.broadcast %add3A : f32 to vector<10240x1xf32>
    %add3A_4 = arith.addf %broadcast_in_dim3A, %add3A_3 : vector<10240x1xf32>
    %rsqrt3A = math.rsqrt %add3A_4 : vector<10240x1xf32>
    %swap3A = arith.constant 0 : index
    %swap3A_5 = arith.constant 0 : index
    %swap3A_6 = vector.load %arg4[%swap3A, %swap3A_5] : memref<10240x1xf32, #tpu.memory_space<vmem>>, vector<10240x1xf32>
    tpu.vector_store %arg4[%swap3A, %swap3A_5], %rsqrt3A {strides = array<i32>} : memref<10240x1xf32, #tpu.memory_space<vmem>>, vector<10240x1xf32>,
    %get3A_7 = arith.constant 0 : index
    %get3A_8 = arith.constant 0 : index
    %get3A_9 = vector.load %arg0[%get3A_7, %get3A_8] : memref<10240x128xf32, #tpu.memory_space<vmem>>, vector<10240x128xf32>
    %get3A_10 = arith.constant 0 : index
    %get3A_11 = arith.constant 0 : index
    %get3A_12 = vector.load %arg2[%get3A_10, %get3A_11] : memref<128x128xf32, #tpu.memory_space<vmem>>, vector<128x128xf32>
    %dot_general3A = arith.constant dense<0.000000e+00> : vector<10240x128xf32>
    %dot_general3A_13 = tpu.matmul %get3A_9, %get3A_12, %dot_general3A {dimension_numbers = #tpu.dot_dimension_numbers<[1], [0], [0], [1], [0, 0, 1, 1], [], []>, transpose_lhs_hint = false} : vector<10240x128xf32>, vector<128x128xf32>, vector<10240x128xf32> -> vector<10240x128xf32>
    %mul3A = vector.broadcast %rsqrt3A : vector<10240x1xf32> to vector<10240x128xf32>
    %mul3A_14 = arith.mulf %dot_general3A_13, %mul3A : vector<10240x128xf32>
    %swap3A_15 = arith.constant 0 : index
    %swap3A_16 = arith.constant 0 : index
    %swap3A_17 = vector.load %arg3[%swap3A_15, %swap3A_16] : memref<10240x128xf32, #tpu.memory_space<vmem>>, vector<10240x128xf32>
    tpu.vector_store %arg3[%swap3A_15, %swap3A_16], %mul3A_14 {strides = array<i32>} : memref<10240x128xf32, #tpu.memory_space<vmem>>, vector<10240x128xf32>,
    return
  }
}

module attributes {stable_mosaic.version = 14 : i64} {
  func.func @_stage2_body(%arg0: memref<10240x128xf32, #tpu.memory_space<vmem>>, %arg1: memref<10240x128xf32, #tpu.memory_space<vmem>>, %arg2: memref<10240x128xf32, #tpu.memory_space<vmem>>, %arg3: memref<10240x1xf32, #tpu.memory_space<vmem>>, %arg4: memref<1x128xf32, #tpu.memory_space<vmem>>, %arg5: memref<128x128xf32, #tpu.memory_space<vmem>>, %arg6: memref<10240x128xf32, #tpu.memory_space<vmem>>) attributes {dimension_semantics = [], scalar_prefetch = 0 : i64, scratch_operands = 0 : i64, tpu.core_type = #tpu.core_type<tc>} {
    %get3A = arith.constant 0 : index
    %get3A_0 = arith.constant 0 : index
    %get3A_1 = vector.load %arg3[%get3A, %get3A_0] : memref<10240x1xf32, #tpu.memory_space<vmem>>, vector<10240x1xf32>
    %get3A_2 = arith.constant 0 : index
    %get3A_3 = arith.constant 0 : index
    %get3A_4 = vector.load %arg0[%get3A_2, %get3A_3] : memref<10240x128xf32, #tpu.memory_space<vmem>>, vector<10240x128xf32>
    %get3A_5 = arith.constant 0 : index
    %get3A_6 = arith.constant 0 : index
    %get3A_7 = vector.load %arg1[%get3A_5, %get3A_6] : memref<10240x128xf32, #tpu.memory_space<vmem>>, vector<10240x128xf32>
    %add3A = arith.addf %get3A_4, %get3A_7 : vector<10240x128xf32>
    %get3A_8 = arith.constant 0 : index
    %get3A_9 = arith.constant 0 : index
    %get3A_10 = vector.load %arg2[%get3A_8, %get3A_9] : memref<10240x128xf32, #tpu.memory_space<vmem>>, vector<10240x128xf32>
    %add3A_11 = arith.addf %add3A, %get3A_10 : vector<10240x128xf32>
    %mul3A = vector.broadcast %get3A_1 : vector<10240x1xf32> to vector<10240x128xf32>
    %mul3A_12 = arith.mulf %add3A_11, %mul3A : vector<10240x128xf32>
    %get3A_13 = arith.constant 0 : index
    %get3A_14 = arith.constant 0 : index
    %get3A_15 = vector.load %arg4[%get3A_13, %get3A_14] : memref<1x128xf32, #tpu.memory_space<vmem>>, vector<1x128xf32>
    %add3A_16 = vector.broadcast %get3A_15 : vector<1x128xf32> to vector<10240x128xf32>
    %add3A_17 = arith.addf %mul3A_12, %add3A_16 : vector<10240x128xf32>
    %max3A = arith.constant 0.000000e+00 : f32
    %max3A_18 = vector.broadcast %max3A : f32 to vector<10240x128xf32>
    %max3A_19 = arith.maximumf %add3A_17, %max3A_18 : vector<10240x128xf32>
    %get3A_20 = arith.constant 0 : index
    %get3A_21 = arith.constant 0 : index
    %get3A_22 = vector.load %arg5[%get3A_20, %get3A_21] : memref<128x128xf32, #tpu.memory_space<vmem>>, vector<128x128xf32>
    %dot_general3A = arith.constant dense<0.000000e+00> : vector<10240x128xf32>
    %dot_general3A_23 = tpu.matmul %max3A_19, %get3A_22, %dot_general3A {dimension_numbers = #tpu.dot_dimension_numbers<[1], [0], [0], [1], [0, 0, 1, 1], [], []>, transpose_lhs_hint = false} : vector<10240x128xf32>, vector<128x128xf32>, vector<10240x128xf32> -> vector<10240x128xf32>
    %mul3A_24 = vector.broadcast %get3A_1 : vector<10240x1xf32> to vector<10240x128xf32>
    %mul3A_25 = arith.mulf %dot_general3A_23, %mul3A_24 : vector<10240x128xf32>
    %swap3A = arith.constant 0 : index
    %swap3A_26 = arith.constant 0 : index
    %swap3A_27 = vector.load %arg6[%swap3A, %swap3A_26] : memref<10240x128xf32, #tpu.memory_space<vmem>>, vector<10240x128xf32>
    tpu.vector_store %arg6[%swap3A, %swap3A_26], %mul3A_25 {strides = array<i32>} : memref<10240x128xf32, #tpu.memory_space<vmem>>, vector<10240x128xf32>,
    return
  }
}

module attributes {stable_mosaic.version = 14 : i64} {
  func.func @_stage3_body(%arg0: memref<10240x128xf32, #tpu.memory_space<vmem>>, %arg1: memref<10240x128xf32, #tpu.memory_space<vmem>>, %arg2: memref<10240x128xf32, #tpu.memory_space<vmem>>, %arg3: memref<10240x1xf32, #tpu.memory_space<vmem>>, %arg4: memref<1x128xf32, #tpu.memory_space<vmem>>, %arg5: memref<128x128xf32, #tpu.memory_space<vmem>>, %arg6: memref<1x128xf32, #tpu.memory_space<vmem>>, %arg7: memref<10240x128xf32, #tpu.memory_space<vmem>>) attributes {dimension_semantics = [], scalar_prefetch = 0 : i64, scratch_operands = 0 : i64, tpu.core_type = #tpu.core_type<tc>} {
    %get3A = arith.constant 0 : index
    %get3A_0 = arith.constant 0 : index
    %get3A_1 = vector.load %arg0[%get3A, %get3A_0] : memref<10240x128xf32, #tpu.memory_space<vmem>>, vector<10240x128xf32>
    %get3A_2 = arith.constant 0 : index
    %get3A_3 = arith.constant 0 : index
    %get3A_4 = vector.load %arg1[%get3A_2, %get3A_3] : memref<10240x128xf32, #tpu.memory_space<vmem>>, vector<10240x128xf32>
    %add3A = arith.addf %get3A_1, %get3A_4 : vector<10240x128xf32>
    %get3A_5 = arith.constant 0 : index
    %get3A_6 = arith.constant 0 : index
    %get3A_7 = vector.load %arg2[%get3A_5, %get3A_6] : memref<10240x128xf32, #tpu.memory_space<vmem>>, vector<10240x128xf32>
    %add3A_8 = arith.addf %add3A, %get3A_7 : vector<10240x128xf32>
    %get3A_9 = arith.constant 0 : index
    %get3A_10 = arith.constant 0 : index
    %get3A_11 = vector.load %arg3[%get3A_9, %get3A_10] : memref<10240x1xf32, #tpu.memory_space<vmem>>, vector<10240x1xf32>
    %mul3A = vector.broadcast %get3A_11 : vector<10240x1xf32> to vector<10240x128xf32>
    %mul3A_12 = arith.mulf %add3A_8, %mul3A : vector<10240x128xf32>
    %get3A_13 = arith.constant 0 : index
    %get3A_14 = arith.constant 0 : index
    %get3A_15 = vector.load %arg4[%get3A_13, %get3A_14] : memref<1x128xf32, #tpu.memory_space<vmem>>, vector<1x128xf32>
    %add3A_16 = vector.broadcast %get3A_15 : vector<1x128xf32> to vector<10240x128xf32>
    %add3A_17 = arith.addf %mul3A_12, %add3A_16 : vector<10240x128xf32>
    %max3A = arith.constant 0.000000e+00 : f32
    %max3A_18 = vector.broadcast %max3A : f32 to vector<10240x128xf32>
    %max3A_19 = arith.maximumf %add3A_17, %max3A_18 : vector<10240x128xf32>
    %get3A_20 = arith.constant 0 : index
    %get3A_21 = arith.constant 0 : index
    %get3A_22 = vector.load %arg5[%get3A_20, %get3A_21] : memref<128x128xf32, #tpu.memory_space<vmem>>, vector<128x128xf32>
    %dot_general3A = arith.constant dense<0.000000e+00> : vector<10240x128xf32>
    %dot_general3A_23 = tpu.matmul %max3A_19, %get3A_22, %dot_general3A {dimension_numbers = #tpu.dot_dimension_numbers<[1], [0], [0], [1], [0, 0, 1, 1], [], []>, transpose_lhs_hint = false} : vector<10240x128xf32>, vector<128x128xf32>, vector<10240x128xf32> -> vector<10240x128xf32>
    %get3A_24 = arith.constant 0 : index
    %get3A_25 = arith.constant 0 : index
    %get3A_26 = vector.load %arg6[%get3A_24, %get3A_25] : memref<1x128xf32, #tpu.memory_space<vmem>>, vector<1x128xf32>
    %add3A_27 = vector.broadcast %get3A_26 : vector<1x128xf32> to vector<10240x128xf32>
    %add3A_28 = arith.addf %dot_general3A_23, %add3A_27 : vector<10240x128xf32>
    %reduce_max3A = arith.constant dense<0xFF800000> : vector<10240xf32>
    %reduce_max3A_29 = vector.multi_reduction <maximumf>, %add3A_28, %reduce_max3A [1] : vector<10240x128xf32> to vector<10240xf32>
    %broadcast_in_dim3A = vector.shape_cast %reduce_max3A_29 : vector<10240xf32> to vector<10240x1xf32>
    %sub3A = vector.broadcast %broadcast_in_dim3A : vector<10240x1xf32> to vector<10240x128xf32>
    %sub3A_30 = arith.subf %add3A_28, %sub3A : vector<10240x128xf32>
    %exp3A = math.exp %sub3A_30 : vector<10240x128xf32>
    %reduce_sum3A = arith.constant dense<0.000000e+00> : vector<10240xf32>
    %reduce_sum3A_31 = vector.multi_reduction <add>, %exp3A, %reduce_sum3A [1] : vector<10240x128xf32> to vector<10240xf32>
    %broadcast_in_dim3A_32 = vector.shape_cast %reduce_sum3A_31 : vector<10240xf32> to vector<10240x1xf32>
    %div3A = vector.broadcast %broadcast_in_dim3A_32 : vector<10240x1xf32> to vector<10240x128xf32>
    %div3A_33 = arith.divf %exp3A, %div3A : vector<10240x128xf32>
    %swap3A = arith.constant 0 : index
    %swap3A_34 = arith.constant 0 : index
    %swap3A_35 = vector.load %arg7[%swap3A, %swap3A_34] : memref<10240x128xf32, #tpu.memory_space<vmem>>, vector<10240x128xf32>
    tpu.vector_store %arg7[%swap3A, %swap3A_34], %div3A_33 {strides = array<i32>} : memref<10240x128xf32, #tpu.memory_space<vmem>>, vector<10240x128xf32>,
    return
  }
}

</mosaic_0001>

<sc_bundles>
// kernel: kernel.11.cloned.1.call-start
scs
__scs_entry_jumppad:
0x0: {  	(pc) =	sbr.rel $0x88, $3  }
0x1: {  	(tag) =	ssettag $0x0;
	lr =	simm.s32 $0x1  }
0x2: {  	[smem:$0x3F99] =	sst lr;
	_ =	strace $0xD0000000  }
0x3: {  	_ = 	snop  }
0x4: {  	_ = 	snop  }
0x5: {  	_ = 	snop  }
0x6: {  	_ = 	snop  }
0x7: {  	_ = 	snop  }
__scs_overlays_trampoline_lowered:
0x8: {  	[smem:$0x3FA8] =	sst s0  }
0x9: {  	[smem:$0x3FA9] =	sst s1  }
0xa: {  	[smem:$0x3FAA] =	sst s2  }
0xb: {  	[smem:$0x3FAB] =	sst s3  }
0xc: {  	[smem:$0x3FAC] =	sst s4  }
0xd: {  	[smem:$0x3FAD] =	sst s5  }
0xe: {  	[smem:$0x3FAE] =	sst s6  }
0xf: {  	[smem:$0x3FAF] =	sst s7  }
0x10: {  	[smem:$0x3FB0] =	sst s8  }
0x11: {  	[smem:$0x3FB1] =	sst s9;
	s0 =	simm.s32 @!p0 $0x0  }
0x12: {  	s1 =	sld [smem:$0x3F97];
	s0 =	simm.s32 @p0 $0x1  }
0x13: {  	[smem:$0x3FB2] =	sst s0;
	s0 =	simm.s32 @!p1 $0x0  }
0x14: {  	s2 =	sld [smem:$0x3F96];
	s0 =	simm.s32 @p1 $0x1  }
0x15: {  	[smem:$0x3FB3] =	sst s0;
	s0 =	simm.s32 @!p2 $0x0  }
0x16: {  	s3 =	sld [smem:$0x3FDB];
	s0 =	simm.s32 @p2 $0x1  }
0x17: {  	s4 =	simm.s32 $0x1BF5;
	[smem:$0x3FB5] =	sst s0  }
0x18: {  	s0 =	sld [smem:$0x3F98];
	_ =	swait.ge [sflag:s4], $0x0  }
0x19: {  	s7 =	sld [smem:$0x3F99]  }
0x1a: {  	s8 =	sadd.s32 $0xFFFFE003, lr  }
0x1b: {  	s9 =	sadd.s32 $0xFFFFFEF7, lr;
	s5 =	simm.s32 $0xFFFFFFFF;
	p2 =	slt.u32 s8, $0xFFFFF086  }
0x1c: {  	p1 =	slt.u32 s9, $0xF7A;
	s5 =	simm.s32 @!p2 $0x0  }
0x1d: {  	s5 =	simm.s32 @p1 $0x1;
	p0 =	seq.s32 s7, s2  }
0x1e: {  	s7 =	smul.u32 @!p0 $0xF7A, s2;
	p2 =	seq.s32 @!p0 s5, $0x0  }
0x1f: {  	s9 =	smul.u32 $0xF7A, s1;
	s8 =	simm.s32 @!p0 $0x1BF5;
	p2 =	por !p2, p0  }
0x20: {  	[sflag:s8] =	ssyncset.s32 @!p0 $0xFFFFF086;
	s6 =	sadd.s32 @!p0 s3, s7;
	s7 =	simm.s32 @!p0 $0x108  }
0x21: {  	s3 =	sadd.s32 s3, s9;
	s6 =	sadd.s32 @!p0 $0x88, s6;
	s7 =	simm.s32 @p2 $0x1082  }
0x22: {  	[simem:s7], [sflag:s8] =	dma.local @!p0 [hbm:s6], $0xF7A  }
0x23: {  	s9 =	sor.u32 $0xD0000000, s2;
	s6 =	simm.s32 $0x108;
	_ =	swait.ge @!p0 [sflag:s8], $0x0  }
0x24: {  	s3 =	sadd.s32 $0x88, s3;
	s6 =	simm.s32 @!p1 $0x1082;
	[sflag:s4] =	ssyncset.s32 $0xFFFFF086  }
0x25: {  	[simem:s6], [sflag:s4] =	dma.local [hbm:s3], $0xF7A  }
0x26: {  	[smem:$0x3F99] =	sst s1;
	(tag) =	ssettag s2;
	_ =	strace s9  }
0x27: {  	s1 =	sld [smem:$0x3FA9]  }
0x28: {  	s2 =	sld [smem:$0x3FAA]  }
0x29: {  	s4 =	sld [smem:$0x3FAC]  }
0x2a: {  	p0 =	seq.s32 s5, $0x0;
	s5 =	sld [smem:$0x3FAD]  }
0x2b: {  	s6 =	sld [smem:$0x3FAE]  }
0x2c: {  	s7 =	sld [smem:$0x3FAF]  }
0x2d: {  	s3 =	simm.s32 $0x108;
	s8 =	sld [smem:$0x3FB0]  }
0x2e: {  	s3 =	simm.s32 @!p0 $0x1082;
	s9 =	sld [smem:$0x3FB1]  }
0x2f: {  	lr =	sadd.s32 s0, s3;
	s0 =	sld [smem:$0x3FA8]  }
0x30: {  	s3 =	sld [smem:$0x3FAB]  }
0x31: {  	[smem:$0x3FB4] =	sst s10  }
0x32: {  	s10 =	sld [smem:$0x3FB2];
	_ =	sdelay $0x3  }
0x33: {  	p0 =	seq.s32 s10, $0x1;
	s10 =	sld [smem:$0x3FB4];
	_ =	sdelay $0x3  }
0x34: {  	[smem:$0x3FB4] =	sst s10  }
0x35: {  	s10 =	sld [smem:$0x3FB3];
	_ =	sdelay $0x3  }
0x36: {  	p1 =	seq.s32 s10, $0x1;
	s10 =	sld [smem:$0x3FB4];
	_ =	sdelay $0x3  }
0x37: {  	[smem:$0x3FB4] =	sst s10  }
0x38: {  	s10 =	sld [smem:$0x3FB5]  }
0x39: {  	_ = 	snop;
	(pc) =	sbr.ind lr, $3  }
0x3a: {  	_ = 	snop  }
0x3b: {  	_ = 	snop  }
0x3c: {  	p2 =	seq.s32 s10, $0x1;
	s10 =	sld [smem:$0x3FB4]  }
0x3d: {  	_ =	shalt  }
0x3e: {  	_ =	shalt  }
0x3f: {  	_ =	shalt  }
0x40: {  	_ =	shalt  }
0x41: {  	_ =	shalt  }
0x42: {  	_ =	shalt  }
0x43: {  	_ =	shalt  }
0x44: {  	_ =	shalt  }
0x45: {  	_ =	shalt  }
0x46: {  	_ =	shalt  }
0x47: {  	_ =	shalt  }
0x48: {  	_ =	shalt  }
0x49: {  	_ =	shalt  }
0x4a: {  	_ =	shalt  }
0x4b: {  	_ =	shalt  }
0x4c: {  	_ =	shalt  }
0x4d: {  	_ =	shalt  }
0x4e: {  	_ =	shalt  }
0x4f: {  	_ =	shalt  }
0x50: {  	_ =	shalt  }
0x51: {  	_ =	shalt  }
0x52: {  	_ =	shalt  }
0x53: {  	_ =	shalt  }
0x54: {  	_ =	shalt  }
0x55: {  	_ =	shalt  }
0x56: {  	_ =	shalt  }
0x57: {  	_ =	shalt  }
0x58: {  	_ =	shalt  }
0x59: {  	_ =	shalt  }
0x5a: {  	_ =	shalt  }
0x5b: {  	_ =	shalt  }
0x5c: {  	_ =	shalt  }
0x5d: {  	_ =	shalt  }
0x5e: {  	_ =	shalt  }
0x5f: {  	_ =	shalt  }
0x60: {  	_ =	shalt  }
0x61: {  	_ =	shalt  }
0x62: {  	_ =	shalt  }
0x63: {  	_ =	shalt  }
0x64: {  	_ =	shalt  }
0x65: {  	_ =	shalt  }
0x66: {  	_ =	shalt  }
0x67: {  	_ =	shalt  }
0x68: {  	_ =	shalt  }
0x69: {  	_ =	shalt  }
0x6a: {  	_ =	shalt  }
0x6b: {  	_ =	shalt  }
0x6c: {  	_ =	shalt  }
0x6d: {  	_ =	shalt  }
0x6e: {  	_ =	shalt  }
0x6f: {  	_ =	shalt  }
0x70: {  	_ =	shalt  }
0x71: {  	_ =	shalt  }
0x72: {  	_ =	shalt  }
0x73: {  	_ =	shalt  }
0x74: {  	_ =	shalt  }
0x75: {  	_ =	shalt  }
0x76: {  	_ =	shalt  }
0x77: {  	_ =	shalt  }
0x78: {  	_ =	shalt  }
0x79: {  	_ =	shalt  }
0x7a: {  	_ =	shalt  }
0x7b: {  	_ =	shalt  }
0x7c: {  	_ =	shalt  }
0x7d: {  	_ =	shalt  }
0x7e: {  	_ =	shalt  }
0x7f: {  	_ =	shalt  }
0x80: {  	_ =	shalt  }
0x81: {  	_ =	shalt  }
0x82: {  	_ =	shalt  }
0x83: {  	_ =	shalt  }
0x84: {  	_ =	shalt  }
0x85: {  	_ =	shalt  }
0x86: {  	_ =	shalt  }
0x87: {  	_ =	shalt  }
.Lfunc_end0:
.L_simem_size_0:
called_computation.1_lowered:
.L_overlay_start_0:
0x88: {  	s2 =	sld [smem:$0x3FD9]  }
0x89: {  	s3 =	sld [smem:$0x3FFE];
	_ =	sdelay $0x1  }
0x8a: {  	s1 =	srdreg.scid  }
0x8b: {  	s0 =	sand.u32 $0x1, s1  }
0x8c: {  	s17 =	sshll.u32 s0, $0xA;
	s2 =	sadd.s32 s3, s2  }
0x8d: {  	s2 =	sadd.s32 s2, s17  }
0x8e: {  	[smem:$0x3FC0] =	sst s2  }
0x8f: {  	_ = 	snop  }
0x90: {  	s2 =	sld [smem:$0x3FD0];
	(tm) =	ssettm $0x1  }
0x91: {  	s18 =	sld [smem:$0x3FFB];
	_ =	sdelay $0x3  }
0x92: {  	_ =	strace s18  }
0x93: {  	s3 =	sld [smem:$0x3FFC];
	_ =	sdelay $0x3  }
0x94: {  	_ =	strace s3  }
0x95: {  	s3 =	sld [smem:$0x3FFD];
	_ =	sdelay $0x3  }
0x96: {  	_ =	strace s3  }
0x97: {  	_ =	strace $0x8FFFFFFF  }
0x98: {  	s19 =	sld [smem:$0x3FDB];
	_ =	sdelay $0x1  }
0x99: {  	s4 =	simm.s32 $_scs_section_size  }
0x9a: {  	s5 =	simm.s32 $_size__tile_overlayer_lowered;
	s6 =	simm.s32 $_tile_overlayer_lowered  }
0x9b: {  	s22 =	simm.s32 $0x1BFF;
	s21 =	sshll.u32 s6, $0x1;
	s3 =	sadd.s32 s4, s19  }
0x9c: {  	s7 =	simm.s32 $0x0;
	s20 =	sshll.u32 s5, $0x1;
	s5 =	sadd.s32 s21, s3  }
0x9d: {  	[timem:s7], [sflag:s22] =	dma.local [hbm:s5], s20  }
0x9e: {  	_ =	swait.ge [sflag:s22], s20  }
0x9f: {  	s4 =	ssub.s32 $0x0, s20;
	[sflag:s22] =	ssyncset.done $0x0  }
0xa0: {  	[sflag:s22] =	ssyncadd.s32 s4;
	_ =	sdelay $0x1  }
0xa1: {  	s23 =	simm.s32 $0x1B8B  }
0xa2: {  	_ =	swait.ge [sflag:s23], $0x1  }
0xa3: {  	[sflag:s23] =	ssyncset.done $0x0  }
0xa4: {  	s25 =	simm.s32 $0x1B8E;
	s24 =	sld [smem:$0x3FFE];
	[sflag:s23] =	ssyncadd.s32 $0xFFFFFFFF  }
0xa5: {  	s26 =	simm.s32 $execute0_lowered;
	[smem:$0x3FD2] =	sst s25  }
0xa6: {  	s5 =	sshll.u32 s26, $0x1;
	_ =	strace $0x80000049;
	[dreg:$0x1] =	wrdreg $0xFFFFFFFF  }
0xa7: {  	s28 =	simm.s32 $_size_execute0_lowered;
	s3 =	sadd.s32 s3, s5;
	[dreg:$0x0] =	wrdreg $0x0  }
0xa8: {  	s5 =	sshll.u32 s28, $0x1;
	[dreg:$0x2] =	wrdreg s3  }
0xa9: {  	[dreg:$0x3] =	wrdreg s5  }
0xaa: {  	[dreg:$0x4] =	wrdreg $0xC0  }
0xab: {  	_ =	task [dreg:s7], $0x5FFFF  }
0xac: {  	[dreg:$0x1] =	wrdreg $0xFFFFFFFF  }
0xad: {  	[dreg:$0x0] =	wrdreg $0x60  }
0xae: {  	[dreg:$0x2] =	wrdreg s24  }
0xaf: {  	[dreg:$0x3] =	wrdreg s2  }
0xb0: {  	[dreg:$0x4] =	wrdreg $0xB0000  }
0xb1: {  	[dreg:$0x5] =	wrdreg $0x9  }
0xb2: {  	_ =	task.clear_ibuf [dreg:s7], $0x6FFFF;
	_ =	strace $0x90000049  }
0xb3: {  	s29 =	simm.s32 $0x9;
	_ =	strace $0x8000004B  }
0xb4: {  	_ =	swait.ge [sflag:s29], $0x1  }
0xb5: {  	[sflag:s29] =	ssyncadd.s32 $0xFFFFFFFF  }
0xb6: {  	_ =	strace $0x9000004B  }
0xb7: {  	_ =	sfence  }
0xb8: {  	s30 =	sld [smem:$0x0];
	_ =	sdelay $0x2  }
0xb9: {  	s31 =	sshll.u32 s1, $0xD;
	s1 =	sshrl.u32 s1, $0x2  }
0xba: {  	s3 =	sand.u32 $0x4000, s31;
	s1 =	sadd.s32 s1, s30  }
0xbb: {  	s0 =	sor.u32 s3, s0;
	s1 =	sshll.u32 s1, $0x11  }
0xbc: {  	s0 =	sor.u32 s1, s0  }
0xbd: {  	s0 =	sadd.s32 $0x8F2B, s0  }
0xbe: {  	[sflag:s0] =	ssyncadd.remote.s32 $0x1  }
0xbf: {  	_ =	sfence.sel $0xFFFF  }
0xc0: {  	[dreg:$0x0] =	wrdreg $0xFFFFFFFF;
	(pc) =	sbr.abs _section_cstart, $3  }
0xc1: {  	[dreg:$0x1] =	wrdreg $0xFFFFFFFF  }
0xc2: {  	_ =	task.clear_ibuf [dreg:s7], $0x2FFFF;
	_ =	strace $0x9FFFFFFF  }
0xc3: {  	(tm) =	ssettm $0x7FFFFFFF  }
tec
execute0_lowered:
.L_overlay_start_1:
0x0: {  	(tag) =	ssettag $0x1  }
0x1: {  	s0 =	rddreg [dreg:$0x0]  }
0x2: {  	s2 =	rddreg [dreg:$0x2]  }
0x3: {  	s1 =	srdreg.scid;
	s4 =	simm.s32 $0x0;
	s21 =	stileid.u32  }
0x4: {  	s28 =	simm.s32 $0x80;
	s29 =	simm.s32 $0x3000;
	s30 =	simm.s32 $0xC00  }
0x5: {  	s31 =	simm.s32 $0x7000;
	s1 =	sand.u32 $0x1, s1;
	s5 =	smul.u32 $0x14000, s21  }
0x6: {  	[smem:$0x7FF] =	sst s4;
	s6 =	sadd.s32 $0x20000, s0;
	s17 =	smul.u32 $0x50000, s21  }
0x7: {  	s7 =	sadd.s32 $0x1A000, s0;
	s8 =	sadd.s32 $0x14000, s0;
	s10 =	smul.u32 $0x3000, s21  }
0x8: {  	s11 =	sadd.s32 $0xE000, s0;
	s26 =	sshll.u32 s21, $0x6;
	s21 =	sadd.s32 $0x26000, s0  }
0x9: {  	s3 =	smul.u32 $0x140000, s1;
	_ =	strace $0x8000004A;
	s9 =	ssub.s32 $0x2, s1  }
0xa: {  	p0 =	seq.s32 s1, $0x1;
	s1 =	simm.s32 $0x3;
	s12 =	sshrl.u32 s9, $0x1  }
0xb: {  	s10 =	sshrl.u32 s10, $0x3;
	s3 =	sadd.s32 s5, s3;
	s9 =	ssub.s32 s9, s12  }
0xc: {  	s5 =	sshrl.u32 s17, $0x2;
	s18 =	sadd.s32 s6, s10;
	s19 =	sadd.s32 $0x300, s10  }
0xd: {  	s20 =	sadd.s32 s7, s10;
	s13 =	sadd.s32 s8, s10;
	[dreg:$0x4] =	wrdreg s18  }
0xe: {  	s14 =	sadd.s32 s11, s10;
	s3 =	sshrl.u32 s3, $0x3;
	[dreg:$0x5] =	wrdreg s20  }
0xf: {  	s22 =	sadd.s32 s6, s19;
	s18 =	sor.u32 $0x180, s10;
	s23 =	sadd.s32 s7, s19  }
0x10: {  	s20 =	sadd.s32 $0x480, s10;
	s15 =	sadd.s32 s8, s19;
	[dreg:$0x6] =	wrdreg s22  }
0x11: {  	s16 =	sadd.s32 s11, s19;
	s3 =	sadd.s32 s3, s0;
	[dreg:$0x7] =	wrdreg s23  }
0x12: {  	s24 =	sadd.s32 s6, s18;
	s25 =	sadd.s32 s7, s18;
	s6 =	sadd.s32 s6, s20  }
0x13: {  	s12 =	sadd.s32 s7, s20;
	s17 =	sadd.s32 s8, s18;
	s18 =	sadd.s32 s11, s18  }
.Ltmp0:
0x14: {  	s19 =	sadd.s32 s8, s20;
	s20 =	sadd.s32 s11, s20;
	(pc) =	sbr.rel .LBB2_1-.Ltmp0, $4  }
0x15: {  	s22 =	sadd.s32 s5, s2;
	s23 =	sor.u32 $0x1C05, s26;
	[dreg:$0x8] =	wrdreg s24  }
0x16: {  	s26 =	simm.s32 $0x5;
	s0 =	simm.s32 $0x1;
	[dreg:$0x9] =	wrdreg s25  }
0x17: {  	s5 =	simm.s32 $0x4;
	[dreg:$0xa] =	wrdreg s6;
	s24 =	sadd.s32 $0x76000, s3  }
0x18: {  	s25 =	smax.u32 s9, $0x1;
	s3 =	simm.s32 $0x2;
	s6 =	simm.s32 $0x0  }
.LBB2_11:
0x19: {  	[tilespmem:s31], [sflag:$0x2] =	stream.indirect.gather [hbm4b:s21+s28], $0x80, s11, s28, $0xb8;
	[tilespmem:$0x1F000] =	vst v63  }
.LBB2_12:
0x1a: {  	_ =	swait.ge [sflag:s0], $0x4000  }
0x1b: {  	[sflag:s0] =	ssyncset.done $0x0  }
0x1c: {  	[sflag:s0] =	ssyncadd.s32 $0xFFFFC000  }
0x1d: {  	_ =	swait.ge [sflag:s3], $0x4000  }
0x1e: {  	s6 =	sadd.s32 $0x1, s6;
	[sflag:s3] =	ssyncset.done $0x0  }
0x1f: {  	p1 =	sne.s32 s6, s25;
	[sflag:s3] =	ssyncadd.s32 $0xFFFFC000  }
.Ltmp1:
0x20: {  	[bflag:$0x0] =	sbarrier.arrive $0xFFFF;
	(pc) =	sbr.rel @!p1 .LBB2_13-.Ltmp1, $4  }
0x21: {  	[hbm:s24], [sflag:s23] =	dma.local [spmem:s7], $0x2800  }
0x22: {  	_ =	swait.ge [sflag:s26], $0x2800  }
0x23: {  	[sflag:s26] =	ssyncset.done $0x0  }
0x24: {  	[sflag:s26] =	ssyncadd.s32 $0xFFFFD800  }
.LBB2_1:
0x25: {  	s7 =	sshrl.u32 s22, $0x3;
	s8 =	rddreg [dreg:$0x1]  }
0x26: {  	[spmem:s7], [sflag:s23] =	dma.local [hbm:s8], $0x2800  }
.Ltmp2:
0x27: {  	_ =	swait.ge [sflag:s26], $0x2800;
	(pc) =	sbr.rel @!p0 .LBB2_2-.Ltmp2, $3  }
0x28: {  	[sflag:s26] =	ssyncset.done $0x0  }
0x29: {  	[sflag:s26] =	ssyncadd.s32 $0xFFFFD800  }
0x2a: {  	[bflag:$0x0] =	sbarrier.arrive $0xFFFF;
	_ =	sdelay $0x1  }
0x2b: {  	[tilespmem:s4], [sflag:$0x5] =	stream.linear.gather [hbm4b:s13+s4], $0xA00, $0x38;
	[tilespmem:$0x1F000] =	vst v63  }
0x2c: {  	_ =	swait.ge [sflag:s26], $0xA00  }
0x2d: {  	[sflag:s26] =	ssyncset.done $0x0  }
0x2e: {  	s8 =	simm.s32 $0x1800;
	[sflag:s26] =	ssyncadd.s32 $0xFFFFF600  }
0x2f: {  	[tilespmem:s8], [sflag:$0x5] =	stream.linear.gather [hbm4b:s14+s4], $0xA00, $0x38;
	[tilespmem:$0x1F000] =	vst v63  }
0x30: {  	_ =	swait.ge [sflag:s26], $0xA00  }
0x31: {  	[sflag:s26] =	ssyncset.done $0x0  }
0x32: {  	[sflag:s26] =	ssyncadd.s32 $0xFFFFF600  }
0x33: {  	[tilespmem:s29], [sflag:$0x1] =	stream.indirect.gather [hbm4b:s21+s28], $0x80, s4, s28, $0xb8;
	[tilespmem:$0x1F000] =	vst v63  }
0x34: {  	_ = 	snop  }
0x35: {  	[tilespmem:s30], [sflag:$0x5] =	stream.linear.gather [hbm4b:s15+s4], $0xA00, $0x38;
	[tilespmem:$0x1F000] =	vst v63  }
0x36: {  	_ =	swait.ge [sflag:s26], $0xA00  }
0x37: {  	[sflag:s26] =	ssyncset.done $0x0  }
0x38: {  	s9 =	simm.s32 $0x2400;
	[sflag:s26] =	ssyncadd.s32 $0xFFFFF600  }
0x39: {  	[tilespmem:s9], [sflag:$0x5] =	stream.linear.gather [hbm4b:s16+s4], $0xA00, $0x38;
	[tilespmem:$0x1F000] =	vst v63  }
0x3a: {  	_ =	swait.ge [sflag:s26], $0xA00  }
0x3b: {  	[sflag:s26] =	ssyncset.done $0x0  }
0x3c: {  	[sflag:s26] =	ssyncadd.s32 $0xFFFFF600  }
0x3d: {  	[tilespmem:s31], [sflag:$0x2] =	stream.indirect.gather [hbm4b:s21+s28], $0x80, s30, s28, $0xb8;
	[tilespmem:$0x1F000] =	vst v63  }
0x3e: {  	_ =	swait.ge [sflag:s0], $0x4000  }
0x3f: {  	[sflag:s0] =	ssyncset.done $0x0  }
0x40: {  	[sflag:s0] =	ssyncadd.s32 $0xFFFFC000  }
0x41: {  	[spmem:s2] =	stream.indirect.scatter.add.f32 [tilespmem:s29], [sflag:$0x3], $0x80, s8, s28, $0xb8;
	[tilespmem:$0x1F000] =	vst v63  }
0x42: {  	_ =	swait.ge [sflag:s3], $0x4000  }
0x43: {  	[sflag:s3] =	ssyncset.done $0x0  }
0x44: {  	[sflag:s3] =	ssyncadd.s32 $0xFFFFC000  }
0x45: {  	[spmem:s2] =	stream.indirect.scatter.add.f32 [tilespmem:s31], [sflag:$0x4], $0x80, s9, s28, $0xb8;
	[tilespmem:$0x1F000] =	vst v63  }
0x46: {  	s10 =	simm.s32 $0x1;
	_ =	swait.ge [sflag:s1], $0x4000  }
0x47: {  	s11 =	smin.u32 s10, $0x13;
	[sflag:s1] =	ssyncset.done $0x0  }
0x48: {  	s10 =	sshll.u32 s11, $0x7;
	[sflag:s1] =	ssyncadd.s32 $0xFFFFC000  }
0x49: {  	[tilespmem:s29], [sflag:$0x1] =	stream.indirect.gather [hbm4b:s21+s28], $0x80, s10, s28, $0xb8;
	[tilespmem:$0x1F000] =	vst v63  }
0x4a: {  	_ =	swait.ge [sflag:s5], $0x4000  }
0x4b: {  	s11 =	sadd.s32 $0xC00, s10;
	s8 =	simm.s32 $0x2;
	[sflag:s5] =	ssyncset.done $0x0  }
0x4c: {  	s9 =	simm.s32 $0x2480;
	s10 =	simm.s32 $0x1880;
	[sflag:s5] =	ssyncadd.s32 $0xFFFFC000  }
.LBB2_8:
0x4d: {  	[tilespmem:s31], [sflag:$0x2] =	stream.indirect.gather [hbm4b:s21+s28], $0x80, s11, s28, $0xb8;
	[tilespmem:$0x1F000] =	vst v63  }
0x4e: {  	s11 =	smov.u32 s8  }
0x4f: {  	p1 =	sne.s32 s8, $0x14;
	s8 =	sadd.s32 $0x1, s8;
	_ =	swait.ge [sflag:s0], $0x4000  }
0x50: {  	[sflag:s0] =	ssyncset.done $0x0  }
0x51: {  	[sflag:s0] =	ssyncadd.s32 $0xFFFFC000  }
0x52: {  	[spmem:s2] =	stream.indirect.scatter.add.f32 [tilespmem:s29], [sflag:$0x3], $0x80, s10, s28, $0xb8;
	[tilespmem:$0x1F000] =	vst v63  }
0x53: {  	_ =	swait.ge [sflag:s3], $0x4000  }
0x54: {  	[sflag:s3] =	ssyncset.done $0x0  }
0x55: {  	[sflag:s3] =	ssyncadd.s32 $0xFFFFC000  }
0x56: {  	[spmem:s2] =	stream.indirect.scatter.add.f32 [tilespmem:s31], [sflag:$0x4], $0x80, s9, s28, $0xb8;
	[tilespmem:$0x1F000] =	vst v63  }
0x57: {  	_ =	swait.ge [sflag:s1], $0x4000  }
0x58: {  	s11 =	smin.u32 s11, $0x13;
	[sflag:s1] =	ssyncset.done $0x0  }
.Ltmp3:
0x59: {  	s11 =	sshll.u32 s11, $0x7;
	[sflag:s1] =	ssyncadd.s32 $0xFFFFC000;
	(pc) =	sbr.rel @p1 .LBB2_8-.Ltmp3, $4  }
0x5a: {  	[tilespmem:s29], [sflag:$0x1] =	stream.indirect.gather [hbm4b:s21+s28], $0x80, s11, s28, $0xb8;
	[tilespmem:$0x1F000] =	vst v63  }
0x5b: {  	_ =	swait.ge [sflag:s5], $0x4000  }
0x5c: {  	s9 =	sadd.s32 $0x80, s9;
	[sflag:s5] =	ssyncset.done $0x0  }
0x5d: {  	s10 =	sadd.s32 $0x80, s10;
	s11 =	sadd.s32 $0xC00, s11;
	[sflag:s5] =	ssyncadd.s32 $0xFFFFC000  }
0x5e: {  	[tilespmem:s31], [sflag:$0x2] =	stream.indirect.gather [hbm4b:s21+s28], $0x80, s11, s28, $0xb8;
	[tilespmem:$0x1F000] =	vst v63  }
0x5f: {  	s8 =	simm.s32 $0x1  }
0x60: {  	_ =	swait.ge [sflag:s8], $0x4000  }
0x61: {  	[sflag:s8] =	ssyncset.done $0x0  }
0x62: {  	[sflag:s8] =	ssyncadd.s32 $0xFFFFC000  }
0x63: {  	_ =	swait.ge [sflag:s3], $0x4000  }
0x64: {  	[sflag:s3] =	ssyncset.done $0x0  }
0x65: {  	[sflag:s3] =	ssyncadd.s32 $0xFFFFC000  }
0x66: {  	[tilespmem:s4], [sflag:$0x5] =	stream.linear.gather [hbm4b:s17+s4], $0xA00, $0x38;
	[tilespmem:$0x1F000] =	vst v63  }
0x67: {  	_ =	swait.ge [sflag:s26], $0xA00  }
0x68: {  	[sflag:s26] =	ssyncset.done $0x0  }
0x69: {  	s9 =	simm.s32 $0x1800;
	[sflag:s26] =	ssyncadd.s32 $0xFFFFF600  }
0x6a: {  	[tilespmem:s9], [sflag:$0x5] =	stream.linear.gather [hbm4b:s18+s4], $0xA00, $0x38;
	[tilespmem:$0x1F000] =	vst v63  }
0x6b: {  	_ =	swait.ge [sflag:s26], $0xA00  }
0x6c: {  	[sflag:s26] =	ssyncset.done $0x0  }
0x6d: {  	[sflag:s26] =	ssyncadd.s32 $0xFFFFF600  }
0x6e: {  	[tilespmem:s29], [sflag:$0x1] =	stream.indirect.gather [hbm4b:s21+s28], $0x80, s4, s28, $0xb8;
	[tilespmem:$0x1F000] =	vst v63  }
0x6f: {  	_ = 	snop  }
0x70: {  	[tilespmem:s30], [sflag:$0x5] =	stream.linear.gather [hbm4b:s19+s4], $0xA00, $0x38;
	[tilespmem:$0x1F000] =	vst v63  }
0x71: {  	_ =	swait.ge [sflag:s26], $0xA00  }
0x72: {  	[sflag:s26] =	ssyncset.done $0x0  }
0x73: {  	s10 =	simm.s32 $0x2400;
	[sflag:s26] =	ssyncadd.s32 $0xFFFFF600  }
0x74: {  	[tilespmem:s10], [sflag:$0x5] =	stream.linear.gather [hbm4b:s20+s4], $0xA00, $0x38;
	[tilespmem:$0x1F000] =	vst v63  }
0x75: {  	_ =	swait.ge [sflag:s26], $0xA00  }
0x76: {  	[sflag:s26] =	ssyncset.done $0x0  }
0x77: {  	[sflag:s26] =	ssyncadd.s32 $0xFFFFF600  }
0x78: {  	[tilespmem:s31], [sflag:$0x2] =	stream.indirect.gather [hbm4b:s21+s28], $0x80, s30, s28, $0xb8;
	[tilespmem:$0x1F000] =	vst v63  }
0x79: {  	_ =	swait.ge [sflag:s0], $0x4000  }
0x7a: {  	[sflag:s0] =	ssyncset.done $0x0  }
0x7b: {  	[sflag:s0] =	ssyncadd.s32 $0xFFFFC000  }
0x7c: {  	[spmem:s2] =	stream.indirect.scatter.add.f32 [tilespmem:s29], [sflag:$0x3], $0x80, s9, s28, $0xb8;
	[tilespmem:$0x1F000] =	vst v63  }
0x7d: {  	_ =	swait.ge [sflag:s3], $0x4000  }
0x7e: {  	[sflag:s3] =	ssyncset.done $0x0  }
0x7f: {  	[sflag:s3] =	ssyncadd.s32 $0xFFFFC000  }
0x80: {  	[spmem:s2] =	stream.indirect.scatter.add.f32 [tilespmem:s31], [sflag:$0x4], $0x80, s10, s28, $0xb8;
	[tilespmem:$0x1F000] =	vst v63  }
0x81: {  	_ =	swait.ge [sflag:s1], $0x4000  }
0x82: {  	s8 =	smin.u32 s8, $0x13;
	[sflag:s1] =	ssyncset.done $0x0  }
0x83: {  	s11 =	sshll.u32 s8, $0x7;
	[sflag:s1] =	ssyncadd.s32 $0xFFFFC000  }
0x84: {  	[tilespmem:s29], [sflag:$0x1] =	stream.indirect.gather [hbm4b:s21+s28], $0x80, s11, s28, $0xb8;
	[tilespmem:$0x1F000] =	vst v63  }
0x85: {  	_ =	swait.ge [sflag:s5], $0x4000  }
0x86: {  	s8 =	simm.s32 $0x2;
	s9 =	simm.s32 $0x1880;
	[sflag:s5] =	ssyncset.done $0x0  }
0x87: {  	s10 =	simm.s32 $0x2480;
	s11 =	sadd.s32 $0xC00, s11;
	[sflag:s5] =	ssyncadd.s32 $0xFFFFC000  }
.LBB2_10:
0x88: {  	[tilespmem:s31], [sflag:$0x2] =	stream.indirect.gather [hbm4b:s21+s28], $0x80, s11, s28, $0xb8;
	[tilespmem:$0x1F000] =	vst v63  }
0x89: {  	s11 =	smov.u32 s8  }
0x8a: {  	p1 =	sne.s32 s8, $0x14;
	s8 =	sadd.s32 $0x1, s8;
	_ =	swait.ge [sflag:s0], $0x4000  }
0x8b: {  	[sflag:s0] =	ssyncset.done $0x0  }
0x8c: {  	[sflag:s0] =	ssyncadd.s32 $0xFFFFC000  }
0x8d: {  	[spmem:s2] =	stream.indirect.scatter.add.f32 [tilespmem:s29], [sflag:$0x3], $0x80, s9, s28, $0xb8;
	[tilespmem:$0x1F000] =	vst v63  }
0x8e: {  	_ =	swait.ge [sflag:s3], $0x4000  }
0x8f: {  	[sflag:s3] =	ssyncset.done $0x0  }
0x90: {  	[sflag:s3] =	ssyncadd.s32 $0xFFFFC000  }
0x91: {  	[spmem:s2] =	stream.indirect.scatter.add.f32 [tilespmem:s31], [sflag:$0x4], $0x80, s10, s28, $0xb8;
	[tilespmem:$0x1F000] =	vst v63  }
0x92: {  	_ =	swait.ge [sflag:s1], $0x4000  }
0x93: {  	s11 =	smin.u32 s11, $0x13;
	[sflag:s1] =	ssyncset.done $0x0  }
.Ltmp4:
0x94: {  	s11 =	sshll.u32 s11, $0x7;
	[sflag:s1] =	ssyncadd.s32 $0xFFFFC000;
	(pc) =	sbr.rel @p1 .LBB2_10-.Ltmp4, $4  }
0x95: {  	[tilespmem:s29], [sflag:$0x1] =	stream.indirect.gather [hbm4b:s21+s28], $0x80, s11, s28, $0xb8;
	[tilespmem:$0x1F000] =	vst v63  }
0x96: {  	_ =	swait.ge [sflag:s5], $0x4000  }
0x97: {  	s9 =	sadd.s32 $0x80, s9;
	[sflag:s5] =	ssyncset.done $0x0  }
0x98: {  	s10 =	sadd.s32 $0x80, s10;
	s11 =	sadd.s32 $0xC00, s11;
	[sflag:s5] =	ssyncadd.s32 $0xFFFFC000  }
.Ltmp5:
0x99: {  	_ = 	snop;
	(pc) =	sbr.rel .LBB2_11-.Ltmp5, $1  }
0x9a: {  	_ =	sdelay $0x3  }
.LBB2_2:
0x9b: {  	s8 =	rddreg [dreg:$0x4]  }
0x9c: {  	[tilespmem:s4], [sflag:$0x5] =	stream.linear.gather [hbm4b:s8+s4], $0xA00, $0x38;
	[tilespmem:$0x1F000] =	vst v63  }
0x9d: {  	_ =	swait.ge [sflag:s26], $0xA00  }
0x9e: {  	[sflag:s26] =	ssyncset.done $0x0  }
0x9f: {  	s8 =	simm.s32 $0x1800;
	s9 =	rddreg [dreg:$0x5];
	[sflag:s26] =	ssyncadd.s32 $0xFFFFF600  }
0xa0: {  	[tilespmem:s8], [sflag:$0x5] =	stream.linear.gather [hbm4b:s9+s4], $0xA00, $0x38;
	[tilespmem:$0x1F000] =	vst v63  }
0xa1: {  	_ =	swait.ge [sflag:s26], $0xA00  }
0xa2: {  	[sflag:s26] =	ssyncset.done $0x0  }
0xa3: {  	[sflag:s26] =	ssyncadd.s32 $0xFFFFF600  }
0xa4: {  	[tilespmem:s29], [sflag:$0x1] =	stream.indirect.gather [hbm4b:s21+s28], $0x80, s4, s28, $0xb8;
	[tilespmem:$0x1F000] =	vst v63  }
0xa5: {  	s10 =	rddreg [dreg:$0x6]  }
0xa6: {  	[tilespmem:s30], [sflag:$0x5] =	stream.linear.gather [hbm4b:s10+s4], $0xA00, $0x38;
	[tilespmem:$0x1F000] =	vst v63  }
0xa7: {  	_ =	swait.ge [sflag:s26], $0xA00  }
0xa8: {  	[sflag:s26] =	ssyncset.done $0x0  }
0xa9: {  	s9 =	simm.s32 $0x2400;
	s10 =	rddreg [dreg:$0x7];
	[sflag:s26] =	ssyncadd.s32 $0xFFFFF600  }
0xaa: {  	[tilespmem:s9], [sflag:$0x5] =	stream.linear.gather [hbm4b:s10+s4], $0xA00, $0x38;
	[tilespmem:$0x1F000] =	vst v63  }
0xab: {  	_ =	swait.ge [sflag:s26], $0xA00  }
0xac: {  	[sflag:s26] =	ssyncset.done $0x0  }
0xad: {  	[sflag:s26] =	ssyncadd.s32 $0xFFFFF600  }
0xae: {  	[tilespmem:s31], [sflag:$0x2] =	stream.indirect.gather [hbm4b:s21+s28], $0x80, s30, s28, $0xb8;
	[tilespmem:$0x1F000] =	vst v63  }
0xaf: {  	_ =	swait.ge [sflag:s0], $0x4000  }
0xb0: {  	[sflag:s0] =	ssyncset.done $0x0  }
0xb1: {  	[sflag:s0] =	ssyncadd.s32 $0xFFFFC000  }
0xb2: {  	[spmem:s2] =	stream.indirect.scatter.add.f32 [tilespmem:s29], [sflag:$0x3], $0x80, s8, s28, $0xb8;
	[tilespmem:$0x1F000] =	vst v63  }
0xb3: {  	_ =	swait.ge [sflag:s3], $0x4000  }
0xb4: {  	[sflag:s3] =	ssyncset.done $0x0  }
0xb5: {  	[sflag:s3] =	ssyncadd.s32 $0xFFFFC000  }
0xb6: {  	[spmem:s2] =	stream.indirect.scatter.add.f32 [tilespmem:s31], [sflag:$0x4], $0x80, s9, s28, $0xb8;
	[tilespmem:$0x1F000] =	vst v63  }
0xb7: {  	s11 =	simm.s32 $0x1;
	_ =	swait.ge [sflag:s1], $0x4000  }
0xb8: {  	s11 =	smin.u32 s11, $0x13;
	[sflag:s1] =	ssyncset.done $0x0  }
0xb9: {  	s10 =	sshll.u32 s11, $0x7;
	[sflag:s1] =	ssyncadd.s32 $0xFFFFC000  }
0xba: {  	[tilespmem:s29], [sflag:$0x1] =	stream.indirect.gather [hbm4b:s21+s28], $0x80, s10, s28, $0xb8;
	[tilespmem:$0x1F000] =	vst v63  }
0xbb: {  	_ =	swait.ge [sflag:s5], $0x4000  }
0xbc: {  	s11 =	sadd.s32 $0xC00, s10;
	s8 =	simm.s32 $0x2;
	[sflag:s5] =	ssyncset.done $0x0  }
0xbd: {  	s9 =	simm.s32 $0x2480;
	s10 =	simm.s32 $0x1880;
	[sflag:s5] =	ssyncadd.s32 $0xFFFFC000  }
.LBB2_3:
0xbe: {  	[tilespmem:s31], [sflag:$0x2] =	stream.indirect.gather [hbm4b:s21+s28], $0x80, s11, s28, $0xb8;
	[tilespmem:$0x1F000] =	vst v63  }
0xbf: {  	s11 =	smov.u32 s8  }
0xc0: {  	p1 =	sne.s32 s8, $0x14;
	s8 =	sadd.s32 $0x1, s8;
	_ =	swait.ge [sflag:s0], $0x4000  }
0xc1: {  	[sflag:s0] =	ssyncset.done $0x0  }
0xc2: {  	[sflag:s0] =	ssyncadd.s32 $0xFFFFC000  }
0xc3: {  	[spmem:s2] =	stream.indirect.scatter.add.f32 [tilespmem:s29], [sflag:$0x3], $0x80, s10, s28, $0xb8;
	[tilespmem:$0x1F000] =	vst v63  }
0xc4: {  	_ =	swait.ge [sflag:s3], $0x4000  }
0xc5: {  	[sflag:s3] =	ssyncset.done $0x0  }
0xc6: {  	[sflag:s3] =	ssyncadd.s32 $0xFFFFC000  }
0xc7: {  	[spmem:s2] =	stream.indirect.scatter.add.f32 [tilespmem:s31], [sflag:$0x4], $0x80, s9, s28, $0xb8;
	[tilespmem:$0x1F000] =	vst v63  }
0xc8: {  	_ =	swait.ge [sflag:s1], $0x4000  }
0xc9: {  	s11 =	smin.u32 s11, $0x13;
	[sflag:s1] =	ssyncset.done $0x0  }
.Ltmp6:
0xca: {  	s11 =	sshll.u32 s11, $0x7;
	[sflag:s1] =	ssyncadd.s32 $0xFFFFC000;
	(pc) =	sbr.rel @p1 .LBB2_3-.Ltmp6, $4  }
0xcb: {  	[tilespmem:s29], [sflag:$0x1] =	stream.indirect.gather [hbm4b:s21+s28], $0x80, s11, s28, $0xb8;
	[tilespmem:$0x1F000] =	vst v63  }
0xcc: {  	_ =	swait.ge [sflag:s5], $0x4000  }
0xcd: {  	s9 =	sadd.s32 $0x80, s9;
	[sflag:s5] =	ssyncset.done $0x0  }
0xce: {  	s10 =	sadd.s32 $0x80, s10;
	s11 =	sadd.s32 $0xC00, s11;
	[sflag:s5] =	ssyncadd.s32 $0xFFFFC000  }
0xcf: {  	[tilespmem:s31], [sflag:$0x2] =	stream.indirect.gather [hbm4b:s21+s28], $0x80, s11, s28, $0xb8;
	[tilespmem:$0x1F000] =	vst v63  }
0xd0: {  	s8 =	simm.s32 $0x1  }
0xd1: {  	_ =	swait.ge [sflag:s8], $0x4000  }
0xd2: {  	[sflag:s8] =	ssyncset.done $0x0  }
0xd3: {  	[sflag:s8] =	ssyncadd.s32 $0xFFFFC000  }
0xd4: {  	_ =	swait.ge [sflag:s3], $0x4000  }
0xd5: {  	[sflag:s3] =	ssyncset.done $0x0  }
0xd6: {  	s9 =	rddreg [dreg:$0x8];
	[sflag:s3] =	ssyncadd.s32 $0xFFFFC000  }
0xd7: {  	[tilespmem:s4], [sflag:$0x5] =	stream.linear.gather [hbm4b:s9+s4], $0xA00, $0x38;
	[tilespmem:$0x1F000] =	vst v63  }
0xd8: {  	_ =	swait.ge [sflag:s26], $0xA00  }
0xd9: {  	[sflag:s26] =	ssyncset.done $0x0  }
0xda: {  	s9 =	simm.s32 $0x1800;
	s10 =	rddreg [dreg:$0x9];
	[sflag:s26] =	ssyncadd.s32 $0xFFFFF600  }
0xdb: {  	[tilespmem:s9], [sflag:$0x5] =	stream.linear.gather [hbm4b:s10+s4], $0xA00, $0x38;
	[tilespmem:$0x1F000] =	vst v63  }
0xdc: {  	_ =	swait.ge [sflag:s26], $0xA00  }
0xdd: {  	[sflag:s26] =	ssyncset.done $0x0  }
0xde: {  	[sflag:s26] =	ssyncadd.s32 $0xFFFFF600  }
0xdf: {  	[tilespmem:s29], [sflag:$0x1] =	stream.indirect.gather [hbm4b:s21+s28], $0x80, s4, s28, $0xb8;
	[tilespmem:$0x1F000] =	vst v63  }
0xe0: {  	s11 =	rddreg [dreg:$0xa]  }
0xe1: {  	[tilespmem:s30], [sflag:$0x5] =	stream.linear.gather [hbm4b:s11+s4], $0xA00, $0x38;
	[tilespmem:$0x1F000] =	vst v63  }
0xe2: {  	_ =	swait.ge [sflag:s26], $0xA00  }
0xe3: {  	[sflag:s26] =	ssyncset.done $0x0  }
0xe4: {  	s11 =	simm.s32 $0x2400;
	[sflag:s26] =	ssyncadd.s32 $0xFFFFF600  }
0xe5: {  	[tilespmem:s11], [sflag:$0x5] =	stream.linear.gather [hbm4b:s12+s4], $0xA00, $0x38;
	[tilespmem:$0x1F000] =	vst v63  }
0xe6: {  	_ =	swait.ge [sflag:s26], $0xA00  }
0xe7: {  	[sflag:s26] =	ssyncset.done $0x0  }
0xe8: {  	[sflag:s26] =	ssyncadd.s32 $0xFFFFF600  }
0xe9: {  	[tilespmem:s31], [sflag:$0x2] =	stream.indirect.gather [hbm4b:s21+s28], $0x80, s30, s28, $0xb8;
	[tilespmem:$0x1F000] =	vst v63  }
0xea: {  	_ =	swait.ge [sflag:s0], $0x4000  }
0xeb: {  	[sflag:s0] =	ssyncset.done $0x0  }
0xec: {  	[sflag:s0] =	ssyncadd.s32 $0xFFFFC000  }
0xed: {  	[spmem:s2] =	stream.indirect.scatter.add.f32 [tilespmem:s29], [sflag:$0x3], $0x80, s9, s28, $0xb8;
	[tilespmem:$0x1F000] =	vst v63  }
0xee: {  	_ =	swait.ge [sflag:s3], $0x4000  }
0xef: {  	[sflag:s3] =	ssyncset.done $0x0  }
0xf0: {  	[sflag:s3] =	ssyncadd.s32 $0xFFFFC000  }
0xf1: {  	[spmem:s2] =	stream.indirect.scatter.add.f32 [tilespmem:s31], [sflag:$0x4], $0x80, s11, s28, $0xb8;
	[tilespmem:$0x1F000] =	vst v63  }
0xf2: {  	_ =	swait.ge [sflag:s1], $0x4000  }
0xf3: {  	s8 =	smin.u32 s8, $0x13;
	[sflag:s1] =	ssyncset.done $0x0  }
0xf4: {  	s11 =	sshll.u32 s8, $0x7;
	[sflag:s1] =	ssyncadd.s32 $0xFFFFC000  }
0xf5: {  	[tilespmem:s29], [sflag:$0x1] =	stream.indirect.gather [hbm4b:s21+s28], $0x80, s11, s28, $0xb8;
	[tilespmem:$0x1F000] =	vst v63  }
0xf6: {  	_ =	swait.ge [sflag:s5], $0x4000  }
0xf7: {  	s10 =	simm.s32 $0x2480;
	s9 =	simm.s32 $0x1880;
	[sflag:s5] =	ssyncset.done $0x0  }
0xf8: {  	s8 =	simm.s32 $0x2;
	s11 =	sadd.s32 $0xC00, s11;
	[sflag:s5] =	ssyncadd.s32 $0xFFFFC000  }
.LBB2_5:
0xf9: {  	[tilespmem:s31], [sflag:$0x2] =	stream.indirect.gather [hbm4b:s21+s28], $0x80, s11, s28, $0xb8;
	[tilespmem:$0x1F000] =	vst v63  }
0xfa: {  	s11 =	smov.u32 s8  }
0xfb: {  	p1 =	seq.s32 s8, $0x14;
	s8 =	sadd.s32 $0x1, s8;
	_ =	swait.ge [sflag:s0], $0x4000  }
0xfc: {  	[sflag:s0] =	ssyncset.done $0x0  }
0xfd: {  	[sflag:s0] =	ssyncadd.s32 $0xFFFFC000  }
0xfe: {  	[spmem:s2] =	stream.indirect.scatter.add.f32 [tilespmem:s29], [sflag:$0x3], $0x80, s9, s28, $0xb8;
	[tilespmem:$0x1F000] =	vst v63  }
0xff: {  	_ =	swait.ge [sflag:s3], $0x4000  }
0x100: {  	[sflag:s3] =	ssyncset.done $0x0  }
0x101: {  	[sflag:s3] =	ssyncadd.s32 $0xFFFFC000  }
0x102: {  	[spmem:s2] =	stream.indirect.scatter.add.f32 [tilespmem:s31], [sflag:$0x4], $0x80, s10, s28, $0xb8;
	[tilespmem:$0x1F000] =	vst v63  }
0x103: {  	_ =	swait.ge [sflag:s1], $0x4000  }
0x104: {  	s11 =	smin.u32 s11, $0x13;
	[sflag:s1] =	ssyncset.done $0x0  }
.Ltmp7:
0x105: {  	s11 =	sshll.u32 s11, $0x7;
	[sflag:s1] =	ssyncadd.s32 $0xFFFFC000;
	(pc) =	sbr.rel @!p1 .LBB2_5-.Ltmp7, $4  }
0x106: {  	[tilespmem:s29], [sflag:$0x1] =	stream.indirect.gather [hbm4b:s21+s28], $0x80, s11, s28, $0xb8;
	[tilespmem:$0x1F000] =	vst v63  }
0x107: {  	_ =	swait.ge [sflag:s5], $0x4000  }
0x108: {  	s9 =	sadd.s32 $0x80, s9;
	[sflag:s5] =	ssyncset.done $0x0  }
0x109: {  	s10 =	sadd.s32 $0x80, s10;
	s11 =	sadd.s32 $0xC00, s11;
	[sflag:s5] =	ssyncadd.s32 $0xFFFFC000  }
.Ltmp8:
0x10a: {  	(pc) =	sbr.rel .LBB2_12-.Ltmp8, $2  }
0x10b: {  	_ =	sdelay $0x2  }
0x10c: {  	[tilespmem:s31], [sflag:$0x2] =	stream.indirect.gather [hbm4b:s21+s28], $0x80, s11, s28, $0xb8;
	[tilespmem:$0x1F000] =	vst v63  }
.LBB2_13:
0x10d: {  	_ =	sfence.sel $0x180000  }
0x10e: {  	[bflag:$0x0] =	sbarrier.arrive $0xFFFF  }
0x10f: {  	_ =	strace $0x9000004A  }
0x110: {  	s0 =	stileid.u32;
	[bflag:$0x2] =	sbarrier.arrive $0xFFFF  }
0x111: {  	p0 =	sne.s32 s0, $0x0;
	s0 =	rddreg [dreg:$0x3]  }
0x112: {  	s0 =	sadd.s32 @!p0 $0x100000, s0  }
0x113: {  	[sflag:s0] =	ssyncadd.tile.s32 @!p0 $0x1;
	_ =	shalt  }
.Lfunc_end2:
_tile_overlayer_lowered:
.L_overlay_start_2:
0x114: {  	(tag) =	ssettag $0x2  }
0x115: {  	s0 =	rddreg [dreg:$0x0];
	s2 =	stileid.u32  }
0x116: {  	s1 =	rddreg [dreg:$0x1];
	p0 =	sne.s32 s2, $0x0  }
0x117: {  	s3 =	rddreg [dreg:$0x2];
	[bflag:$0x3] =	sbarrier.arrive $0xFFFF;
	s2 =	simm.s32 @!p0 $0x1C05  }
0x118: {  	[timem:s3], [sflag:s2] =	dma.local @!p0 [hbm:s0], s1  }
0x119: {  	s0 =	simm.s32 @!p0 $0x5  }
0x11a: {  	_ =	swait.ge @!p0 [sflag:s0], s1  }
0x11b: {  	s1 =	ssub.s32 @!p0 $0x0, s1;
	[sflag:s0] =	ssyncset.done @!p0 $0x0  }
0x11c: {  	[sflag:s0] =	ssyncadd.s32 @!p0 s1  }
0x11d: {  	[bflag:$0x3] =	sbarrier.arrive $0xFFFF  }
0x11e: {  	_ =	shalt  }

// kernel: kernel.14.cloned.1.call-start
scs
__scs_entry_jumppad:
0x0: {  	(pc) =	sbr.rel $0x88, $3  }
0x1: {  	(tag) =	ssettag $0x0;
	lr =	simm.s32 $0x1  }
0x2: {  	[smem:$0x3F99] =	sst lr;
	_ =	strace $0xD0000000  }
0x3: {  	_ = 	snop  }
0x4: {  	_ = 	snop  }
0x5: {  	_ = 	snop  }
0x6: {  	_ = 	snop  }
0x7: {  	_ = 	snop  }
__scs_overlays_trampoline_lowered:
0x8: {  	[smem:$0x3FA8] =	sst s0  }
0x9: {  	[smem:$0x3FA9] =	sst s1  }
0xa: {  	[smem:$0x3FAA] =	sst s2  }
0xb: {  	[smem:$0x3FAB] =	sst s3  }
0xc: {  	[smem:$0x3FAC] =	sst s4  }
0xd: {  	[smem:$0x3FAD] =	sst s5  }
0xe: {  	[smem:$0x3FAE] =	sst s6  }
0xf: {  	[smem:$0x3FAF] =	sst s7  }
0x10: {  	[smem:$0x3FB0] =	sst s8  }
0x11: {  	[smem:$0x3FB1] =	sst s9;
	s0 =	simm.s32 @!p0 $0x0  }
0x12: {  	s1 =	sld [smem:$0x3F97];
	s0 =	simm.s32 @p0 $0x1  }
0x13: {  	[smem:$0x3FB2] =	sst s0;
	s0 =	simm.s32 @!p1 $0x0  }
0x14: {  	s2 =	sld [smem:$0x3F96];
	s0 =	simm.s32 @p1 $0x1  }
0x15: {  	[smem:$0x3FB3] =	sst s0;
	s0 =	simm.s32 @!p2 $0x0  }
0x16: {  	s3 =	sld [smem:$0x3FDB];
	s0 =	simm.s32 @p2 $0x1  }
0x17: {  	s4 =	simm.s32 $0x1BF5;
	[smem:$0x3FB5] =	sst s0  }
0x18: {  	s0 =	sld [smem:$0x3F98];
	_ =	swait.ge [sflag:s4], $0x0  }
0x19: {  	s7 =	sld [smem:$0x3F99]  }
0x1a: {  	s8 =	sadd.s32 $0xFFFFE003, lr  }
0x1b: {  	s9 =	sadd.s32 $0xFFFFFEF7, lr;
	s5 =	simm.s32 $0xFFFFFFFF;
	p2 =	slt.u32 s8, $0xFFFFF086  }
0x1c: {  	p1 =	slt.u32 s9, $0xF7A;
	s5 =	simm.s32 @!p2 $0x0  }
0x1d: {  	s5 =	simm.s32 @p1 $0x1;
	p0 =	seq.s32 s7, s2  }
0x1e: {  	s7 =	smul.u32 @!p0 $0xF7A, s2;
	p2 =	seq.s32 @!p0 s5, $0x0  }
0x1f: {  	s9 =	smul.u32 $0xF7A, s1;
	s8 =	simm.s32 @!p0 $0x1BF5;
	p2 =	por !p2, p0  }
0x20: {  	[sflag:s8] =	ssyncset.s32 @!p0 $0xFFFFF086;
	s6 =	sadd.s32 @!p0 s3, s7;
	s7 =	simm.s32 @!p0 $0x108  }
0x21: {  	s3 =	sadd.s32 s3, s9;
	s6 =	sadd.s32 @!p0 $0x88, s6;
	s7 =	simm.s32 @p2 $0x1082  }
0x22: {  	[simem:s7], [sflag:s8] =	dma.local @!p0 [hbm:s6], $0xF7A  }
0x23: {  	s9 =	sor.u32 $0xD0000000, s2;
	s6 =	simm.s32 $0x108;
	_ =	swait.ge @!p0 [sflag:s8], $0x0  }
0x24: {  	s3 =	sadd.s32 $0x88, s3;
	s6 =	simm.s32 @!p1 $0x1082;
	[sflag:s4] =	ssyncset.s32 $0xFFFFF086  }
0x25: {  	[simem:s6], [sflag:s4] =	dma.local [hbm:s3], $0xF7A  }
0x26: {  	[smem:$0x3F99] =	sst s1;
	(tag) =	ssettag s2;
	_ =	strace s9  }
0x27: {  	s1 =	sld [smem:$0x3FA9]  }
0x28: {  	s2 =	sld [smem:$0x3FAA]  }
0x29: {  	s4 =	sld [smem:$0x3FAC]  }
0x2a: {  	p0 =	seq.s32 s5, $0x0;
	s5 =	sld [smem:$0x3FAD]  }
0x2b: {  	s6 =	sld [smem:$0x3FAE]  }
0x2c: {  	s7 =	sld [smem:$0x3FAF]  }
0x2d: {  	s3 =	simm.s32 $0x108;
	s8 =	sld [smem:$0x3FB0]  }
0x2e: {  	s3 =	simm.s32 @!p0 $0x1082;
	s9 =	sld [smem:$0x3FB1]  }
0x2f: {  	lr =	sadd.s32 s0, s3;
	s0 =	sld [smem:$0x3FA8]  }
0x30: {  	s3 =	sld [smem:$0x3FAB]  }
0x31: {  	[smem:$0x3FB4] =	sst s10  }
0x32: {  	s10 =	sld [smem:$0x3FB2];
	_ =	sdelay $0x3  }
0x33: {  	p0 =	seq.s32 s10, $0x1;
	s10 =	sld [smem:$0x3FB4];
	_ =	sdelay $0x3  }
0x34: {  	[smem:$0x3FB4] =	sst s10  }
0x35: {  	s10 =	sld [smem:$0x3FB3];
	_ =	sdelay $0x3  }
0x36: {  	p1 =	seq.s32 s10, $0x1;
	s10 =	sld [smem:$0x3FB4];
	_ =	sdelay $0x3  }
0x37: {  	[smem:$0x3FB4] =	sst s10  }
0x38: {  	s10 =	sld [smem:$0x3FB5]  }
0x39: {  	_ = 	snop;
	(pc) =	sbr.ind lr, $3  }
0x3a: {  	_ = 	snop  }
0x3b: {  	_ = 	snop  }
0x3c: {  	p2 =	seq.s32 s10, $0x1;
	s10 =	sld [smem:$0x3FB4]  }
0x3d: {  	_ =	shalt  }
0x3e: {  	_ =	shalt  }
0x3f: {  	_ =	shalt  }
0x40: {  	_ =	shalt  }
0x41: {  	_ =	shalt  }
0x42: {  	_ =	shalt  }
0x43: {  	_ =	shalt  }
0x44: {  	_ =	shalt  }
0x45: {  	_ =	shalt  }
0x46: {  	_ =	shalt  }
0x47: {  	_ =	shalt  }
0x48: {  	_ =	shalt  }
0x49: {  	_ =	shalt  }
0x4a: {  	_ =	shalt  }
0x4b: {  	_ =	shalt  }
0x4c: {  	_ =	shalt  }
0x4d: {  	_ =	shalt  }
0x4e: {  	_ =	shalt  }
0x4f: {  	_ =	shalt  }
0x50: {  	_ =	shalt  }
0x51: {  	_ =	shalt  }
0x52: {  	_ =	shalt  }
0x53: {  	_ =	shalt  }
0x54: {  	_ =	shalt  }
0x55: {  	_ =	shalt  }
0x56: {  	_ =	shalt  }
0x57: {  	_ =	shalt  }
0x58: {  	_ =	shalt  }
0x59: {  	_ =	shalt  }
0x5a: {  	_ =	shalt  }
0x5b: {  	_ =	shalt  }
0x5c: {  	_ =	shalt  }
0x5d: {  	_ =	shalt  }
0x5e: {  	_ =	shalt  }
0x5f: {  	_ =	shalt  }
0x60: {  	_ =	shalt  }
0x61: {  	_ =	shalt  }
0x62: {  	_ =	shalt  }
0x63: {  	_ =	shalt  }
0x64: {  	_ =	shalt  }
0x65: {  	_ =	shalt  }
0x66: {  	_ =	shalt  }
0x67: {  	_ =	shalt  }
0x68: {  	_ =	shalt  }
0x69: {  	_ =	shalt  }
0x6a: {  	_ =	shalt  }
0x6b: {  	_ =	shalt  }
0x6c: {  	_ =	shalt  }
0x6d: {  	_ =	shalt  }
0x6e: {  	_ =	shalt  }
0x6f: {  	_ =	shalt  }
0x70: {  	_ =	shalt  }
0x71: {  	_ =	shalt  }
0x72: {  	_ =	shalt  }
0x73: {  	_ =	shalt  }
0x74: {  	_ =	shalt  }
0x75: {  	_ =	shalt  }
0x76: {  	_ =	shalt  }
0x77: {  	_ =	shalt  }
0x78: {  	_ =	shalt  }
0x79: {  	_ =	shalt  }
0x7a: {  	_ =	shalt  }
0x7b: {  	_ =	shalt  }
0x7c: {  	_ =	shalt  }
0x7d: {  	_ =	shalt  }
0x7e: {  	_ =	shalt  }
0x7f: {  	_ =	shalt  }
0x80: {  	_ =	shalt  }
0x81: {  	_ =	shalt  }
0x82: {  	_ =	shalt  }
0x83: {  	_ =	shalt  }
0x84: {  	_ =	shalt  }
0x85: {  	_ =	shalt  }
0x86: {  	_ =	shalt  }
0x87: {  	_ =	shalt  }
.Lfunc_end0:
.L_simem_size_0:
called_computation.2_lowered:
.L_overlay_start_0:
0x88: {  	s2 =	sld [smem:$0x3FD9]  }
0x89: {  	s3 =	sld [smem:$0x3FFE];
	_ =	sdelay $0x1  }
0x8a: {  	s1 =	srdreg.scid  }
0x8b: {  	s0 =	sand.u32 $0x1, s1  }
0x8c: {  	s17 =	sshll.u32 s0, $0xA;
	s2 =	sadd.s32 s3, s2  }
0x8d: {  	s2 =	sadd.s32 s2, s17  }
0x8e: {  	[smem:$0x3FC0] =	sst s2  }
0x8f: {  	_ = 	snop  }
0x90: {  	s2 =	sld [smem:$0x3FD0];
	(tm) =	ssettm $0x1  }
0x91: {  	s18 =	sld [smem:$0x3FFB];
	_ =	sdelay $0x3  }
0x92: {  	_ =	strace s18  }
0x93: {  	s3 =	sld [smem:$0x3FFC];
	_ =	sdelay $0x3  }
0x94: {  	_ =	strace s3  }
0x95: {  	s3 =	sld [smem:$0x3FFD];
	_ =	sdelay $0x3  }
0x96: {  	_ =	strace s3  }
0x97: {  	_ =	strace $0x8FFFFFFF  }
0x98: {  	s19 =	sld [smem:$0x3FDB];
	_ =	sdelay $0x1  }
0x99: {  	s4 =	simm.s32 $_scs_section_size  }
0x9a: {  	s5 =	simm.s32 $_size__tile_overlayer_lowered;
	s6 =	simm.s32 $_tile_overlayer_lowered  }
0x9b: {  	s22 =	simm.s32 $0x1BFF;
	s21 =	sshll.u32 s6, $0x1;
	s3 =	sadd.s32 s4, s19  }
0x9c: {  	s7 =	simm.s32 $0x0;
	s20 =	sshll.u32 s5, $0x1;
	s5 =	sadd.s32 s21, s3  }
0x9d: {  	[timem:s7], [sflag:s22] =	dma.local [hbm:s5], s20  }
0x9e: {  	_ =	swait.ge [sflag:s22], s20  }
0x9f: {  	s4 =	ssub.s32 $0x0, s20;
	[sflag:s22] =	ssyncset.done $0x0  }
0xa0: {  	[sflag:s22] =	ssyncadd.s32 s4;
	_ =	sdelay $0x1  }
0xa1: {  	s23 =	simm.s32 $0x1B8B  }
0xa2: {  	_ =	swait.ge [sflag:s23], $0x1  }
0xa3: {  	[sflag:s23] =	ssyncset.done $0x0  }
0xa4: {  	s25 =	simm.s32 $0x1B8E;
	s24 =	sld [smem:$0x3FFE];
	[sflag:s23] =	ssyncadd.s32 $0xFFFFFFFF  }
0xa5: {  	s26 =	simm.s32 $execute0_lowered;
	[smem:$0x3FD2] =	sst s25  }
0xa6: {  	s5 =	sshll.u32 s26, $0x1;
	_ =	strace $0x8000004C;
	[dreg:$0x1] =	wrdreg $0xFFFFFFFF  }
0xa7: {  	s28 =	simm.s32 $_size_execute0_lowered;
	s3 =	sadd.s32 s3, s5;
	[dreg:$0x0] =	wrdreg $0x0  }
0xa8: {  	s5 =	sshll.u32 s28, $0x1;
	[dreg:$0x2] =	wrdreg s3  }
0xa9: {  	[dreg:$0x3] =	wrdreg s5  }
0xaa: {  	[dreg:$0x4] =	wrdreg $0xC0  }
0xab: {  	_ =	task [dreg:s7], $0x5FFFF  }
0xac: {  	[dreg:$0x1] =	wrdreg $0xFFFFFFFF  }
0xad: {  	[dreg:$0x0] =	wrdreg $0x60  }
0xae: {  	[dreg:$0x2] =	wrdreg s24  }
0xaf: {  	[dreg:$0x3] =	wrdreg s2  }
0xb0: {  	[dreg:$0x4] =	wrdreg $0xB0000  }
0xb1: {  	[dreg:$0x5] =	wrdreg $0x9  }
0xb2: {  	_ =	task.clear_ibuf [dreg:s7], $0x6FFFF;
	_ =	strace $0x9000004C  }
0xb3: {  	s29 =	simm.s32 $0x9;
	_ =	strace $0x8000004E  }
0xb4: {  	_ =	swait.ge [sflag:s29], $0x1  }
0xb5: {  	[sflag:s29] =	ssyncadd.s32 $0xFFFFFFFF  }
0xb6: {  	_ =	strace $0x9000004E  }
0xb7: {  	_ =	sfence  }
0xb8: {  	s30 =	sld [smem:$0x0];
	_ =	sdelay $0x2  }
0xb9: {  	s31 =	sshll.u32 s1, $0xD;
	s1 =	sshrl.u32 s1, $0x2  }
0xba: {  	s3 =	sand.u32 $0x4000, s31;
	s1 =	sadd.s32 s1, s30  }
0xbb: {  	s0 =	sor.u32 s3, s0;
	s1 =	sshll.u32 s1, $0x11  }
0xbc: {  	s0 =	sor.u32 s1, s0  }
0xbd: {  	s0 =	sadd.s32 $0x8F2B, s0  }
0xbe: {  	[sflag:s0] =	ssyncadd.remote.s32 $0x1  }
0xbf: {  	_ =	sfence.sel $0xFFFF  }
0xc0: {  	[dreg:$0x0] =	wrdreg $0xFFFFFFFF;
	(pc) =	sbr.abs _section_cstart, $3  }
0xc1: {  	[dreg:$0x1] =	wrdreg $0xFFFFFFFF  }
0xc2: {  	_ =	task.clear_ibuf [dreg:s7], $0x2FFFF;
	_ =	strace $0x9FFFFFFF  }
0xc3: {  	(tm) =	ssettm $0x7FFFFFFF  }
tec
execute0_lowered:
.L_overlay_start_1:
0x0: {  	(tag) =	ssettag $0x1  }
0x1: {  	s0 =	rddreg [dreg:$0x0]  }
0x2: {  	s2 =	rddreg [dreg:$0x2]  }
0x3: {  	s1 =	srdreg.scid;
	s4 =	simm.s32 $0x0;
	s21 =	stileid.u32  }
0x4: {  	s28 =	simm.s32 $0x80;
	s29 =	simm.s32 $0x3000;
	s30 =	simm.s32 $0xC00  }
0x5: {  	s31 =	simm.s32 $0x7000;
	s1 =	sand.u32 $0x1, s1;
	s5 =	smul.u32 $0x14000, s21  }
0x6: {  	[smem:$0x7FF] =	sst s4;
	s6 =	sadd.s32 $0x20000, s0;
	s17 =	smul.u32 $0x50000, s21  }
0x7: {  	s7 =	sadd.s32 $0x1A000, s0;
	s8 =	sadd.s32 $0x14000, s0;
	s10 =	smul.u32 $0x3000, s21  }
0x8: {  	s11 =	sadd.s32 $0xE000, s0;
	s26 =	sshll.u32 s21, $0x6;
	s21 =	sadd.s32 $0x26000, s0  }
0x9: {  	s3 =	smul.u32 $0x140000, s1;
	_ =	strace $0x8000004D;
	s9 =	ssub.s32 $0x2, s1  }
0xa: {  	p0 =	seq.s32 s1, $0x1;
	s1 =	simm.s32 $0x3;
	s12 =	sshrl.u32 s9, $0x1  }
0xb: {  	s10 =	sshrl.u32 s10, $0x3;
	s3 =	sadd.s32 s5, s3;
	s9 =	ssub.s32 s9, s12  }
0xc: {  	s5 =	sshrl.u32 s17, $0x2;
	s18 =	sadd.s32 s6, s10;
	s19 =	sadd.s32 $0x300, s10  }
0xd: {  	s20 =	sadd.s32 s7, s10;
	s13 =	sadd.s32 s8, s10;
	[dreg:$0x4] =	wrdreg s18  }
0xe: {  	s14 =	sadd.s32 s11, s10;
	s3 =	sshrl.u32 s3, $0x3;
	[dreg:$0x5] =	wrdreg s20  }
0xf: {  	s22 =	sadd.s32 s6, s19;
	s18 =	sor.u32 $0x180, s10;
	s23 =	sadd.s32 s7, s19  }
0x10: {  	s20 =	sadd.s32 $0x480, s10;
	s15 =	sadd.s32 s8, s19;
	[dreg:$0x6] =	wrdreg s22  }
0x11: {  	s16 =	sadd.s32 s11, s19;
	s3 =	sadd.s32 s3, s0;
	[dreg:$0x7] =	wrdreg s23  }
0x12: {  	s24 =	sadd.s32 s6, s18;
	s25 =	sadd.s32 s7, s18;
	s6 =	sadd.s32 s6, s20  }
0x13: {  	s12 =	sadd.s32 s7, s20;
	s17 =	sadd.s32 s8, s18;
	s18 =	sadd.s32 s11, s18  }
.Ltmp0:
0x14: {  	s19 =	sadd.s32 s8, s20;
	s20 =	sadd.s32 s11, s20;
	(pc) =	sbr.rel .LBB2_1-.Ltmp0, $4  }
0x15: {  	s22 =	sadd.s32 s5, s2;
	s23 =	sor.u32 $0x1C05, s26;
	[dreg:$0x8] =	wrdreg s24  }
0x16: {  	s26 =	simm.s32 $0x5;
	s0 =	simm.s32 $0x1;
	[dreg:$0x9] =	wrdreg s25  }
0x17: {  	s5 =	simm.s32 $0x4;
	[dreg:$0xa] =	wrdreg s6;
	s24 =	sadd.s32 $0x76000, s3  }
0x18: {  	s25 =	smax.u32 s9, $0x1;
	s3 =	simm.s32 $0x2;
	s6 =	simm.s32 $0x0  }
.LBB2_11:
0x19: {  	[tilespmem:s31], [sflag:$0x2] =	stream.indirect.gather [hbm4b:s21+s28], $0x80, s11, s28, $0xb8;
	[tilespmem:$0x1F000] =	vst v63  }
.LBB2_12:
0x1a: {  	_ =	swait.ge [sflag:s0], $0x4000  }
0x1b: {  	[sflag:s0] =	ssyncset.done $0x0  }
0x1c: {  	[sflag:s0] =	ssyncadd.s32 $0xFFFFC000  }
0x1d: {  	_ =	swait.ge [sflag:s3], $0x4000  }
0x1e: {  	s6 =	sadd.s32 $0x1, s6;
	[sflag:s3] =	ssyncset.done $0x0  }
0x1f: {  	p1 =	sne.s32 s6, s25;
	[sflag:s3] =	ssyncadd.s32 $0xFFFFC000  }
.Ltmp1:
0x20: {  	[bflag:$0x0] =	sbarrier.arrive $0xFFFF;
	(pc) =	sbr.rel @!p1 .LBB2_13-.Ltmp1, $4  }
0x21: {  	[hbm:s24], [sflag:s23] =	dma.local [spmem:s7], $0x2800  }
0x22: {  	_ =	swait.ge [sflag:s26], $0x2800  }
0x23: {  	[sflag:s26] =	ssyncset.done $0x0  }
0x24: {  	[sflag:s26] =	ssyncadd.s32 $0xFFFFD800  }
.LBB2_1:
0x25: {  	s7 =	sshrl.u32 s22, $0x3;
	s8 =	rddreg [dreg:$0x1]  }
0x26: {  	[spmem:s7], [sflag:s23] =	dma.local [hbm:s8], $0x2800  }
.Ltmp2:
0x27: {  	_ =	swait.ge [sflag:s26], $0x2800;
	(pc) =	sbr.rel @!p0 .LBB2_2-.Ltmp2, $3  }
0x28: {  	[sflag:s26] =	ssyncset.done $0x0  }
0x29: {  	[sflag:s26] =	ssyncadd.s32 $0xFFFFD800  }
0x2a: {  	[bflag:$0x0] =	sbarrier.arrive $0xFFFF;
	_ =	sdelay $0x1  }
0x2b: {  	[tilespmem:s4], [sflag:$0x5] =	stream.linear.gather [hbm4b:s13+s4], $0xA00, $0x38;
	[tilespmem:$0x1F000] =	vst v63  }
0x2c: {  	_ =	swait.ge [sflag:s26], $0xA00  }
0x2d: {  	[sflag:s26] =	ssyncset.done $0x0  }
0x2e: {  	s8 =	simm.s32 $0x1800;
	[sflag:s26] =	ssyncadd.s32 $0xFFFFF600  }
0x2f: {  	[tilespmem:s8], [sflag:$0x5] =	stream.linear.gather [hbm4b:s14+s4], $0xA00, $0x38;
	[tilespmem:$0x1F000] =	vst v63  }
0x30: {  	_ =	swait.ge [sflag:s26], $0xA00  }
0x31: {  	[sflag:s26] =	ssyncset.done $0x0  }
0x32: {  	[sflag:s26] =	ssyncadd.s32 $0xFFFFF600  }
0x33: {  	[tilespmem:s29], [sflag:$0x1] =	stream.indirect.gather [hbm4b:s21+s28], $0x80, s4, s28, $0xb8;
	[tilespmem:$0x1F000] =	vst v63  }
0x34: {  	_ = 	snop  }
0x35: {  	[tilespmem:s30], [sflag:$0x5] =	stream.linear.gather [hbm4b:s15+s4], $0xA00, $0x38;
	[tilespmem:$0x1F000] =	vst v63  }
0x36: {  	_ =	swait.ge [sflag:s26], $0xA00  }
0x37: {  	[sflag:s26] =	ssyncset.done $0x0  }
0x38: {  	s9 =	simm.s32 $0x2400;
	[sflag:s26] =	ssyncadd.s32 $0xFFFFF600  }
0x39: {  	[tilespmem:s9], [sflag:$0x5] =	stream.linear.gather [hbm4b:s16+s4], $0xA00, $0x38;
	[tilespmem:$0x1F000] =	vst v63  }
0x3a: {  	_ =	swait.ge [sflag:s26], $0xA00  }
0x3b: {  	[sflag:s26] =	ssyncset.done $0x0  }
0x3c: {  	[sflag:s26] =	ssyncadd.s32 $0xFFFFF600  }
0x3d: {  	[tilespmem:s31], [sflag:$0x2] =	stream.indirect.gather [hbm4b:s21+s28], $0x80, s30, s28, $0xb8;
	[tilespmem:$0x1F000] =	vst v63  }
0x3e: {  	_ =	swait.ge [sflag:s0], $0x4000  }
0x3f: {  	[sflag:s0] =	ssyncset.done $0x0  }
0x40: {  	[sflag:s0] =	ssyncadd.s32 $0xFFFFC000  }
0x41: {  	[spmem:s2] =	stream.indirect.scatter.add.f32 [tilespmem:s29], [sflag:$0x3], $0x80, s8, s28, $0xb8;
	[tilespmem:$0x1F000] =	vst v63  }
0x42: {  	_ =	swait.ge [sflag:s3], $0x4000  }
0x43: {  	[sflag:s3] =	ssyncset.done $0x0  }
0x44: {  	[sflag:s3] =	ssyncadd.s32 $0xFFFFC000  }
0x45: {  	[spmem:s2] =	stream.indirect.scatter.add.f32 [tilespmem:s31], [sflag:$0x4], $0x80, s9, s28, $0xb8;
	[tilespmem:$0x1F000] =	vst v63  }
0x46: {  	s10 =	simm.s32 $0x1;
	_ =	swait.ge [sflag:s1], $0x4000  }
0x47: {  	s11 =	smin.u32 s10, $0x13;
	[sflag:s1] =	ssyncset.done $0x0  }
0x48: {  	s10 =	sshll.u32 s11, $0x7;
	[sflag:s1] =	ssyncadd.s32 $0xFFFFC000  }
0x49: {  	[tilespmem:s29], [sflag:$0x1] =	stream.indirect.gather [hbm4b:s21+s28], $0x80, s10, s28, $0xb8;
	[tilespmem:$0x1F000] =	vst v63  }
0x4a: {  	_ =	swait.ge [sflag:s5], $0x4000  }
0x4b: {  	s11 =	sadd.s32 $0xC00, s10;
	s8 =	simm.s32 $0x2;
	[sflag:s5] =	ssyncset.done $0x0  }
0x4c: {  	s9 =	simm.s32 $0x2480;
	s10 =	simm.s32 $0x1880;
	[sflag:s5] =	ssyncadd.s32 $0xFFFFC000  }
.LBB2_8:
0x4d: {  	[tilespmem:s31], [sflag:$0x2] =	stream.indirect.gather [hbm4b:s21+s28], $0x80, s11, s28, $0xb8;
	[tilespmem:$0x1F000] =	vst v63  }
0x4e: {  	s11 =	smov.u32 s8  }
0x4f: {  	p1 =	sne.s32 s8, $0x14;
	s8 =	sadd.s32 $0x1, s8;
	_ =	swait.ge [sflag:s0], $0x4000  }
0x50: {  	[sflag:s0] =	ssyncset.done $0x0  }
0x51: {  	[sflag:s0] =	ssyncadd.s32 $0xFFFFC000  }
0x52: {  	[spmem:s2] =	stream.indirect.scatter.add.f32 [tilespmem:s29], [sflag:$0x3], $0x80, s10, s28, $0xb8;
	[tilespmem:$0x1F000] =	vst v63  }
0x53: {  	_ =	swait.ge [sflag:s3], $0x4000  }
0x54: {  	[sflag:s3] =	ssyncset.done $0x0  }
0x55: {  	[sflag:s3] =	ssyncadd.s32 $0xFFFFC000  }
0x56: {  	[spmem:s2] =	stream.indirect.scatter.add.f32 [tilespmem:s31], [sflag:$0x4], $0x80, s9, s28, $0xb8;
	[tilespmem:$0x1F000] =	vst v63  }
0x57: {  	_ =	swait.ge [sflag:s1], $0x4000  }
0x58: {  	s11 =	smin.u32 s11, $0x13;
	[sflag:s1] =	ssyncset.done $0x0  }
.Ltmp3:
0x59: {  	s11 =	sshll.u32 s11, $0x7;
	[sflag:s1] =	ssyncadd.s32 $0xFFFFC000;
	(pc) =	sbr.rel @p1 .LBB2_8-.Ltmp3, $4  }
0x5a: {  	[tilespmem:s29], [sflag:$0x1] =	stream.indirect.gather [hbm4b:s21+s28], $0x80, s11, s28, $0xb8;
	[tilespmem:$0x1F000] =	vst v63  }
0x5b: {  	_ =	swait.ge [sflag:s5], $0x4000  }
0x5c: {  	s9 =	sadd.s32 $0x80, s9;
	[sflag:s5] =	ssyncset.done $0x0  }
0x5d: {  	s10 =	sadd.s32 $0x80, s10;
	s11 =	sadd.s32 $0xC00, s11;
	[sflag:s5] =	ssyncadd.s32 $0xFFFFC000  }
0x5e: {  	[tilespmem:s31], [sflag:$0x2] =	stream.indirect.gather [hbm4b:s21+s28], $0x80, s11, s28, $0xb8;
	[tilespmem:$0x1F000] =	vst v63  }
0x5f: {  	s8 =	simm.s32 $0x1  }
0x60: {  	_ =	swait.ge [sflag:s8], $0x4000  }
0x61: {  	[sflag:s8] =	ssyncset.done $0x0  }
0x62: {  	[sflag:s8] =	ssyncadd.s32 $0xFFFFC000  }
0x63: {  	_ =	swait.ge [sflag:s3], $0x4000  }
0x64: {  	[sflag:s3] =	ssyncset.done $0x0  }
0x65: {  	[sflag:s3] =	ssyncadd.s32 $0xFFFFC000  }
0x66: {  	[tilespmem:s4], [sflag:$0x5] =	stream.linear.gather [hbm4b:s17+s4], $0xA00, $0x38;
	[tilespmem:$0x1F000] =	vst v63  }
0x67: {  	_ =	swait.ge [sflag:s26], $0xA00  }
0x68: {  	[sflag:s26] =	ssyncset.done $0x0  }
0x69: {  	s9 =	simm.s32 $0x1800;
	[sflag:s26] =	ssyncadd.s32 $0xFFFFF600  }
0x6a: {  	[tilespmem:s9], [sflag:$0x5] =	stream.linear.gather [hbm4b:s18+s4], $0xA00, $0x38;
	[tilespmem:$0x1F000] =	vst v63  }
0x6b: {  	_ =	swait.ge [sflag:s26], $0xA00  }
0x6c: {  	[sflag:s26] =	ssyncset.done $0x0  }
0x6d: {  	[sflag:s26] =	ssyncadd.s32 $0xFFFFF600  }
0x6e: {  	[tilespmem:s29], [sflag:$0x1] =	stream.indirect.gather [hbm4b:s21+s28], $0x80, s4, s28, $0xb8;
	[tilespmem:$0x1F000] =	vst v63  }
0x6f: {  	_ = 	snop  }
0x70: {  	[tilespmem:s30], [sflag:$0x5] =	stream.linear.gather [hbm4b:s19+s4], $0xA00, $0x38;
	[tilespmem:$0x1F000] =	vst v63  }
0x71: {  	_ =	swait.ge [sflag:s26], $0xA00  }
0x72: {  	[sflag:s26] =	ssyncset.done $0x0  }
0x73: {  	s10 =	simm.s32 $0x2400;
	[sflag:s26] =	ssyncadd.s32 $0xFFFFF600  }
0x74: {  	[tilespmem:s10], [sflag:$0x5] =	stream.linear.gather [hbm4b:s20+s4], $0xA00, $0x38;
	[tilespmem:$0x1F000] =	vst v63  }
0x75: {  	_ =	swait.ge [sflag:s26], $0xA00  }
0x76: {  	[sflag:s26] =	ssyncset.done $0x0  }
0x77: {  	[sflag:s26] =	ssyncadd.s32 $0xFFFFF600  }
0x78: {  	[tilespmem:s31], [sflag:$0x2] =	stream.indirect.gather [hbm4b:s21+s28], $0x80, s30, s28, $0xb8;
	[tilespmem:$0x1F000] =	vst v63  }
0x79: {  	_ =	swait.ge [sflag:s0], $0x4000  }
0x7a: {  	[sflag:s0] =	ssyncset.done $0x0  }
0x7b: {  	[sflag:s0] =	ssyncadd.s32 $0xFFFFC000  }
0x7c: {  	[spmem:s2] =	stream.indirect.scatter.add.f32 [tilespmem:s29], [sflag:$0x3], $0x80, s9, s28, $0xb8;
	[tilespmem:$0x1F000] =	vst v63  }
0x7d: {  	_ =	swait.ge [sflag:s3], $0x4000  }
0x7e: {  	[sflag:s3] =	ssyncset.done $0x0  }
0x7f: {  	[sflag:s3] =	ssyncadd.s32 $0xFFFFC000  }
0x80: {  	[spmem:s2] =	stream.indirect.scatter.add.f32 [tilespmem:s31], [sflag:$0x4], $0x80, s10, s28, $0xb8;
	[tilespmem:$0x1F000] =	vst v63  }
0x81: {  	_ =	swait.ge [sflag:s1], $0x4000  }
0x82: {  	s8 =	smin.u32 s8, $0x13;
	[sflag:s1] =	ssyncset.done $0x0  }
0x83: {  	s11 =	sshll.u32 s8, $0x7;
	[sflag:s1] =	ssyncadd.s32 $0xFFFFC000  }
0x84: {  	[tilespmem:s29], [sflag:$0x1] =	stream.indirect.gather [hbm4b:s21+s28], $0x80, s11, s28, $0xb8;
	[tilespmem:$0x1F000] =	vst v63  }
0x85: {  	_ =	swait.ge [sflag:s5], $0x4000  }
0x86: {  	s8 =	simm.s32 $0x2;
	s9 =	simm.s32 $0x1880;
	[sflag:s5] =	ssyncset.done $0x0  }
0x87: {  	s10 =	simm.s32 $0x2480;
	s11 =	sadd.s32 $0xC00, s11;
	[sflag:s5] =	ssyncadd.s32 $0xFFFFC000  }
.LBB2_10:
0x88: {  	[tilespmem:s31], [sflag:$0x2] =	stream.indirect.gather [hbm4b:s21+s28], $0x80, s11, s28, $0xb8;
	[tilespmem:$0x1F000] =	vst v63  }
0x89: {  	s11 =	smov.u32 s8  }
0x8a: {  	p1 =	sne.s32 s8, $0x14;
	s8 =	sadd.s32 $0x1, s8;
	_ =	swait.ge [sflag:s0], $0x4000  }
0x8b: {  	[sflag:s0] =	ssyncset.done $0x0  }
0x8c: {  	[sflag:s0] =	ssyncadd.s32 $0xFFFFC000  }
0x8d: {  	[spmem:s2] =	stream.indirect.scatter.add.f32 [tilespmem:s29], [sflag:$0x3], $0x80, s9, s28, $0xb8;
	[tilespmem:$0x1F000] =	vst v63  }
0x8e: {  	_ =	swait.ge [sflag:s3], $0x4000  }
0x8f: {  	[sflag:s3] =	ssyncset.done $0x0  }
0x90: {  	[sflag:s3] =	ssyncadd.s32 $0xFFFFC000  }
0x91: {  	[spmem:s2] =	stream.indirect.scatter.add.f32 [tilespmem:s31], [sflag:$0x4], $0x80, s10, s28, $0xb8;
	[tilespmem:$0x1F000] =	vst v63  }
0x92: {  	_ =	swait.ge [sflag:s1], $0x4000  }
0x93: {  	s11 =	smin.u32 s11, $0x13;
	[sflag:s1] =	ssyncset.done $0x0  }
.Ltmp4:
0x94: {  	s11 =	sshll.u32 s11, $0x7;
	[sflag:s1] =	ssyncadd.s32 $0xFFFFC000;
	(pc) =	sbr.rel @p1 .LBB2_10-.Ltmp4, $4  }
0x95: {  	[tilespmem:s29], [sflag:$0x1] =	stream.indirect.gather [hbm4b:s21+s28], $0x80, s11, s28, $0xb8;
	[tilespmem:$0x1F000] =	vst v63  }
0x96: {  	_ =	swait.ge [sflag:s5], $0x4000  }
0x97: {  	s9 =	sadd.s32 $0x80, s9;
	[sflag:s5] =	ssyncset.done $0x0  }
0x98: {  	s10 =	sadd.s32 $0x80, s10;
	s11 =	sadd.s32 $0xC00, s11;
	[sflag:s5] =	ssyncadd.s32 $0xFFFFC000  }
.Ltmp5:
0x99: {  	_ = 	snop;
	(pc) =	sbr.rel .LBB2_11-.Ltmp5, $1  }
0x9a: {  	_ =	sdelay $0x3  }
.LBB2_2:
0x9b: {  	s8 =	rddreg [dreg:$0x4]  }
0x9c: {  	[tilespmem:s4], [sflag:$0x5] =	stream.linear.gather [hbm4b:s8+s4], $0xA00, $0x38;
	[tilespmem:$0x1F000] =	vst v63  }
0x9d: {  	_ =	swait.ge [sflag:s26], $0xA00  }
0x9e: {  	[sflag:s26] =	ssyncset.done $0x0  }
0x9f: {  	s8 =	simm.s32 $0x1800;
	s9 =	rddreg [dreg:$0x5];
	[sflag:s26] =	ssyncadd.s32 $0xFFFFF600  }
0xa0: {  	[tilespmem:s8], [sflag:$0x5] =	stream.linear.gather [hbm4b:s9+s4], $0xA00, $0x38;
	[tilespmem:$0x1F000] =	vst v63  }
0xa1: {  	_ =	swait.ge [sflag:s26], $0xA00  }
0xa2: {  	[sflag:s26] =	ssyncset.done $0x0  }
0xa3: {  	[sflag:s26] =	ssyncadd.s32 $0xFFFFF600  }
0xa4: {  	[tilespmem:s29], [sflag:$0x1] =	stream.indirect.gather [hbm4b:s21+s28], $0x80, s4, s28, $0xb8;
	[tilespmem:$0x1F000] =	vst v63  }
0xa5: {  	s10 =	rddreg [dreg:$0x6]  }
0xa6: {  	[tilespmem:s30], [sflag:$0x5] =	stream.linear.gather [hbm4b:s10+s4], $0xA00, $0x38;
	[tilespmem:$0x1F000] =	vst v63  }
0xa7: {  	_ =	swait.ge [sflag:s26], $0xA00  }
0xa8: {  	[sflag:s26] =	ssyncset.done $0x0  }
0xa9: {  	s9 =	simm.s32 $0x2400;
	s10 =	rddreg [dreg:$0x7];
	[sflag:s26] =	ssyncadd.s32 $0xFFFFF600  }
0xaa: {  	[tilespmem:s9], [sflag:$0x5] =	stream.linear.gather [hbm4b:s10+s4], $0xA00, $0x38;
	[tilespmem:$0x1F000] =	vst v63  }
0xab: {  	_ =	swait.ge [sflag:s26], $0xA00  }
0xac: {  	[sflag:s26] =	ssyncset.done $0x0  }
0xad: {  	[sflag:s26] =	ssyncadd.s32 $0xFFFFF600  }
0xae: {  	[tilespmem:s31], [sflag:$0x2] =	stream.indirect.gather [hbm4b:s21+s28], $0x80, s30, s28, $0xb8;
	[tilespmem:$0x1F000] =	vst v63  }
0xaf: {  	_ =	swait.ge [sflag:s0], $0x4000  }
0xb0: {  	[sflag:s0] =	ssyncset.done $0x0  }
0xb1: {  	[sflag:s0] =	ssyncadd.s32 $0xFFFFC000  }
0xb2: {  	[spmem:s2] =	stream.indirect.scatter.add.f32 [tilespmem:s29], [sflag:$0x3], $0x80, s8, s28, $0xb8;
	[tilespmem:$0x1F000] =	vst v63  }
0xb3: {  	_ =	swait.ge [sflag:s3], $0x4000  }
0xb4: {  	[sflag:s3] =	ssyncset.done $0x0  }
0xb5: {  	[sflag:s3] =	ssyncadd.s32 $0xFFFFC000  }
0xb6: {  	[spmem:s2] =	stream.indirect.scatter.add.f32 [tilespmem:s31], [sflag:$0x4], $0x80, s9, s28, $0xb8;
	[tilespmem:$0x1F000] =	vst v63  }
0xb7: {  	s11 =	simm.s32 $0x1;
	_ =	swait.ge [sflag:s1], $0x4000  }
0xb8: {  	s11 =	smin.u32 s11, $0x13;
	[sflag:s1] =	ssyncset.done $0x0  }
0xb9: {  	s10 =	sshll.u32 s11, $0x7;
	[sflag:s1] =	ssyncadd.s32 $0xFFFFC000  }
0xba: {  	[tilespmem:s29], [sflag:$0x1] =	stream.indirect.gather [hbm4b:s21+s28], $0x80, s10, s28, $0xb8;
	[tilespmem:$0x1F000] =	vst v63  }
0xbb: {  	_ =	swait.ge [sflag:s5], $0x4000  }
0xbc: {  	s11 =	sadd.s32 $0xC00, s10;
	s8 =	simm.s32 $0x2;
	[sflag:s5] =	ssyncset.done $0x0  }
0xbd: {  	s9 =	simm.s32 $0x2480;
	s10 =	simm.s32 $0x1880;
	[sflag:s5] =	ssyncadd.s32 $0xFFFFC000  }
.LBB2_3:
0xbe: {  	[tilespmem:s31], [sflag:$0x2] =	stream.indirect.gather [hbm4b:s21+s28], $0x80, s11, s28, $0xb8;
	[tilespmem:$0x1F000] =	vst v63  }
0xbf: {  	s11 =	smov.u32 s8  }
0xc0: {  	p1 =	sne.s32 s8, $0x14;
	s8 =	sadd.s32 $0x1, s8;
	_ =	swait.ge [sflag:s0], $0x4000  }
0xc1: {  	[sflag:s0] =	ssyncset.done $0x0  }
0xc2: {  	[sflag:s0] =	ssyncadd.s32 $0xFFFFC000  }
0xc3: {  	[spmem:s2] =	stream.indirect.scatter.add.f32 [tilespmem:s29], [sflag:$0x3], $0x80, s10, s28, $0xb8;
	[tilespmem:$0x1F000] =	vst v63  }
0xc4: {  	_ =	swait.ge [sflag:s3], $0x4000  }
0xc5: {  	[sflag:s3] =	ssyncset.done $0x0  }
0xc6: {  	[sflag:s3] =	ssyncadd.s32 $0xFFFFC000  }
0xc7: {  	[spmem:s2] =	stream.indirect.scatter.add.f32 [tilespmem:s31], [sflag:$0x4], $0x80, s9, s28, $0xb8;
	[tilespmem:$0x1F000] =	vst v63  }
0xc8: {  	_ =	swait.ge [sflag:s1], $0x4000  }
0xc9: {  	s11 =	smin.u32 s11, $0x13;
	[sflag:s1] =	ssyncset.done $0x0  }
.Ltmp6:
0xca: {  	s11 =	sshll.u32 s11, $0x7;
	[sflag:s1] =	ssyncadd.s32 $0xFFFFC000;
	(pc) =	sbr.rel @p1 .LBB2_3-.Ltmp6, $4  }
0xcb: {  	[tilespmem:s29], [sflag:$0x1] =	stream.indirect.gather [hbm4b:s21+s28], $0x80, s11, s28, $0xb8;
	[tilespmem:$0x1F000] =	vst v63  }
0xcc: {  	_ =	swait.ge [sflag:s5], $0x4000  }
0xcd: {  	s9 =	sadd.s32 $0x80, s9;
	[sflag:s5] =	ssyncset.done $0x0  }
0xce: {  	s10 =	sadd.s32 $0x80, s10;
	s11 =	sadd.s32 $0xC00, s11;
	[sflag:s5] =	ssyncadd.s32 $0xFFFFC000  }
0xcf: {  	[tilespmem:s31], [sflag:$0x2] =	stream.indirect.gather [hbm4b:s21+s28], $0x80, s11, s28, $0xb8;
	[tilespmem:$0x1F000] =	vst v63  }
0xd0: {  	s8 =	simm.s32 $0x1  }
0xd1: {  	_ =	swait.ge [sflag:s8], $0x4000  }
0xd2: {  	[sflag:s8] =	ssyncset.done $0x0  }
0xd3: {  	[sflag:s8] =	ssyncadd.s32 $0xFFFFC000  }
0xd4: {  	_ =	swait.ge [sflag:s3], $0x4000  }
0xd5: {  	[sflag:s3] =	ssyncset.done $0x0  }
0xd6: {  	s9 =	rddreg [dreg:$0x8];
	[sflag:s3] =	ssyncadd.s32 $0xFFFFC000  }
0xd7: {  	[tilespmem:s4], [sflag:$0x5] =	stream.linear.gather [hbm4b:s9+s4], $0xA00, $0x38;
	[tilespmem:$0x1F000] =	vst v63  }
0xd8: {  	_ =	swait.ge [sflag:s26], $0xA00  }
0xd9: {  	[sflag:s26] =	ssyncset.done $0x0  }
0xda: {  	s9 =	simm.s32 $0x1800;
	s10 =	rddreg [dreg:$0x9];
	[sflag:s26] =	ssyncadd.s32 $0xFFFFF600  }
0xdb: {  	[tilespmem:s9], [sflag:$0x5] =	stream.linear.gather [hbm4b:s10+s4], $0xA00, $0x38;
	[tilespmem:$0x1F000] =	vst v63  }
0xdc: {  	_ =	swait.ge [sflag:s26], $0xA00  }
0xdd: {  	[sflag:s26] =	ssyncset.done $0x0  }
0xde: {  	[sflag:s26] =	ssyncadd.s32 $0xFFFFF600  }
0xdf: {  	[tilespmem:s29], [sflag:$0x1] =	stream.indirect.gather [hbm4b:s21+s28], $0x80, s4, s28, $0xb8;
	[tilespmem:$0x1F000] =	vst v63  }
0xe0: {  	s11 =	rddreg [dreg:$0xa]  }
0xe1: {  	[tilespmem:s30], [sflag:$0x5] =	stream.linear.gather [hbm4b:s11+s4], $0xA00, $0x38;
	[tilespmem:$0x1F000] =	vst v63  }
0xe2: {  	_ =	swait.ge [sflag:s26], $0xA00  }
0xe3: {  	[sflag:s26] =	ssyncset.done $0x0  }
0xe4: {  	s11 =	simm.s32 $0x2400;
	[sflag:s26] =	ssyncadd.s32 $0xFFFFF600  }
0xe5: {  	[tilespmem:s11], [sflag:$0x5] =	stream.linear.gather [hbm4b:s12+s4], $0xA00, $0x38;
	[tilespmem:$0x1F000] =	vst v63  }
0xe6: {  	_ =	swait.ge [sflag:s26], $0xA00  }
0xe7: {  	[sflag:s26] =	ssyncset.done $0x0  }
0xe8: {  	[sflag:s26] =	ssyncadd.s32 $0xFFFFF600  }
0xe9: {  	[tilespmem:s31], [sflag:$0x2] =	stream.indirect.gather [hbm4b:s21+s28], $0x80, s30, s28, $0xb8;
	[tilespmem:$0x1F000] =	vst v63  }
0xea: {  	_ =	swait.ge [sflag:s0], $0x4000  }
0xeb: {  	[sflag:s0] =	ssyncset.done $0x0  }
0xec: {  	[sflag:s0] =	ssyncadd.s32 $0xFFFFC000  }
0xed: {  	[spmem:s2] =	stream.indirect.scatter.add.f32 [tilespmem:s29], [sflag:$0x3], $0x80, s9, s28, $0xb8;
	[tilespmem:$0x1F000] =	vst v63  }
0xee: {  	_ =	swait.ge [sflag:s3], $0x4000  }
0xef: {  	[sflag:s3] =	ssyncset.done $0x0  }
0xf0: {  	[sflag:s3] =	ssyncadd.s32 $0xFFFFC000  }
0xf1: {  	[spmem:s2] =	stream.indirect.scatter.add.f32 [tilespmem:s31], [sflag:$0x4], $0x80, s11, s28, $0xb8;
	[tilespmem:$0x1F000] =	vst v63  }
0xf2: {  	_ =	swait.ge [sflag:s1], $0x4000  }
0xf3: {  	s8 =	smin.u32 s8, $0x13;
	[sflag:s1] =	ssyncset.done $0x0  }
0xf4: {  	s11 =	sshll.u32 s8, $0x7;
	[sflag:s1] =	ssyncadd.s32 $0xFFFFC000  }
0xf5: {  	[tilespmem:s29], [sflag:$0x1] =	stream.indirect.gather [hbm4b:s21+s28], $0x80, s11, s28, $0xb8;
	[tilespmem:$0x1F000] =	vst v63  }
0xf6: {  	_ =	swait.ge [sflag:s5], $0x4000  }
0xf7: {  	s10 =	simm.s32 $0x2480;
	s9 =	simm.s32 $0x1880;
	[sflag:s5] =	ssyncset.done $0x0  }
0xf8: {  	s8 =	simm.s32 $0x2;
	s11 =	sadd.s32 $0xC00, s11;
	[sflag:s5] =	ssyncadd.s32 $0xFFFFC000  }
.LBB2_5:
0xf9: {  	[tilespmem:s31], [sflag:$0x2] =	stream.indirect.gather [hbm4b:s21+s28], $0x80, s11, s28, $0xb8;
	[tilespmem:$0x1F000] =	vst v63  }
0xfa: {  	s11 =	smov.u32 s8  }
0xfb: {  	p1 =	seq.s32 s8, $0x14;
	s8 =	sadd.s32 $0x1, s8;
	_ =	swait.ge [sflag:s0], $0x4000  }
0xfc: {  	[sflag:s0] =	ssyncset.done $0x0  }
0xfd: {  	[sflag:s0] =	ssyncadd.s32 $0xFFFFC000  }
0xfe: {  	[spmem:s2] =	stream.indirect.scatter.add.f32 [tilespmem:s29], [sflag:$0x3], $0x80, s9, s28, $0xb8;
	[tilespmem:$0x1F000] =	vst v63  }
0xff: {  	_ =	swait.ge [sflag:s3], $0x4000  }
0x100: {  	[sflag:s3] =	ssyncset.done $0x0  }
0x101: {  	[sflag:s3] =	ssyncadd.s32 $0xFFFFC000  }
0x102: {  	[spmem:s2] =	stream.indirect.scatter.add.f32 [tilespmem:s31], [sflag:$0x4], $0x80, s10, s28, $0xb8;
	[tilespmem:$0x1F000] =	vst v63  }
0x103: {  	_ =	swait.ge [sflag:s1], $0x4000  }
0x104: {  	s11 =	smin.u32 s11, $0x13;
	[sflag:s1] =	ssyncset.done $0x0  }
.Ltmp7:
0x105: {  	s11 =	sshll.u32 s11, $0x7;
	[sflag:s1] =	ssyncadd.s32 $0xFFFFC000;
	(pc) =	sbr.rel @!p1 .LBB2_5-.Ltmp7, $4  }
0x106: {  	[tilespmem:s29], [sflag:$0x1] =	stream.indirect.gather [hbm4b:s21+s28], $0x80, s11, s28, $0xb8;
	[tilespmem:$0x1F000] =	vst v63  }
0x107: {  	_ =	swait.ge [sflag:s5], $0x4000  }
0x108: {  	s9 =	sadd.s32 $0x80, s9;
	[sflag:s5] =	ssyncset.done $0x0  }
0x109: {  	s10 =	sadd.s32 $0x80, s10;
	s11 =	sadd.s32 $0xC00, s11;
	[sflag:s5] =	ssyncadd.s32 $0xFFFFC000  }
.Ltmp8:
0x10a: {  	(pc) =	sbr.rel .LBB2_12-.Ltmp8, $2  }
0x10b: {  	_ =	sdelay $0x2  }
0x10c: {  	[tilespmem:s31], [sflag:$0x2] =	stream.indirect.gather [hbm4b:s21+s28], $0x80, s11, s28, $0xb8;
	[tilespmem:$0x1F000] =	vst v63  }
.LBB2_13:
0x10d: {  	_ =	sfence.sel $0x180000  }
0x10e: {  	[bflag:$0x0] =	sbarrier.arrive $0xFFFF  }
0x10f: {  	_ =	strace $0x9000004D  }
0x110: {  	s0 =	stileid.u32;
	[bflag:$0x2] =	sbarrier.arrive $0xFFFF  }
0x111: {  	p0 =	sne.s32 s0, $0x0;
	s0 =	rddreg [dreg:$0x3]  }
0x112: {  	s0 =	sadd.s32 @!p0 $0x100000, s0  }
0x113: {  	[sflag:s0] =	ssyncadd.tile.s32 @!p0 $0x1;
	_ =	shalt  }
.Lfunc_end2:
_tile_overlayer_lowered:
.L_overlay_start_2:
0x114: {  	(tag) =	ssettag $0x2  }
0x115: {  	s0 =	rddreg [dreg:$0x0];
	s2 =	stileid.u32  }
0x116: {  	s1 =	rddreg [dreg:$0x1];
	p0 =	sne.s32 s2, $0x0  }
0x117: {  	s3 =	rddreg [dreg:$0x2];
	[bflag:$0x3] =	sbarrier.arrive $0xFFFF;
	s2 =	simm.s32 @!p0 $0x1C05  }
0x118: {  	[timem:s3], [sflag:s2] =	dma.local @!p0 [hbm:s0], s1  }
0x119: {  	s0 =	simm.s32 @!p0 $0x5  }
0x11a: {  	_ =	swait.ge @!p0 [sflag:s0], s1  }
0x11b: {  	s1 =	ssub.s32 @!p0 $0x0, s1;
	[sflag:s0] =	ssyncset.done @!p0 $0x0  }
0x11c: {  	[sflag:s0] =	ssyncadd.s32 @!p0 s1  }
0x11d: {  	[bflag:$0x3] =	sbarrier.arrive $0xFFFF  }
0x11e: {  	_ =	shalt  }

// kernel: kernel.8.cloned.1.call-start
scs
__scs_entry_jumppad:
0x0: {  	(pc) =	sbr.rel $0x88, $3  }
0x1: {  	(tag) =	ssettag $0x0;
	lr =	simm.s32 $0x1  }
0x2: {  	[smem:$0x3F99] =	sst lr;
	_ =	strace $0xD0000000  }
0x3: {  	_ = 	snop  }
0x4: {  	_ = 	snop  }
0x5: {  	_ = 	snop  }
0x6: {  	_ = 	snop  }
0x7: {  	_ = 	snop  }
__scs_overlays_trampoline_lowered:
0x8: {  	[smem:$0x3FA8] =	sst s0  }
0x9: {  	[smem:$0x3FA9] =	sst s1  }
0xa: {  	[smem:$0x3FAA] =	sst s2  }
0xb: {  	[smem:$0x3FAB] =	sst s3  }
0xc: {  	[smem:$0x3FAC] =	sst s4  }
0xd: {  	[smem:$0x3FAD] =	sst s5  }
0xe: {  	[smem:$0x3FAE] =	sst s6  }
0xf: {  	[smem:$0x3FAF] =	sst s7  }
0x10: {  	[smem:$0x3FB0] =	sst s8  }
0x11: {  	[smem:$0x3FB1] =	sst s9;
	s0 =	simm.s32 @!p0 $0x0  }
0x12: {  	s1 =	sld [smem:$0x3F97];
	s0 =	simm.s32 @p0 $0x1  }
0x13: {  	[smem:$0x3FB2] =	sst s0;
	s0 =	simm.s32 @!p1 $0x0  }
0x14: {  	s2 =	sld [smem:$0x3F96];
	s0 =	simm.s32 @p1 $0x1  }
0x15: {  	[smem:$0x3FB3] =	sst s0;
	s0 =	simm.s32 @!p2 $0x0  }
0x16: {  	s3 =	sld [smem:$0x3FDB];
	s0 =	simm.s32 @p2 $0x1  }
0x17: {  	s4 =	simm.s32 $0x1BF5;
	[smem:$0x3FB5] =	sst s0  }
0x18: {  	s0 =	sld [smem:$0x3F98];
	_ =	swait.ge [sflag:s4], $0x0  }
0x19: {  	s7 =	sld [smem:$0x3F99]  }
0x1a: {  	s8 =	sadd.s32 $0xFFFFE003, lr  }
0x1b: {  	s9 =	sadd.s32 $0xFFFFFEF7, lr;
	s5 =	simm.s32 $0xFFFFFFFF;
	p2 =	slt.u32 s8, $0xFFFFF086  }
0x1c: {  	p1 =	slt.u32 s9, $0xF7A;
	s5 =	simm.s32 @!p2 $0x0  }
0x1d: {  	s5 =	simm.s32 @p1 $0x1;
	p0 =	seq.s32 s7, s2  }
0x1e: {  	s7 =	smul.u32 @!p0 $0xF7A, s2;
	p2 =	seq.s32 @!p0 s5, $0x0  }
0x1f: {  	s9 =	smul.u32 $0xF7A, s1;
	s8 =	simm.s32 @!p0 $0x1BF5;
	p2 =	por !p2, p0  }
0x20: {  	[sflag:s8] =	ssyncset.s32 @!p0 $0xFFFFF086;
	s6 =	sadd.s32 @!p0 s3, s7;
	s7 =	simm.s32 @!p0 $0x108  }
0x21: {  	s3 =	sadd.s32 s3, s9;
	s6 =	sadd.s32 @!p0 $0x88, s6;
	s7 =	simm.s32 @p2 $0x1082  }
0x22: {  	[simem:s7], [sflag:s8] =	dma.local @!p0 [hbm:s6], $0xF7A  }
0x23: {  	s9 =	sor.u32 $0xD0000000, s2;
	s6 =	simm.s32 $0x108;
	_ =	swait.ge @!p0 [sflag:s8], $0x0  }
0x24: {  	s3 =	sadd.s32 $0x88, s3;
	s6 =	simm.s32 @!p1 $0x1082;
	[sflag:s4] =	ssyncset.s32 $0xFFFFF086  }
0x25: {  	[simem:s6], [sflag:s4] =	dma.local [hbm:s3], $0xF7A  }
0x26: {  	[smem:$0x3F99] =	sst s1;
	(tag) =	ssettag s2;
	_ =	strace s9  }
0x27: {  	s1 =	sld [smem:$0x3FA9]  }
0x28: {  	s2 =	sld [smem:$0x3FAA]  }
0x29: {  	s4 =	sld [smem:$0x3FAC]  }
0x2a: {  	p0 =	seq.s32 s5, $0x0;
	s5 =	sld [smem:$0x3FAD]  }
0x2b: {  	s6 =	sld [smem:$0x3FAE]  }
0x2c: {  	s7 =	sld [smem:$0x3FAF]  }
0x2d: {  	s3 =	simm.s32 $0x108;
	s8 =	sld [smem:$0x3FB0]  }
0x2e: {  	s3 =	simm.s32 @!p0 $0x1082;
	s9 =	sld [smem:$0x3FB1]  }
0x2f: {  	lr =	sadd.s32 s0, s3;
	s0 =	sld [smem:$0x3FA8]  }
0x30: {  	s3 =	sld [smem:$0x3FAB]  }
0x31: {  	[smem:$0x3FB4] =	sst s10  }
0x32: {  	s10 =	sld [smem:$0x3FB2];
	_ =	sdelay $0x3  }
0x33: {  	p0 =	seq.s32 s10, $0x1;
	s10 =	sld [smem:$0x3FB4];
	_ =	sdelay $0x3  }
0x34: {  	[smem:$0x3FB4] =	sst s10  }
0x35: {  	s10 =	sld [smem:$0x3FB3];
	_ =	sdelay $0x3  }
0x36: {  	p1 =	seq.s32 s10, $0x1;
	s10 =	sld [smem:$0x3FB4];
	_ =	sdelay $0x3  }
0x37: {  	[smem:$0x3FB4] =	sst s10  }
0x38: {  	s10 =	sld [smem:$0x3FB5]  }
0x39: {  	_ = 	snop;
	(pc) =	sbr.ind lr, $3  }
0x3a: {  	_ = 	snop  }
0x3b: {  	_ = 	snop  }
0x3c: {  	p2 =	seq.s32 s10, $0x1;
	s10 =	sld [smem:$0x3FB4]  }
0x3d: {  	_ =	shalt  }
0x3e: {  	_ =	shalt  }
0x3f: {  	_ =	shalt  }
0x40: {  	_ =	shalt  }
0x41: {  	_ =	shalt  }
0x42: {  	_ =	shalt  }
0x43: {  	_ =	shalt  }
0x44: {  	_ =	shalt  }
0x45: {  	_ =	shalt  }
0x46: {  	_ =	shalt  }
0x47: {  	_ =	shalt  }
0x48: {  	_ =	shalt  }
0x49: {  	_ =	shalt  }
0x4a: {  	_ =	shalt  }
0x4b: {  	_ =	shalt  }
0x4c: {  	_ =	shalt  }
0x4d: {  	_ =	shalt  }
0x4e: {  	_ =	shalt  }
0x4f: {  	_ =	shalt  }
0x50: {  	_ =	shalt  }
0x51: {  	_ =	shalt  }
0x52: {  	_ =	shalt  }
0x53: {  	_ =	shalt  }
0x54: {  	_ =	shalt  }
0x55: {  	_ =	shalt  }
0x56: {  	_ =	shalt  }
0x57: {  	_ =	shalt  }
0x58: {  	_ =	shalt  }
0x59: {  	_ =	shalt  }
0x5a: {  	_ =	shalt  }
0x5b: {  	_ =	shalt  }
0x5c: {  	_ =	shalt  }
0x5d: {  	_ =	shalt  }
0x5e: {  	_ =	shalt  }
0x5f: {  	_ =	shalt  }
0x60: {  	_ =	shalt  }
0x61: {  	_ =	shalt  }
0x62: {  	_ =	shalt  }
0x63: {  	_ =	shalt  }
0x64: {  	_ =	shalt  }
0x65: {  	_ =	shalt  }
0x66: {  	_ =	shalt  }
0x67: {  	_ =	shalt  }
0x68: {  	_ =	shalt  }
0x69: {  	_ =	shalt  }
0x6a: {  	_ =	shalt  }
0x6b: {  	_ =	shalt  }
0x6c: {  	_ =	shalt  }
0x6d: {  	_ =	shalt  }
0x6e: {  	_ =	shalt  }
0x6f: {  	_ =	shalt  }
0x70: {  	_ =	shalt  }
0x71: {  	_ =	shalt  }
0x72: {  	_ =	shalt  }
0x73: {  	_ =	shalt  }
0x74: {  	_ =	shalt  }
0x75: {  	_ =	shalt  }
0x76: {  	_ =	shalt  }
0x77: {  	_ =	shalt  }
0x78: {  	_ =	shalt  }
0x79: {  	_ =	shalt  }
0x7a: {  	_ =	shalt  }
0x7b: {  	_ =	shalt  }
0x7c: {  	_ =	shalt  }
0x7d: {  	_ =	shalt  }
0x7e: {  	_ =	shalt  }
0x7f: {  	_ =	shalt  }
0x80: {  	_ =	shalt  }
0x81: {  	_ =	shalt  }
0x82: {  	_ =	shalt  }
0x83: {  	_ =	shalt  }
0x84: {  	_ =	shalt  }
0x85: {  	_ =	shalt  }
0x86: {  	_ =	shalt  }
0x87: {  	_ =	shalt  }
.Lfunc_end0:
.L_simem_size_0:
called_computation_lowered:
.L_overlay_start_0:
0x88: {  	s2 =	sld [smem:$0x3FD9]  }
0x89: {  	s3 =	sld [smem:$0x3FFE];
	_ =	sdelay $0x1  }
0x8a: {  	s1 =	srdreg.scid  }
0x8b: {  	s0 =	sand.u32 $0x1, s1  }
0x8c: {  	s17 =	sshll.u32 s0, $0xA;
	s2 =	sadd.s32 s3, s2  }
0x8d: {  	s2 =	sadd.s32 s2, s17  }
0x8e: {  	[smem:$0x3FC0] =	sst s2  }
0x8f: {  	_ = 	snop  }
0x90: {  	s2 =	sld [smem:$0x3FD0];
	(tm) =	ssettm $0x1  }
0x91: {  	s18 =	sld [smem:$0x3FFB];
	_ =	sdelay $0x3  }
0x92: {  	_ =	strace s18  }
0x93: {  	s3 =	sld [smem:$0x3FFC];
	_ =	sdelay $0x3  }
0x94: {  	_ =	strace s3  }
0x95: {  	s3 =	sld [smem:$0x3FFD];
	_ =	sdelay $0x3  }
0x96: {  	_ =	strace s3  }
0x97: {  	_ =	strace $0x8FFFFFFF  }
0x98: {  	s19 =	sld [smem:$0x3FDB];
	_ =	sdelay $0x1  }
0x99: {  	s4 =	simm.s32 $_scs_section_size  }
0x9a: {  	s5 =	simm.s32 $_size__tile_overlayer_lowered;
	s6 =	simm.s32 $_tile_overlayer_lowered  }
0x9b: {  	s22 =	simm.s32 $0x1BFF;
	s21 =	sshll.u32 s6, $0x1;
	s3 =	sadd.s32 s4, s19  }
0x9c: {  	s7 =	simm.s32 $0x0;
	s20 =	sshll.u32 s5, $0x1;
	s5 =	sadd.s32 s21, s3  }
0x9d: {  	[timem:s7], [sflag:s22] =	dma.local [hbm:s5], s20  }
0x9e: {  	_ =	swait.ge [sflag:s22], s20  }
0x9f: {  	s4 =	ssub.s32 $0x0, s20;
	[sflag:s22] =	ssyncset.done $0x0  }
0xa0: {  	[sflag:s22] =	ssyncadd.s32 s4;
	_ =	sdelay $0x1  }
0xa1: {  	s23 =	simm.s32 $0x1B8B  }
0xa2: {  	_ =	swait.ge [sflag:s23], $0x1  }
0xa3: {  	[sflag:s23] =	ssyncset.done $0x0  }
0xa4: {  	s25 =	simm.s32 $0x1B8E;
	s24 =	sld [smem:$0x3FFE];
	[sflag:s23] =	ssyncadd.s32 $0xFFFFFFFF  }
0xa5: {  	s26 =	simm.s32 $execute0_lowered;
	[smem:$0x3FD2] =	sst s25  }
0xa6: {  	s5 =	sshll.u32 s26, $0x1;
	_ =	strace $0x80000046;
	[dreg:$0x1] =	wrdreg $0xFFFFFFFF  }
0xa7: {  	s28 =	simm.s32 $_size_execute0_lowered;
	s3 =	sadd.s32 s3, s5;
	[dreg:$0x0] =	wrdreg $0x0  }
0xa8: {  	s5 =	sshll.u32 s28, $0x1;
	[dreg:$0x2] =	wrdreg s3  }
0xa9: {  	[dreg:$0x3] =	wrdreg s5  }
0xaa: {  	[dreg:$0x4] =	wrdreg $0xC0  }
0xab: {  	_ =	task [dreg:s7], $0x5FFFF  }
0xac: {  	[dreg:$0x1] =	wrdreg $0xFFFFFFFF  }
0xad: {  	[dreg:$0x0] =	wrdreg $0x60  }
0xae: {  	[dreg:$0x2] =	wrdreg s24  }
0xaf: {  	[dreg:$0x3] =	wrdreg s2  }
0xb0: {  	[dreg:$0x4] =	wrdreg $0x2B000  }
0xb1: {  	[dreg:$0x5] =	wrdreg $0x9  }
0xb2: {  	_ =	task.clear_ibuf [dreg:s7], $0x6FFFF;
	_ =	strace $0x90000046  }
0xb3: {  	s29 =	simm.s32 $0x9;
	_ =	strace $0x80000048  }
0xb4: {  	_ =	swait.ge [sflag:s29], $0x1  }
0xb5: {  	[sflag:s29] =	ssyncadd.s32 $0xFFFFFFFF  }
0xb6: {  	_ =	strace $0x90000048  }
0xb7: {  	_ =	sfence  }
0xb8: {  	s30 =	sld [smem:$0x0];
	_ =	sdelay $0x2  }
0xb9: {  	s31 =	sshll.u32 s1, $0xD;
	s1 =	sshrl.u32 s1, $0x2  }
0xba: {  	s3 =	sand.u32 $0x4000, s31;
	s1 =	sadd.s32 s1, s30  }
0xbb: {  	s0 =	sor.u32 s3, s0;
	s1 =	sshll.u32 s1, $0x11  }
0xbc: {  	s0 =	sor.u32 s1, s0  }
0xbd: {  	s0 =	sadd.s32 $0x8F2B, s0  }
0xbe: {  	[sflag:s0] =	ssyncadd.remote.s32 $0x1  }
0xbf: {  	_ =	sfence.sel $0xFFFF  }
0xc0: {  	[dreg:$0x0] =	wrdreg $0xFFFFFFFF;
	(pc) =	sbr.abs _section_cstart, $3  }
0xc1: {  	[dreg:$0x1] =	wrdreg $0xFFFFFFFF  }
0xc2: {  	_ =	task.clear_ibuf [dreg:s7], $0x2FFFF;
	_ =	strace $0x9FFFFFFF  }
0xc3: {  	(tm) =	ssettm $0x7FFFFFFF  }
tec
execute0_lowered:
.L_overlay_start_1:
0x0: {  	(tag) =	ssettag $0x1  }
0x1: {  	s5 =	rddreg [dreg:$0x0]  }
0x2: {  	s1 =	srdreg.scid;
	s8 =	rddreg [dreg:$0x1]  }
0x3: {  	s0 =	stileid.u32;
	s2 =	rddreg [dreg:$0x2];
	s3 =	simm.s32 $0x0  }
0x4: {  	s13 =	simm.s32 $0x80;
	s16 =	simm.s32 $0x20;
	s17 =	simm.s32 $0x10  }
0x5: {  	s18 =	simm.s32 $0x0;
	s6 =	sand.u32 $0x1, s1;
	s1 =	rddreg [dreg:$0x3]  }
0x6: {  	s30 =	sshll.u32 s0, $0x1;
	[smem:$0x7FF] =	sst s3;
	s9 =	smul.u32 $0xA00, s0  }
0x7: {  	s11 =	smul.u32 $0x500, s0;
	s14 =	sshll.u32 s0, $0x6;
	s4 =	sor.u32 s6, s30  }
0x8: {  	_ =	strace $0x80000047;
	s10 =	ssub.s32 $0x2, s6;
	s6 =	sshll.u32 s6, $0x7  }
0x9: {  	s14 =	sor.u32 $0x1C01, s14;
	s4 =	smul.u32 $0x500, s4;
	s12 =	sshrl.u32 s10, $0x1  }
0xa: {  	s9 =	sshrl.u32 s9, $0x2;
	s11 =	sor.u32 s6, s11;
	s10 =	ssub.s32 s10, s12  }
0xb: {  	s6 =	sadd.s32 s9, s2;
	s31 =	sshrl.u32 s11, $0x3;
	s11 =	simm.s32 $0x1  }
0xc: {  	s12 =	simm.s32 $0x2880;
	s7 =	sadd.s32 s4, s5;
	s4 =	sadd.s32 $0xDE00, s5  }
0xd: {  	s5 =	sadd.s32 $0xDC00, s5;
	s8 =	sadd.s32 s8, s31;
	s9 =	smax.u32 s10, $0x1  }
0xe: {  	s10 =	simm.s32 $0x2800;
	s15 =	sshrl.u32 s6, $0x3;
	s7 =	sadd.s32 $0x3C00, s7  }
.LBB2_1:
0xf: {  	[tilespmem:s10], [sflag:$0x1] =	stream.linear.gather [hbm4b:s4+s3], $0x80, $0x38;
	[tilespmem:$0x2D80] =	vst v63  }
0x10: {  	_ =	swait.ge [sflag:s11], $0x80  }
0x11: {  	[sflag:s11] =	ssyncset.done $0x0  }
0x12: {  	[sflag:s11] =	ssyncadd.s32 $0xFFFFFF80  }
0x13: {  	[tilespmem:s12], [sflag:$0x1] =	stream.linear.gather [hbm4b:s5+s3], $0x280, $0x38;
	[tilespmem:$0x2D80] =	vst v63  }
0x14: {  	_ =	swait.ge [sflag:s11], $0x280  }
0x15: {  	[sflag:s11] =	ssyncset.done $0x0  }
0x16: {  	[sflag:s11] =	ssyncadd.s32 $0xFFFFFD80  }
0x17: {  	[spmem:s6] =	stream.linear.scatter [tilespmem:s12], [sflag:$0x1], $0x280, $0x38;
	[tilespmem:$0x2D80] =	vst v63  }
0x18: {  	_ =	swait.ge [sflag:s11], $0x280  }
0x19: {  	[sflag:s11] =	ssyncset.done $0x0  }
0x1a: {  	[sflag:s11] =	ssyncadd.s32 $0xFFFFFD80  }
0x1b: {  	[tilespmem:s3], [sflag:$0x1] =	stream.linear.gather [hbm4b:s7+s3], $0x2800, $0x38;
	[tilespmem:$0x2D80] =	vst v63  }
0x1c: {  	_ =	swait.ge [sflag:s11], $0x2800  }
0x1d: {  	[sflag:s11] =	ssyncset.done $0x0  }
0x1e: {  	[sflag:s11] =	ssyncadd.s32 $0xFFFFD800  }
0x1f: {  	s19 =	simm.s32 $0x0;
	[bflag:$0x0] =	sbarrier.arrive $0xFFFF  }
0x20: {  	[spmem:s2] =	stream.indirect.scatter.add.f32 [tilespmem:s10], [sflag:$0x1], $0x1, s19, s13, $0xb8;
	[tilespmem:$0x2D80] =	vst v63  }
0x21: {  	_ =	swait.ge [sflag:s11], $0x80  }
0x22: {  	s19 =	simm.s32 $0x200;
	[sflag:s11] =	ssyncset.done $0x0  }
.LBB2_2:
0x23: {  	s20 =	sshra.s32 s19, $0x2;
	[sflag:s11] =	ssyncadd.s32 $0xFFFFFF80;
	p0 =	sne.s32 s19, $0x9E00  }
0x24: {  	[spmem:s2] =	stream.indirect.scatter.add.f32 [tilespmem:s10], [sflag:$0x1], $0x1, s20, s13, $0xb8;
	[tilespmem:$0x2D80] =	vst v63  }
.Ltmp0:
0x25: {  	_ = 	snop;
	(pc) =	sbr.rel @p0 .LBB2_2-.Ltmp0, $4  }
0x26: {  	_ = 	snop  }
0x27: {  	s19 =	sadd.s32 $0x200, s19  }
0x28: {  	_ =	swait.ge [sflag:s11], $0x80  }
0x29: {  	[sflag:s11] =	ssyncset.done $0x0  }
0x2a: {  	s18 =	sadd.s32 $0x1, s18  }
0x2b: {  	[sflag:s11] =	ssyncadd.s32 $0xFFFFFF80;
	p0 =	sne.s32 s18, s9  }
.Ltmp1:
0x2c: {  	[bflag:$0x0] =	sbarrier.arrive $0xFFFF;
	(pc) =	sbr.rel @p0 .LBB2_1-.Ltmp1, $4  }
0x2d: {  	[hbm:s8@s16], [sflag:s14] =	dma.strided [spmem:s15@s17], $0x50, s11, $0x10   }
0x2e: {  	_ =	swait.ge [sflag:s11], $0x50  }
0x2f: {  	[sflag:s11] =	ssyncset.done $0x0  }
0x30: {  	[sflag:s11] =	ssyncadd.s32 $0xFFFFFFB0  }
0x31: {  	_ =	sfence.sel $0x180000  }
0x32: {  	[bflag:$0x0] =	sbarrier.arrive $0xFFFF  }
0x33: {  	p0 =	sne.s32 s0, $0x0;
	_ =	strace $0x90000047  }
0x34: {  	s0 =	sadd.s32 @!p0 $0x100000, s1;
	[bflag:$0x2] =	sbarrier.arrive $0xFFFF  }
0x35: {  	[sflag:s0] =	ssyncadd.tile.s32 @!p0 $0x1;
	_ =	shalt  }
.Lfunc_end2:
_tile_overlayer_lowered:
.L_overlay_start_2:
0x36: {  	(tag) =	ssettag $0x2  }
0x37: {  	s0 =	rddreg [dreg:$0x0];
	s2 =	stileid.u32  }
0x38: {  	s1 =	rddreg [dreg:$0x1];
	p0 =	sne.s32 s2, $0x0  }
0x39: {  	s3 =	rddreg [dreg:$0x2];
	[bflag:$0x3] =	sbarrier.arrive $0xFFFF;
	s2 =	simm.s32 @!p0 $0x1C01  }
0x3a: {  	[timem:s3], [sflag:s2] =	dma.local @!p0 [hbm:s0], s1  }
0x3b: {  	s0 =	simm.s32 @!p0 $0x1  }
0x3c: {  	_ =	swait.ge @!p0 [sflag:s0], s1  }
0x3d: {  	s1 =	ssub.s32 @!p0 $0x0, s1;
	[sflag:s0] =	ssyncset.done @!p0 $0x0  }
0x3e: {  	[sflag:s0] =	ssyncadd.s32 @!p0 s1  }
0x3f: {  	[bflag:$0x3] =	sbarrier.arrive $0xFFFF  }
0x40: {  	_ =	shalt  }

</sc_bundles>
